<compile_context>
chip_gen: v7x
topology: tpu7x:2x2x1
jax: 0.10.2.dev20260603
libtpu: 0.0.44.dev20260713+nightly
codegen_flags: <defaults>
</compile_context>

<pallas_src>
import functools

import jax
import jax.numpy as jnp
from jax import lax
from jax.experimental import pallas as pl
from jax.experimental.pallas import tpu as pltpu
from jax.experimental.pallas import tpu_sc as plsc

N = 10000
D = 128
E = 320000

NC = 2
NS = 16
NW = NC * NS
CH = 128
CPT = 80
EP = NW * CPT * CH
NPAD = 512
NACC = N + NPAD
RPT = 624
LASTX = N - NS * RPT
ZR = 16


def _sc_mesh():
    return plsc.VectorSubcoreMesh(core_axis_name="c", subcore_axis_name="s")


def _zero_acc(zb, acc, rbase, s):
    def zcp(i, carry):
        pltpu.sync_copy(zb, acc.at[pl.ds(rbase + i * ZR, ZR)])
        return carry
    lax.fori_loop(0, RPT // ZR, zcp, 0)

    @pl.when(s == NS - 1)
    def _():
        pltpu.sync_copy(zb, acc.at[pl.ds(rbase + RPT, LASTX)])


def _drain_acc(acc, out_hbm, c, rbase, s):
    pltpu.sync_copy(acc.at[pl.ds(rbase, RPT)],
                    out_hbm.at[c, pl.ds(rbase, RPT)])

    @pl.when(s == NS - 1)
    def _():
        pltpu.sync_copy(acc.at[pl.ds(rbase + RPT, LASTX)],
                        out_hbm.at[c, pl.ds(rbase + RPT, LASTX)])


def _sc_degree(dst2d, ones_hbm, zd_hbm):
    @functools.partial(
        pl.kernel,
        out_type=jax.ShapeDtypeStruct((NC, N, D), jnp.float32),
        mesh=_sc_mesh(),
        scratch_types=[
            [pltpu.VMEM((CH,), jnp.int32) for _ in range(4)],
            pltpu.VMEM((CH, D), jnp.float32),
            pltpu.VMEM((ZR, D), jnp.float32),
            pltpu.VMEM_SHARED((NACC, D), jnp.float32),
            [pltpu.SemaphoreType.DMA for _ in range(4)],
        ],
    )
    def deg_kernel(dst_hbm, ones_in, zd_in, out_hbm, di, ones, zb, acc,
                   isem):
        c = lax.axis_index("c")
        s = lax.axis_index("s")
        wid = c * NS + s
        rbase = s * RPT

        def load_idx(j, q):
            pltpu.async_copy(dst_hbm.at[wid * CPT + j], di[q], isem[q])

        def wait_idx(j, q):
            pltpu.make_async_copy(dst_hbm.at[wid * CPT + j], di[q],
                                  isem[q]).wait()

        for q in range(4):
            load_idx(q, q)
        pltpu.sync_copy(ones_in, ones)
        pltpu.sync_copy(zd_in, zb)
        _zero_acc(zb, acc, rbase, s)
        plsc.subcore_barrier()

        def handle(j, q):
            wait_idx(j, q)
            pltpu.sync_copy(ones, acc.at[di[q]], add=True)

            @pl.when(j + 4 < CPT)
            def _():
                load_idx(j + 4, q)

        def body(p, carry):
            j = 4 * p
            for k in range(4):
                handle(j + k, k)
            return carry
        lax.fori_loop(0, CPT // 4, body, 0)
        plsc.subcore_barrier()

        _drain_acc(acc, out_hbm, c, rbase, s)

    return deg_kernel(dst2d, ones_hbm, zd_hbm)


def _sc_scatter(mp, src2d, dst2d, zd_hbm):
    @functools.partial(
        pl.kernel,
        out_type=jax.ShapeDtypeStruct((NC, N, D), jnp.float32),
        mesh=_sc_mesh(),
        scratch_types=[
            [pltpu.VMEM((CH,), jnp.int32) for _ in range(4)],
            [pltpu.VMEM((CH,), jnp.int32) for _ in range(4)],
            pltpu.VMEM((CH, D), jnp.float32),
            pltpu.VMEM((CH, D), jnp.float32),
            pltpu.VMEM((ZR, D), jnp.float32),
            pltpu.VMEM_SHARED((NACC, D), jnp.float32),
            pltpu.SemaphoreType.DMA,
            pltpu.SemaphoreType.DMA,
            [pltpu.SemaphoreType.DMA for _ in range(4)],
        ],
    )
    def scat_kernel(mp_hbm, src_hbm, dst_hbm, zd_in, out_hbm,
                    si, di, r0, r1, zb, acc, gs0, gs1, isem):
        c = lax.axis_index("c")
        s = lax.axis_index("s")
        wid = c * NS + s
        rbase = s * RPT

        def load_idx(j, q):
            pltpu.async_copy(src_hbm.at[wid * CPT + j], si[q], isem[q])
            pltpu.async_copy(dst_hbm.at[wid * CPT + j], di[q], isem[q])

        def wait_idx(j, q):
            pltpu.make_async_copy(src_hbm.at[wid * CPT + j], si[q],
                                  isem[q]).wait()
            pltpu.make_async_copy(dst_hbm.at[wid * CPT + j], di[q],
                                  isem[q]).wait()

        def gather(rb, q, gs):
            pltpu.async_copy(mp_hbm.at[si[q]], rb, gs)

        for q in range(4):
            load_idx(q, q)
        pltpu.sync_copy(zd_in, zb)
        _zero_acc(zb, acc, rbase, s)
        plsc.subcore_barrier()

        wait_idx(0, 0)
        gather(r0, 0, gs0)
        wait_idx(1, 1)
        gather(r1, 1, gs1)

        def handle(j, q, rb, gs):
            pltpu.make_async_copy(mp_hbm.at[si[q]], rb, gs).wait()
            pltpu.sync_copy(rb, acc.at[di[q]], add=True)

            @pl.when(j + 4 < CPT)
            def _():
                load_idx(j + 4, q)

            @pl.when(j + 2 < CPT)
            def _():
                wait_idx(j + 2, (q + 2) % 4)
                gather(rb, (q + 2) % 4, gs)

        def body(p, carry):
            j = 4 * p
            handle(j, 0, r0, gs0)
            handle(j + 1, 1, r1, gs1)
            handle(j + 2, 2, r0, gs0)
            handle(j + 3, 3, r1, gs1)
            return carry
        lax.fori_loop(0, CPT // 4, body, 0)
        plsc.subcore_barrier()

        _drain_acc(acc, out_hbm, c, rbase, s)

    return scat_kernel(mp, src2d, dst2d, zd_hbm)


def _dinv_from(degp_ref):
    deg = degp_ref[0, :, 0] + degp_ref[1, :, 0] + 1.0
    return lax.rsqrt(deg)


def _tc_first(x, gamma, beta, W1, degp):
    def body(x_ref, g_ref, b_ref, w_ref, degp_ref, out_ref):
        xv = x_ref[...]
        mean = jnp.mean(xv, axis=0, keepdims=True)
        var = jnp.mean((xv - mean) ** 2, axis=0, keepdims=True)
        h = (xv - mean) / jnp.sqrt(var + 1e-5) * g_ref[...] + b_ref[...]
        dinv = _dinv_from(degp_ref)
        xw = jnp.dot(h, w_ref[...], preferred_element_type=jnp.float32)
        out_ref[...] = xw * dinv[:, None]

    return pl.pallas_call(
        body,
        out_shape=jax.ShapeDtypeStruct((N, D), jnp.float32),
    )(x, gamma.reshape(1, D), beta.reshape(1, D), W1, degp)


def _tc_mid(acc, mp, degp, b, W2):
    def body(acc_ref, mp_ref, degp_ref, b_ref, w_ref, out_ref):
        dinv = _dinv_from(degp_ref)
        tot = acc_ref[0] + acc_ref[1] + mp_ref[...]
        h = jnp.maximum(tot * dinv[:, None] + b_ref[...], 0.0)
        xw = jnp.dot(h, w_ref[...], preferred_element_type=jnp.float32)
        out_ref[...] = xw * dinv[:, None]

    return pl.pallas_call(
        body,
        out_shape=jax.ShapeDtypeStruct((N, D), jnp.float32),
    )(acc, mp, degp, b.reshape(1, D), W2)


def _tc_final(acc, mp, degp, b2, Wc1, bc1, Wc2, bc2):
    def body(acc_ref, mp_ref, degp_ref, b2_ref, wc1_ref, bc1_ref,
             wc2_ref, bc2_ref, out_ref):
        dinv = _dinv_from(degp_ref)
        tot = acc_ref[0] + acc_ref[1] + mp_ref[...]
        h = jnp.maximum(tot * dinv[:, None] + b2_ref[...], 0.0)
        hc = jnp.dot(h, wc1_ref[...], preferred_element_type=jnp.float32)
        hc = jnp.maximum(hc + bc1_ref[...], 0.0)
        out = jnp.dot(hc, wc2_ref[...], preferred_element_type=jnp.float32)
        out_ref[...] = out + bc2_ref[...]

    return pl.pallas_call(
        body,
        out_shape=jax.ShapeDtypeStruct((N, 2), jnp.float32),
    )(acc, mp, degp, b2.reshape(1, D), Wc1, bc1.reshape(1, 16),
      Wc2, bc2.reshape(1, 2))


def kernel(x, edge_index, bn_gamma, bn_beta, W1, b1, W2, b2, Wc1, bc1, Wc2, bc2):
    src = edge_index[0].astype(jnp.int32)
    dst = edge_index[1].astype(jnp.int32)

    pad = EP - E
    psrc = jnp.arange(pad, dtype=jnp.int32) % N
    pdst = N + (jnp.arange(pad, dtype=jnp.int32) % NPAD)
    src2d = jnp.concatenate([src, psrc]).reshape(EP // CH, CH)
    dst2d = jnp.concatenate([dst, pdst]).reshape(EP // CH, CH)

    ones_hbm = jnp.ones((CH, D), jnp.float32)
    zd_hbm = jnp.zeros((ZR, D), jnp.float32)

    degp = _sc_degree(dst2d, ones_hbm, zd_hbm)
    mp1 = _tc_first(x, bn_gamma, bn_beta, W1, degp)
    acc1 = _sc_scatter(mp1, src2d, dst2d, zd_hbm)
    mp2 = _tc_mid(acc1, mp1, degp, b1, W2)
    acc2 = _sc_scatter(mp2, src2d, dst2d, zd_hbm)
    return _tc_final(acc2, mp2, degp, b2, Wc1, bc1, Wc2, bc2)

# --- scband reference (transcript-rebuilt; emitter-appended) ---
"""Pipeline reference for scband-gcnmodel-12927851561251 (READ-ONLY COPY).

The authoritative reference and input builder live on the scoring server;
editing this copy changes nothing except your own understanding.
"""

import jax, jax.numpy as jnp
import numpy as np

N = 10000
E = 320000
D = 128
H = 128


def setup_inputs(seed: int = 0) -> dict:
    key = jax.random.key(seed)
    ks = jax.random.split(key, 8)
    x = jax.random.normal(ks[0], (N, D), dtype=jnp.float32)
    edge_index = jax.random.randint(ks[1], (2, E), 0, N)
    bn_gamma = jnp.ones((D,), dtype=jnp.float32)
    bn_beta = jnp.zeros((D,), dtype=jnp.float32)
    W1 = jax.random.normal(ks[2], (D, H), dtype=jnp.float32) * 0.05
    b1 = jnp.zeros((H,), dtype=jnp.float32)
    W2 = jax.random.normal(ks[3], (H, H), dtype=jnp.float32) * 0.05
    b2 = jnp.zeros((H,), dtype=jnp.float32)
    Wc1 = jax.random.normal(ks[4], (H, 16), dtype=jnp.float32) * 0.05
    bc1 = jnp.zeros((16,), dtype=jnp.float32)
    Wc2 = jax.random.normal(ks[5], (16, 2), dtype=jnp.float32) * 0.05
    bc2 = jnp.zeros((2,), dtype=jnp.float32)
    return {"x": x, "edge_index": edge_index, "bn_gamma": bn_gamma, "bn_beta": bn_beta,
            "W1": W1, "b1": b1, "W2": W2, "b2": b2,
            "Wc1": Wc1, "bc1": bc1, "Wc2": Wc2, "bc2": bc2}


def _batchnorm(x, gamma, beta, eps=1e-5):
    mean = jnp.mean(x, axis=0)
    var = jnp.var(x, axis=0)
    return (x - mean) / jnp.sqrt(var + eps) * gamma + beta


def _gcn_conv(x, edge_index, W, b):
    num_nodes = x.shape[0]
    xw = x @ W
    src = edge_index[0]
    dst = edge_index[1]
    loop = jnp.arange(num_nodes, dtype=src.dtype)
    src = jnp.concatenate([src, loop])
    dst = jnp.concatenate([dst, loop])
    deg = jnp.zeros((num_nodes,), dtype=xw.dtype).at[dst].add(1.0)
    deg_inv_sqrt = jnp.where(deg > 0, jax.lax.rsqrt(jnp.maximum(deg, 1e-12)), 0.0)
    norm = deg_inv_sqrt[src] * deg_inv_sqrt[dst]
    msgs = xw[src] * norm[:, None]
    out = jax.ops.segment_sum(msgs, dst, num_segments=num_nodes)
    return out + b


def reference(x, edge_index, bn_gamma, bn_beta, W1, b1, W2, b2, Wc1, bc1, Wc2, bc2):
    h = _batchnorm(x, bn_gamma, bn_beta)
    h = jax.nn.relu(_gcn_conv(h, edge_index, W1, b1))
    h = jax.nn.relu(_gcn_conv(h, edge_index, W2, b2))
    h = jax.nn.relu(h @ Wc1 + bc1)
    out = h @ Wc2 + bc2
    return out

if __name__ == "__main__":
    import jax
    _d = setup_inputs()
    print(jax.jit(kernel)(*tuple(_d.values())))

</pallas_src>

<mosaic_0001>
#map = affine_map<(d0, d1) -> (0, 0)>
#map1 = affine_map<(d0, d1) -> (0, 0, 0)>
module attributes {stable_mosaic.version = 14 : i64} {
  func.func @deg_kernel(%arg0: i32, %arg1: i32, %arg2: memref<2560x128xi32, #tpu.memory_space<hbm>>, %arg3: memref<128x128xf32, #tpu.memory_space<hbm>>, %arg4: memref<16x128xf32, #tpu.memory_space<hbm>>, %arg5: memref<2x10000x128xf32, #tpu.memory_space<hbm>>, %arg6: memref<128xi32, #tpu.memory_space<vmem>>, %arg7: memref<128xi32, #tpu.memory_space<vmem>>, %arg8: memref<128xi32, #tpu.memory_space<vmem>>, %arg9: memref<128xi32, #tpu.memory_space<vmem>>, %arg10: memref<128x128xf32, #tpu.memory_space<vmem>>, %arg11: memref<16x128xf32, #tpu.memory_space<vmem>>, %arg12: memref<10512x128xf32, #tpu.memory_space<vmem_shared>>, %arg13: memref<!tpu.dma_semaphore, #tpu.memory_space<semaphore_mem>>, %arg14: memref<!tpu.dma_semaphore, #tpu.memory_space<semaphore_mem>>, %arg15: memref<!tpu.dma_semaphore, #tpu.memory_space<semaphore_mem>>, %arg16: memref<!tpu.dma_semaphore, #tpu.memory_space<semaphore_mem>>) attributes {dimension_semantics = [#tpu.dimension_semantics<core_parallel>, #tpu.dimension_semantics<subcore_parallel>], iteration_bounds = array<i64: 2, 16>, scalar_prefetch = 0 : i64, scratch_operands = 11 : i64, tpu.core_type = #tpu.core_type<sc_vector_subcore>, window_params = [{transform_indices = #map}, {transform_indices = #map}, {transform_indices = #map}, {transform_indices = #map1}]} {
    %mul3A = arith.constant 16 : i32
    %mul3A_0 = arith.muli %arg0, %mul3A : i32
    %add3A = arith.addi %mul3A_0, %arg1 : i32
    %mul3A_1 = arith.constant 624 : i32
    %mul3A_2 = arith.muli %arg1, %mul3A_1 : i32
    %mul3A_3 = arith.constant 80 : i32
    %mul3A_4 = arith.muli %add3A, %mul3A_3 : i32
    %add3A_5 = arith.constant 0 : i32
    %add3A_6 = arith.addi %mul3A_4, %add3A_5 : i32
    %dma_start3A = arith.constant 0 : i32
    %dma_start3A_7 = tpu.memref_slice %arg2[%add3A_6, %dma_start3A] : memref<2560x128xi32, #tpu.memory_space<hbm>> -> memref<1x128xi32, #tpu.memory_space<hbm>>
    %dma_start3A_8 = tpu.memref_squeeze %dma_start3A_7 : memref<1x128xi32, #tpu.memory_space<hbm>> -> memref<128xi32, #tpu.memory_space<hbm>>
    %dma_start3A_9 = arith.constant 0 : i32
    %dma_start3A_10 = tpu.memref_slice %arg2[%add3A_6, %dma_start3A_9] : memref<2560x128xi32, #tpu.memory_space<hbm>> -> memref<1x128xi32, #tpu.memory_space<hbm>>
    %dma_start3A_11 = tpu.memref_squeeze %dma_start3A_10 : memref<1x128xi32, #tpu.memory_space<hbm>> -> memref<128xi32, #tpu.memory_space<hbm>>
    tpu.enqueue_dma source(%dma_start3A_11 : memref<128xi32, #tpu.memory_space<hbm>>) target(%arg6 : memref<128xi32, #tpu.memory_space<vmem>>) target_semaphore(%arg13 : memref<!tpu.dma_semaphore, #tpu.memory_space<semaphore_mem>>)
    %mul3A_12 = arith.constant 80 : i32
    %mul3A_13 = arith.muli %add3A, %mul3A_12 : i32
    %add3A_14 = arith.constant 1 : i32
    %add3A_15 = arith.addi %mul3A_13, %add3A_14 : i32
    %dma_start3A_16 = arith.constant 0 : i32
    %dma_start3A_17 = tpu.memref_slice %arg2[%add3A_15, %dma_start3A_16] : memref<2560x128xi32, #tpu.memory_space<hbm>> -> memref<1x128xi32, #tpu.memory_space<hbm>>
    %dma_start3A_18 = tpu.memref_squeeze %dma_start3A_17 : memref<1x128xi32, #tpu.memory_space<hbm>> -> memref<128xi32, #tpu.memory_space<hbm>>
    %dma_start3A_19 = arith.constant 0 : i32
    %dma_start3A_20 = tpu.memref_slice %arg2[%add3A_15, %dma_start3A_19] : memref<2560x128xi32, #tpu.memory_space<hbm>> -> memref<1x128xi32, #tpu.memory_space<hbm>>
    %dma_start3A_21 = tpu.memref_squeeze %dma_start3A_20 : memref<1x128xi32, #tpu.memory_space<hbm>> -> memref<128xi32, #tpu.memory_space<hbm>>
    tpu.enqueue_dma source(%dma_start3A_21 : memref<128xi32, #tpu.memory_space<hbm>>) target(%arg7 : memref<128xi32, #tpu.memory_space<vmem>>) target_semaphore(%arg14 : memref<!tpu.dma_semaphore, #tpu.memory_space<semaphore_mem>>)
    %mul3A_22 = arith.constant 80 : i32
    %mul3A_23 = arith.muli %add3A, %mul3A_22 : i32
    %add3A_24 = arith.constant 2 : i32
    %add3A_25 = arith.addi %mul3A_23, %add3A_24 : i32
    %dma_start3A_26 = arith.constant 0 : i32
    %dma_start3A_27 = tpu.memref_slice %arg2[%add3A_25, %dma_start3A_26] : memref<2560x128xi32, #tpu.memory_space<hbm>> -> memref<1x128xi32, #tpu.memory_space<hbm>>
    %dma_start3A_28 = tpu.memref_squeeze %dma_start3A_27 : memref<1x128xi32, #tpu.memory_space<hbm>> -> memref<128xi32, #tpu.memory_space<hbm>>
    %dma_start3A_29 = arith.constant 0 : i32
    %dma_start3A_30 = tpu.memref_slice %arg2[%add3A_25, %dma_start3A_29] : memref<2560x128xi32, #tpu.memory_space<hbm>> -> memref<1x128xi32, #tpu.memory_space<hbm>>
    %dma_start3A_31 = tpu.memref_squeeze %dma_start3A_30 : memref<1x128xi32, #tpu.memory_space<hbm>> -> memref<128xi32, #tpu.memory_space<hbm>>
    tpu.enqueue_dma source(%dma_start3A_31 : memref<128xi32, #tpu.memory_space<hbm>>) target(%arg8 : memref<128xi32, #tpu.memory_space<vmem>>) target_semaphore(%arg15 : memref<!tpu.dma_semaphore, #tpu.memory_space<semaphore_mem>>)
    %mul3A_32 = arith.constant 80 : i32
    %mul3A_33 = arith.muli %add3A, %mul3A_32 : i32
    %add3A_34 = arith.constant 3 : i32
    %add3A_35 = arith.addi %mul3A_33, %add3A_34 : i32
    %dma_start3A_36 = arith.constant 0 : i32
    %dma_start3A_37 = tpu.memref_slice %arg2[%add3A_35, %dma_start3A_36] : memref<2560x128xi32, #tpu.memory_space<hbm>> -> memref<1x128xi32, #tpu.memory_space<hbm>>
    %dma_start3A_38 = tpu.memref_squeeze %dma_start3A_37 : memref<1x128xi32, #tpu.memory_space<hbm>> -> memref<128xi32, #tpu.memory_space<hbm>>
    %dma_start3A_39 = arith.constant 0 : i32
    %dma_start3A_40 = tpu.memref_slice %arg2[%add3A_35, %dma_start3A_39] : memref<2560x128xi32, #tpu.memory_space<hbm>> -> memref<1x128xi32, #tpu.memory_space<hbm>>
    %dma_start3A_41 = tpu.memref_squeeze %dma_start3A_40 : memref<1x128xi32, #tpu.memory_space<hbm>> -> memref<128xi32, #tpu.memory_space<hbm>>
    tpu.enqueue_dma source(%dma_start3A_41 : memref<128xi32, #tpu.memory_space<hbm>>) target(%arg9 : memref<128xi32, #tpu.memory_space<vmem>>) target_semaphore(%arg16 : memref<!tpu.dma_semaphore, #tpu.memory_space<semaphore_mem>>)
    "tpu.region"() ({
      %run_scoped3A = tpu.sem_alloc : memref<!tpu.dma_semaphore, #tpu.memory_space<semaphore_mem>>
      tpu.enqueue_dma source(%arg3 : memref<128x128xf32, #tpu.memory_space<hbm>>) target(%arg10 : memref<128x128xf32, #tpu.memory_space<vmem>>) target_semaphore(%run_scoped3A : memref<!tpu.dma_semaphore, #tpu.memory_space<semaphore_mem>>)
      tpu.wait_dma2 semaphore(%run_scoped3A : memref<!tpu.dma_semaphore, #tpu.memory_space<semaphore_mem>>) src(%arg3 : memref<128x128xf32, #tpu.memory_space<hbm>>) dst(%arg10 : memref<128x128xf32, #tpu.memory_space<vmem>>)
      tpu.yield
    }) : () -> ()
    "tpu.region"() ({
      %run_scoped3A = tpu.sem_alloc : memref<!tpu.dma_semaphore, #tpu.memory_space<semaphore_mem>>
      tpu.enqueue_dma source(%arg4 : memref<16x128xf32, #tpu.memory_space<hbm>>) target(%arg11 : memref<16x128xf32, #tpu.memory_space<vmem>>) target_semaphore(%run_scoped3A : memref<!tpu.dma_semaphore, #tpu.memory_space<semaphore_mem>>)
      tpu.wait_dma2 semaphore(%run_scoped3A : memref<!tpu.dma_semaphore, #tpu.memory_space<semaphore_mem>>) src(%arg4 : memref<16x128xf32, #tpu.memory_space<hbm>>) dst(%arg11 : memref<16x128xf32, #tpu.memory_space<vmem>>)
      tpu.yield
    }) : () -> ()
    %scan3A = arith.constant 0 : i32
    %scan3A_42 = arith.constant 0 : i32
    %scan3A_43 = arith.constant 39 : i32
    %scan3A_44 = arith.addi %scan3A_42, %scan3A_43 : i32
    %scan3A_45 = arith.constant 1 : i32
    scf.for %scan3A_61 = %scan3A_42 to %scan3A_44 step %scan3A_45  : i32 {
      %mul3A_62 = arith.constant 16 : i32
      %mul3A_63 = arith.muli %scan3A_61, %mul3A_62 : i32
      %add3A_64 = arith.addi %mul3A_2, %mul3A_63 : i32
      "tpu.region"() ({
        %run_scoped3A = tpu.sem_alloc : memref<!tpu.dma_semaphore, #tpu.memory_space<semaphore_mem>>
        %dma_start3A_65 = arith.constant 0 : i32
        %dma_start3A_66 = tpu.memref_slice %arg12[%add3A_64, %dma_start3A_65] : memref<10512x128xf32, #tpu.memory_space<vmem_shared>> -> memref<16x128xf32, #tpu.memory_space<vmem_shared>>
        %dma_start3A_67 = arith.constant 0 : i32
        %dma_start3A_68 = tpu.memref_slice %arg12[%add3A_64, %dma_start3A_67] : memref<10512x128xf32, #tpu.memory_space<vmem_shared>> -> memref<16x128xf32, #tpu.memory_space<vmem_shared>>
        tpu.enqueue_dma source(%arg11 : memref<16x128xf32, #tpu.memory_space<vmem>>) target(%dma_start3A_68 : memref<16x128xf32, #tpu.memory_space<vmem_shared>>) target_semaphore(%run_scoped3A : memref<!tpu.dma_semaphore, #tpu.memory_space<semaphore_mem>>)
        %dma_wait3A = arith.constant 0 : i32
        %dma_wait3A_69 = tpu.memref_slice %arg12[%add3A_64, %dma_wait3A] : memref<10512x128xf32, #tpu.memory_space<vmem_shared>> -> memref<16x128xf32, #tpu.memory_space<vmem_shared>>
        %dma_wait3A_70 = arith.constant 0 : i32
        %dma_wait3A_71 = tpu.memref_slice %arg12[%add3A_64, %dma_wait3A_70] : memref<10512x128xf32, #tpu.memory_space<vmem_shared>> -> memref<16x128xf32, #tpu.memory_space<vmem_shared>>
        tpu.wait_dma2 semaphore(%run_scoped3A : memref<!tpu.dma_semaphore, #tpu.memory_space<semaphore_mem>>) src(%arg11 : memref<16x128xf32, #tpu.memory_space<vmem>>) dst(%dma_wait3A_71 : memref<16x128xf32, #tpu.memory_space<vmem_shared>>)
        tpu.yield
      }) : () -> ()
    }
    %scan3A_46 = arith.constant 39 : i32
    %eq3A = arith.constant 15 : i32
    %eq3A_47 = arith.cmpi eq, %arg1, %eq3A : i32
    %convert_element_type3A = arith.extui %eq3A_47 : i1 to i32
    %cond3A = arith.constant 0 : i32
    %cond3A_48 = arith.cmpi ne, %convert_element_type3A, %cond3A : i32
    scf.if %cond3A_48 {
      %add3A_61 = arith.constant 624 : i32
      %add3A_62 = arith.addi %mul3A_2, %add3A_61 : i32
      "tpu.region"() ({
        %run_scoped3A = tpu.sem_alloc : memref<!tpu.dma_semaphore, #tpu.memory_space<semaphore_mem>>
        %dma_start3A_63 = arith.constant 0 : i32
        %dma_start3A_64 = tpu.memref_slice %arg12[%add3A_62, %dma_start3A_63] : memref<10512x128xf32, #tpu.memory_space<vmem_shared>> -> memref<16x128xf32, #tpu.memory_space<vmem_shared>>
        %dma_start3A_65 = arith.constant 0 : i32
        %dma_start3A_66 = tpu.memref_slice %arg12[%add3A_62, %dma_start3A_65] : memref<10512x128xf32, #tpu.memory_space<vmem_shared>> -> memref<16x128xf32, #tpu.memory_space<vmem_shared>>
        tpu.enqueue_dma source(%arg11 : memref<16x128xf32, #tpu.memory_space<vmem>>) target(%dma_start3A_66 : memref<16x128xf32, #tpu.memory_space<vmem_shared>>) target_semaphore(%run_scoped3A : memref<!tpu.dma_semaphore, #tpu.memory_space<semaphore_mem>>)
        %dma_wait3A = arith.constant 0 : i32
        %dma_wait3A_67 = tpu.memref_slice %arg12[%add3A_62, %dma_wait3A] : memref<10512x128xf32, #tpu.memory_space<vmem_shared>> -> memref<16x128xf32, #tpu.memory_space<vmem_shared>>
        %dma_wait3A_68 = arith.constant 0 : i32
        %dma_wait3A_69 = tpu.memref_slice %arg12[%add3A_62, %dma_wait3A_68] : memref<10512x128xf32, #tpu.memory_space<vmem_shared>> -> memref<16x128xf32, #tpu.memory_space<vmem_shared>>
        tpu.wait_dma2 semaphore(%run_scoped3A : memref<!tpu.dma_semaphore, #tpu.memory_space<semaphore_mem>>) src(%arg11 : memref<16x128xf32, #tpu.memory_space<vmem>>) dst(%dma_wait3A_69 : memref<16x128xf32, #tpu.memory_space<vmem_shared>>)
        tpu.yield
      }) : () -> ()
    } else {
    }
    %barrier3A = arith.constant 0 : index
    tpu.barrier barrier_id(%barrier3A)
    %scan3A_49 = arith.constant 0 : i32
    %scan3A_50 = arith.constant 0 : i32
    %scan3A_51 = arith.constant 20 : i32
    %scan3A_52 = arith.addi %scan3A_50, %scan3A_51 : i32
    %scan3A_53 = arith.constant 1 : i32
    scf.for %scan3A_61 = %scan3A_50 to %scan3A_52 step %scan3A_53  : i32 {
      %mul3A_62 = arith.constant 4 : i32
      %mul3A_63 = arith.muli %mul3A_62, %scan3A_61 : i32
      %add3A_64 = arith.constant 0 : i32
      %add3A_65 = arith.addi %mul3A_63, %add3A_64 : i32
      %mul3A_66 = arith.constant 80 : i32
      %mul3A_67 = arith.muli %add3A, %mul3A_66 : i32
      %add3A_68 = arith.addi %mul3A_67, %add3A_65 : i32
      %dma_wait3A = arith.constant 0 : i32
      %dma_wait3A_69 = tpu.memref_slice %arg2[%add3A_68, %dma_wait3A] : memref<2560x128xi32, #tpu.memory_space<hbm>> -> memref<1x128xi32, #tpu.memory_space<hbm>>
      %dma_wait3A_70 = tpu.memref_squeeze %dma_wait3A_69 : memref<1x128xi32, #tpu.memory_space<hbm>> -> memref<128xi32, #tpu.memory_space<hbm>>
      %dma_wait3A_71 = arith.constant 0 : i32
      %dma_wait3A_72 = tpu.memref_slice %arg2[%add3A_68, %dma_wait3A_71] : memref<2560x128xi32, #tpu.memory_space<hbm>> -> memref<1x128xi32, #tpu.memory_space<hbm>>
      %dma_wait3A_73 = tpu.memref_squeeze %dma_wait3A_72 : memref<1x128xi32, #tpu.memory_space<hbm>> -> memref<128xi32, #tpu.memory_space<hbm>>
      tpu.wait_dma2 semaphore(%arg13 : memref<!tpu.dma_semaphore, #tpu.memory_space<semaphore_mem>>) src(%dma_wait3A_73 : memref<128xi32, #tpu.memory_space<hbm>>) dst(%arg6 : memref<128xi32, #tpu.memory_space<vmem>>)
      "tpu.region"() ({
        %run_scoped3A = tpu.sem_alloc : memref<!tpu.dma_semaphore, #tpu.memory_space<semaphore_mem>>
        %dma_start3A_134 = arith.constant 0 : i32
        %dma_start3A_135 = arith.constant 0 : i32
        %dma_start3A_136 = tpu.memref_slice %arg12[%dma_start3A_134, %dma_start3A_135] : memref<10512x128xf32, #tpu.memory_space<vmem_shared>> -> memref<10512x128xf32, #tpu.memory_space<vmem_shared>>
        tpu.enqueue_indirect_dma source(%arg10 : memref<128x128xf32, #tpu.memory_space<vmem>>) target(%dma_start3A_136 : memref<10512x128xf32, #tpu.memory_space<vmem_shared>>) offsets(%arg6 : memref<128xi32, #tpu.memory_space<vmem>>) semaphore(%run_scoped3A : memref<!tpu.dma_semaphore, #tpu.memory_space<semaphore_mem>>) {add = true}
        %dma_wait3A_137 = arith.constant 0 : i32
        %dma_wait3A_138 = arith.constant 0 : i32
        %dma_wait3A_139 = tpu.memref_slice %arg12[%dma_wait3A_137, %dma_wait3A_138] : memref<10512x128xf32, #tpu.memory_space<vmem_shared>> -> memref<10512x128xf32, #tpu.memory_space<vmem_shared>>
        tpu.wait_indirect_dma semaphore(%run_scoped3A : memref<!tpu.dma_semaphore, #tpu.memory_space<semaphore_mem>>) src(%arg10 : memref<128x128xf32, #tpu.memory_space<vmem>>) dst(%dma_wait3A_139 : memref<10512x128xf32, #tpu.memory_space<vmem_shared>>)
        tpu.yield
      }) : () -> ()
      %add3A_74 = arith.constant 4 : i32
      %add3A_75 = arith.addi %add3A_65, %add3A_74 : i32
      %lt3A = arith.constant 80 : i32
      %lt3A_76 = arith.cmpi slt, %add3A_75, %lt3A : i32
      %convert_element_type3A_77 = arith.extui %lt3A_76 : i1 to i32
      %cond3A_78 = arith.constant 0 : i32
      %cond3A_79 = arith.cmpi ne, %convert_element_type3A_77, %cond3A_78 : i32
      scf.if %cond3A_79 {
        %add3A_134 = arith.constant 4 : i32
        %add3A_135 = arith.addi %add3A_65, %add3A_134 : i32
        %mul3A_136 = arith.constant 80 : i32
        %mul3A_137 = arith.muli %add3A, %mul3A_136 : i32
        %add3A_138 = arith.addi %mul3A_137, %add3A_135 : i32
        %dma_start3A_139 = arith.constant 0 : i32
        %dma_start3A_140 = tpu.memref_slice %arg2[%add3A_138, %dma_start3A_139] : memref<2560x128xi32, #tpu.memory_space<hbm>> -> memref<1x128xi32, #tpu.memory_space<hbm>>
        %dma_start3A_141 = tpu.memref_squeeze %dma_start3A_140 : memref<1x128xi32, #tpu.memory_space<hbm>> -> memref<128xi32, #tpu.memory_space<hbm>>
        %dma_start3A_142 = arith.constant 0 : i32
        %dma_start3A_143 = tpu.memref_slice %arg2[%add3A_138, %dma_start3A_142] : memref<2560x128xi32, #tpu.memory_space<hbm>> -> memref<1x128xi32, #tpu.memory_space<hbm>>
        %dma_start3A_144 = tpu.memref_squeeze %dma_start3A_143 : memref<1x128xi32, #tpu.memory_space<hbm>> -> memref<128xi32, #tpu.memory_space<hbm>>
        tpu.enqueue_dma source(%dma_start3A_144 : memref<128xi32, #tpu.memory_space<hbm>>) target(%arg6 : memref<128xi32, #tpu.memory_space<vmem>>) target_semaphore(%arg13 : memref<!tpu.dma_semaphore, #tpu.memory_space<semaphore_mem>>)
      } else {
      }
      %add3A_80 = arith.constant 1 : i32
      %add3A_81 = arith.addi %mul3A_63, %add3A_80 : i32
      %mul3A_82 = arith.constant 80 : i32
      %mul3A_83 = arith.muli %add3A, %mul3A_82 : i32
      %add3A_84 = arith.addi %mul3A_83, %add3A_81 : i32
      %dma_wait3A_85 = arith.constant 0 : i32
      %dma_wait3A_86 = tpu.memref_slice %arg2[%add3A_84, %dma_wait3A_85] : memref<2560x128xi32, #tpu.memory_space<hbm>> -> memref<1x128xi32, #tpu.memory_space<hbm>>
      %dma_wait3A_87 = tpu.memref_squeeze %dma_wait3A_86 : memref<1x128xi32, #tpu.memory_space<hbm>> -> memref<128xi32, #tpu.memory_space<hbm>>
      %dma_wait3A_88 = arith.constant 0 : i32
      %dma_wait3A_89 = tpu.memref_slice %arg2[%add3A_84, %dma_wait3A_88] : memref<2560x128xi32, #tpu.memory_space<hbm>> -> memref<1x128xi32, #tpu.memory_space<hbm>>
      %dma_wait3A_90 = tpu.memref_squeeze %dma_wait3A_89 : memref<1x128xi32, #tpu.memory_space<hbm>> -> memref<128xi32, #tpu.memory_space<hbm>>
      tpu.wait_dma2 semaphore(%arg14 : memref<!tpu.dma_semaphore, #tpu.memory_space<semaphore_mem>>) src(%dma_wait3A_90 : memref<128xi32, #tpu.memory_space<hbm>>) dst(%arg7 : memref<128xi32, #tpu.memory_space<vmem>>)
      "tpu.region"() ({
        %run_scoped3A = tpu.sem_alloc : memref<!tpu.dma_semaphore, #tpu.memory_space<semaphore_mem>>
        %dma_start3A_134 = arith.constant 0 : i32
        %dma_start3A_135 = arith.constant 0 : i32
        %dma_start3A_136 = tpu.memref_slice %arg12[%dma_start3A_134, %dma_start3A_135] : memref<10512x128xf32, #tpu.memory_space<vmem_shared>> -> memref<10512x128xf32, #tpu.memory_space<vmem_shared>>
        tpu.enqueue_indirect_dma source(%arg10 : memref<128x128xf32, #tpu.memory_space<vmem>>) target(%dma_start3A_136 : memref<10512x128xf32, #tpu.memory_space<vmem_shared>>) offsets(%arg7 : memref<128xi32, #tpu.memory_space<vmem>>) semaphore(%run_scoped3A : memref<!tpu.dma_semaphore, #tpu.memory_space<semaphore_mem>>) {add = true}
        %dma_wait3A_137 = arith.constant 0 : i32
        %dma_wait3A_138 = arith.constant 0 : i32
        %dma_wait3A_139 = tpu.memref_slice %arg12[%dma_wait3A_137, %dma_wait3A_138] : memref<10512x128xf32, #tpu.memory_space<vmem_shared>> -> memref<10512x128xf32, #tpu.memory_space<vmem_shared>>
        tpu.wait_indirect_dma semaphore(%run_scoped3A : memref<!tpu.dma_semaphore, #tpu.memory_space<semaphore_mem>>) src(%arg10 : memref<128x128xf32, #tpu.memory_space<vmem>>) dst(%dma_wait3A_139 : memref<10512x128xf32, #tpu.memory_space<vmem_shared>>)
        tpu.yield
      }) : () -> ()
      %add3A_91 = arith.constant 4 : i32
      %add3A_92 = arith.addi %add3A_81, %add3A_91 : i32
      %lt3A_93 = arith.constant 80 : i32
      %lt3A_94 = arith.cmpi slt, %add3A_92, %lt3A_93 : i32
      %convert_element_type3A_95 = arith.extui %lt3A_94 : i1 to i32
      %cond3A_96 = arith.constant 0 : i32
      %cond3A_97 = arith.cmpi ne, %convert_element_type3A_95, %cond3A_96 : i32
      scf.if %cond3A_97 {
        %add3A_134 = arith.constant 4 : i32
        %add3A_135 = arith.addi %add3A_81, %add3A_134 : i32
        %mul3A_136 = arith.constant 80 : i32
        %mul3A_137 = arith.muli %add3A, %mul3A_136 : i32
        %add3A_138 = arith.addi %mul3A_137, %add3A_135 : i32
        %dma_start3A_139 = arith.constant 0 : i32
        %dma_start3A_140 = tpu.memref_slice %arg2[%add3A_138, %dma_start3A_139] : memref<2560x128xi32, #tpu.memory_space<hbm>> -> memref<1x128xi32, #tpu.memory_space<hbm>>
        %dma_start3A_141 = tpu.memref_squeeze %dma_start3A_140 : memref<1x128xi32, #tpu.memory_space<hbm>> -> memref<128xi32, #tpu.memory_space<hbm>>
        %dma_start3A_142 = arith.constant 0 : i32
        %dma_start3A_143 = tpu.memref_slice %arg2[%add3A_138, %dma_start3A_142] : memref<2560x128xi32, #tpu.memory_space<hbm>> -> memref<1x128xi32, #tpu.memory_space<hbm>>
        %dma_start3A_144 = tpu.memref_squeeze %dma_start3A_143 : memref<1x128xi32, #tpu.memory_space<hbm>> -> memref<128xi32, #tpu.memory_space<hbm>>
        tpu.enqueue_dma source(%dma_start3A_144 : memref<128xi32, #tpu.memory_space<hbm>>) target(%arg7 : memref<128xi32, #tpu.memory_space<vmem>>) target_semaphore(%arg14 : memref<!tpu.dma_semaphore, #tpu.memory_space<semaphore_mem>>)
      } else {
      }
      %add3A_98 = arith.constant 2 : i32
      %add3A_99 = arith.addi %mul3A_63, %add3A_98 : i32
      %mul3A_100 = arith.constant 80 : i32
      %mul3A_101 = arith.muli %add3A, %mul3A_100 : i32
      %add3A_102 = arith.addi %mul3A_101, %add3A_99 : i32
      %dma_wait3A_103 = arith.constant 0 : i32
      %dma_wait3A_104 = tpu.memref_slice %arg2[%add3A_102, %dma_wait3A_103] : memref<2560x128xi32, #tpu.memory_space<hbm>> -> memref<1x128xi32, #tpu.memory_space<hbm>>
      %dma_wait3A_105 = tpu.memref_squeeze %dma_wait3A_104 : memref<1x128xi32, #tpu.memory_space<hbm>> -> memref<128xi32, #tpu.memory_space<hbm>>
      %dma_wait3A_106 = arith.constant 0 : i32
      %dma_wait3A_107 = tpu.memref_slice %arg2[%add3A_102, %dma_wait3A_106] : memref<2560x128xi32, #tpu.memory_space<hbm>> -> memref<1x128xi32, #tpu.memory_space<hbm>>
      %dma_wait3A_108 = tpu.memref_squeeze %dma_wait3A_107 : memref<1x128xi32, #tpu.memory_space<hbm>> -> memref<128xi32, #tpu.memory_space<hbm>>
      tpu.wait_dma2 semaphore(%arg15 : memref<!tpu.dma_semaphore, #tpu.memory_space<semaphore_mem>>) src(%dma_wait3A_108 : memref<128xi32, #tpu.memory_space<hbm>>) dst(%arg8 : memref<128xi32, #tpu.memory_space<vmem>>)
      "tpu.region"() ({
        %run_scoped3A = tpu.sem_alloc : memref<!tpu.dma_semaphore, #tpu.memory_space<semaphore_mem>>
        %dma_start3A_134 = arith.constant 0 : i32
        %dma_start3A_135 = arith.constant 0 : i32
        %dma_start3A_136 = tpu.memref_slice %arg12[%dma_start3A_134, %dma_start3A_135] : memref<10512x128xf32, #tpu.memory_space<vmem_shared>> -> memref<10512x128xf32, #tpu.memory_space<vmem_shared>>
        tpu.enqueue_indirect_dma source(%arg10 : memref<128x128xf32, #tpu.memory_space<vmem>>) target(%dma_start3A_136 : memref<10512x128xf32, #tpu.memory_space<vmem_shared>>) offsets(%arg8 : memref<128xi32, #tpu.memory_space<vmem>>) semaphore(%run_scoped3A : memref<!tpu.dma_semaphore, #tpu.memory_space<semaphore_mem>>) {add = true}
        %dma_wait3A_137 = arith.constant 0 : i32
        %dma_wait3A_138 = arith.constant 0 : i32
        %dma_wait3A_139 = tpu.memref_slice %arg12[%dma_wait3A_137, %dma_wait3A_138] : memref<10512x128xf32, #tpu.memory_space<vmem_shared>> -> memref<10512x128xf32, #tpu.memory_space<vmem_shared>>
        tpu.wait_indirect_dma semaphore(%run_scoped3A : memref<!tpu.dma_semaphore, #tpu.memory_space<semaphore_mem>>) src(%arg10 : memref<128x128xf32, #tpu.memory_space<vmem>>) dst(%dma_wait3A_139 : memref<10512x128xf32, #tpu.memory_space<vmem_shared>>)
        tpu.yield
      }) : () -> ()
      %add3A_109 = arith.constant 4 : i32
      %add3A_110 = arith.addi %add3A_99, %add3A_109 : i32
      %lt3A_111 = arith.constant 80 : i32
      %lt3A_112 = arith.cmpi slt, %add3A_110, %lt3A_111 : i32
      %convert_element_type3A_113 = arith.extui %lt3A_112 : i1 to i32
      %cond3A_114 = arith.constant 0 : i32
      %cond3A_115 = arith.cmpi ne, %convert_element_type3A_113, %cond3A_114 : i32
      scf.if %cond3A_115 {
        %add3A_134 = arith.constant 4 : i32
        %add3A_135 = arith.addi %add3A_99, %add3A_134 : i32
        %mul3A_136 = arith.constant 80 : i32
        %mul3A_137 = arith.muli %add3A, %mul3A_136 : i32
        %add3A_138 = arith.addi %mul3A_137, %add3A_135 : i32
        %dma_start3A_139 = arith.constant 0 : i32
        %dma_start3A_140 = tpu.memref_slice %arg2[%add3A_138, %dma_start3A_139] : memref<2560x128xi32, #tpu.memory_space<hbm>> -> memref<1x128xi32, #tpu.memory_space<hbm>>
        %dma_start3A_141 = tpu.memref_squeeze %dma_start3A_140 : memref<1x128xi32, #tpu.memory_space<hbm>> -> memref<128xi32, #tpu.memory_space<hbm>>
        %dma_start3A_142 = arith.constant 0 : i32
        %dma_start3A_143 = tpu.memref_slice %arg2[%add3A_138, %dma_start3A_142] : memref<2560x128xi32, #tpu.memory_space<hbm>> -> memref<1x128xi32, #tpu.memory_space<hbm>>
        %dma_start3A_144 = tpu.memref_squeeze %dma_start3A_143 : memref<1x128xi32, #tpu.memory_space<hbm>> -> memref<128xi32, #tpu.memory_space<hbm>>
        tpu.enqueue_dma source(%dma_start3A_144 : memref<128xi32, #tpu.memory_space<hbm>>) target(%arg8 : memref<128xi32, #tpu.memory_space<vmem>>) target_semaphore(%arg15 : memref<!tpu.dma_semaphore, #tpu.memory_space<semaphore_mem>>)
      } else {
      }
      %add3A_116 = arith.constant 3 : i32
      %add3A_117 = arith.addi %mul3A_63, %add3A_116 : i32
      %mul3A_118 = arith.constant 80 : i32
      %mul3A_119 = arith.muli %add3A, %mul3A_118 : i32
      %add3A_120 = arith.addi %mul3A_119, %add3A_117 : i32
      %dma_wait3A_121 = arith.constant 0 : i32
      %dma_wait3A_122 = tpu.memref_slice %arg2[%add3A_120, %dma_wait3A_121] : memref<2560x128xi32, #tpu.memory_space<hbm>> -> memref<1x128xi32, #tpu.memory_space<hbm>>
      %dma_wait3A_123 = tpu.memref_squeeze %dma_wait3A_122 : memref<1x128xi32, #tpu.memory_space<hbm>> -> memref<128xi32, #tpu.memory_space<hbm>>
      %dma_wait3A_124 = arith.constant 0 : i32
      %dma_wait3A_125 = tpu.memref_slice %arg2[%add3A_120, %dma_wait3A_124] : memref<2560x128xi32, #tpu.memory_space<hbm>> -> memref<1x128xi32, #tpu.memory_space<hbm>>
      %dma_wait3A_126 = tpu.memref_squeeze %dma_wait3A_125 : memref<1x128xi32, #tpu.memory_space<hbm>> -> memref<128xi32, #tpu.memory_space<hbm>>
      tpu.wait_dma2 semaphore(%arg16 : memref<!tpu.dma_semaphore, #tpu.memory_space<semaphore_mem>>) src(%dma_wait3A_126 : memref<128xi32, #tpu.memory_space<hbm>>) dst(%arg9 : memref<128xi32, #tpu.memory_space<vmem>>)
      "tpu.region"() ({
        %run_scoped3A = tpu.sem_alloc : memref<!tpu.dma_semaphore, #tpu.memory_space<semaphore_mem>>
        %dma_start3A_134 = arith.constant 0 : i32
        %dma_start3A_135 = arith.constant 0 : i32
        %dma_start3A_136 = tpu.memref_slice %arg12[%dma_start3A_134, %dma_start3A_135] : memref<10512x128xf32, #tpu.memory_space<vmem_shared>> -> memref<10512x128xf32, #tpu.memory_space<vmem_shared>>
        tpu.enqueue_indirect_dma source(%arg10 : memref<128x128xf32, #tpu.memory_space<vmem>>) target(%dma_start3A_136 : memref<10512x128xf32, #tpu.memory_space<vmem_shared>>) offsets(%arg9 : memref<128xi32, #tpu.memory_space<vmem>>) semaphore(%run_scoped3A : memref<!tpu.dma_semaphore, #tpu.memory_space<semaphore_mem>>) {add = true}
        %dma_wait3A_137 = arith.constant 0 : i32
        %dma_wait3A_138 = arith.constant 0 : i32
        %dma_wait3A_139 = tpu.memref_slice %arg12[%dma_wait3A_137, %dma_wait3A_138] : memref<10512x128xf32, #tpu.memory_space<vmem_shared>> -> memref<10512x128xf32, #tpu.memory_space<vmem_shared>>
        tpu.wait_indirect_dma semaphore(%run_scoped3A : memref<!tpu.dma_semaphore, #tpu.memory_space<semaphore_mem>>) src(%arg10 : memref<128x128xf32, #tpu.memory_space<vmem>>) dst(%dma_wait3A_139 : memref<10512x128xf32, #tpu.memory_space<vmem_shared>>)
        tpu.yield
      }) : () -> ()
      %add3A_127 = arith.constant 4 : i32
      %add3A_128 = arith.addi %add3A_117, %add3A_127 : i32
      %lt3A_129 = arith.constant 80 : i32
      %lt3A_130 = arith.cmpi slt, %add3A_128, %lt3A_129 : i32
      %convert_element_type3A_131 = arith.extui %lt3A_130 : i1 to i32
      %cond3A_132 = arith.constant 0 : i32
      %cond3A_133 = arith.cmpi ne, %convert_element_type3A_131, %cond3A_132 : i32
      scf.if %cond3A_133 {
        %add3A_134 = arith.constant 4 : i32
        %add3A_135 = arith.addi %add3A_117, %add3A_134 : i32
        %mul3A_136 = arith.constant 80 : i32
        %mul3A_137 = arith.muli %add3A, %mul3A_136 : i32
        %add3A_138 = arith.addi %mul3A_137, %add3A_135 : i32
        %dma_start3A_139 = arith.constant 0 : i32
        %dma_start3A_140 = tpu.memref_slice %arg2[%add3A_138, %dma_start3A_139] : memref<2560x128xi32, #tpu.memory_space<hbm>> -> memref<1x128xi32, #tpu.memory_space<hbm>>
        %dma_start3A_141 = tpu.memref_squeeze %dma_start3A_140 : memref<1x128xi32, #tpu.memory_space<hbm>> -> memref<128xi32, #tpu.memory_space<hbm>>
        %dma_start3A_142 = arith.constant 0 : i32
        %dma_start3A_143 = tpu.memref_slice %arg2[%add3A_138, %dma_start3A_142] : memref<2560x128xi32, #tpu.memory_space<hbm>> -> memref<1x128xi32, #tpu.memory_space<hbm>>
        %dma_start3A_144 = tpu.memref_squeeze %dma_start3A_143 : memref<1x128xi32, #tpu.memory_space<hbm>> -> memref<128xi32, #tpu.memory_space<hbm>>
        tpu.enqueue_dma source(%dma_start3A_144 : memref<128xi32, #tpu.memory_space<hbm>>) target(%arg9 : memref<128xi32, #tpu.memory_space<vmem>>) target_semaphore(%arg16 : memref<!tpu.dma_semaphore, #tpu.memory_space<semaphore_mem>>)
      } else {
      }
    }
    %scan3A_54 = arith.constant 20 : i32
    %barrier3A_55 = arith.constant 0 : index
    tpu.barrier barrier_id(%barrier3A_55)
    "tpu.region"() ({
      %run_scoped3A = tpu.sem_alloc : memref<!tpu.dma_semaphore, #tpu.memory_space<semaphore_mem>>
      %dma_start3A_61 = arith.constant 0 : i32
      %dma_start3A_62 = tpu.memref_slice %arg5[%arg0, %mul3A_2, %dma_start3A_61] : memref<2x10000x128xf32, #tpu.memory_space<hbm>> -> memref<1x624x128xf32, #tpu.memory_space<hbm>>
      %dma_start3A_63 = tpu.memref_squeeze %dma_start3A_62 : memref<1x624x128xf32, #tpu.memory_space<hbm>> -> memref<624x128xf32, #tpu.memory_space<hbm>>
      %dma_start3A_64 = arith.constant 0 : i32
      %dma_start3A_65 = tpu.memref_slice %arg12[%mul3A_2, %dma_start3A_64] : memref<10512x128xf32, #tpu.memory_space<vmem_shared>> -> memref<624x128xf32, #tpu.memory_space<vmem_shared>>
      tpu.enqueue_dma source(%dma_start3A_65 : memref<624x128xf32, #tpu.memory_space<vmem_shared>>) target(%dma_start3A_63 : memref<624x128xf32, #tpu.memory_space<hbm>>) target_semaphore(%run_scoped3A : memref<!tpu.dma_semaphore, #tpu.memory_space<semaphore_mem>>)
      %dma_wait3A = arith.constant 0 : i32
      %dma_wait3A_66 = tpu.memref_slice %arg5[%arg0, %mul3A_2, %dma_wait3A] : memref<2x10000x128xf32, #tpu.memory_space<hbm>> -> memref<1x624x128xf32, #tpu.memory_space<hbm>>
      %dma_wait3A_67 = tpu.memref_squeeze %dma_wait3A_66 : memref<1x624x128xf32, #tpu.memory_space<hbm>> -> memref<624x128xf32, #tpu.memory_space<hbm>>
      %dma_wait3A_68 = arith.constant 0 : i32
      %dma_wait3A_69 = tpu.memref_slice %arg12[%mul3A_2, %dma_wait3A_68] : memref<10512x128xf32, #tpu.memory_space<vmem_shared>> -> memref<624x128xf32, #tpu.memory_space<vmem_shared>>
      tpu.wait_dma2 semaphore(%run_scoped3A : memref<!tpu.dma_semaphore, #tpu.memory_space<semaphore_mem>>) src(%dma_wait3A_69 : memref<624x128xf32, #tpu.memory_space<vmem_shared>>) dst(%dma_wait3A_67 : memref<624x128xf32, #tpu.memory_space<hbm>>)
      tpu.yield
    }) : () -> ()
    %eq3A_56 = arith.constant 15 : i32
    %eq3A_57 = arith.cmpi eq, %arg1, %eq3A_56 : i32
    %convert_element_type3A_58 = arith.extui %eq3A_57 : i1 to i32
    %cond3A_59 = arith.constant 0 : i32
    %cond3A_60 = arith.cmpi ne, %convert_element_type3A_58, %cond3A_59 : i32
    scf.if %cond3A_60 {
      %add3A_61 = arith.constant 624 : i32
      %add3A_62 = arith.addi %mul3A_2, %add3A_61 : i32
      %add3A_63 = arith.constant 624 : i32
      %add3A_64 = arith.addi %mul3A_2, %add3A_63 : i32
      "tpu.region"() ({
        %run_scoped3A = tpu.sem_alloc : memref<!tpu.dma_semaphore, #tpu.memory_space<semaphore_mem>>
        %dma_start3A_65 = arith.constant 0 : i32
        %dma_start3A_66 = tpu.memref_slice %arg5[%arg0, %add3A_64, %dma_start3A_65] : memref<2x10000x128xf32, #tpu.memory_space<hbm>> -> memref<1x16x128xf32, #tpu.memory_space<hbm>>
        %dma_start3A_67 = tpu.memref_squeeze %dma_start3A_66 : memref<1x16x128xf32, #tpu.memory_space<hbm>> -> memref<16x128xf32, #tpu.memory_space<hbm>>
        %dma_start3A_68 = arith.constant 0 : i32
        %dma_start3A_69 = tpu.memref_slice %arg12[%add3A_62, %dma_start3A_68] : memref<10512x128xf32, #tpu.memory_space<vmem_shared>> -> memref<16x128xf32, #tpu.memory_space<vmem_shared>>
        tpu.enqueue_dma source(%dma_start3A_69 : memref<16x128xf32, #tpu.memory_space<vmem_shared>>) target(%dma_start3A_67 : memref<16x128xf32, #tpu.memory_space<hbm>>) target_semaphore(%run_scoped3A : memref<!tpu.dma_semaphore, #tpu.memory_space<semaphore_mem>>)
        %dma_wait3A = arith.constant 0 : i32
        %dma_wait3A_70 = tpu.memref_slice %arg5[%arg0, %add3A_64, %dma_wait3A] : memref<2x10000x128xf32, #tpu.memory_space<hbm>> -> memref<1x16x128xf32, #tpu.memory_space<hbm>>
        %dma_wait3A_71 = tpu.memref_squeeze %dma_wait3A_70 : memref<1x16x128xf32, #tpu.memory_space<hbm>> -> memref<16x128xf32, #tpu.memory_space<hbm>>
        %dma_wait3A_72 = arith.constant 0 : i32
        %dma_wait3A_73 = tpu.memref_slice %arg12[%add3A_62, %dma_wait3A_72] : memref<10512x128xf32, #tpu.memory_space<vmem_shared>> -> memref<16x128xf32, #tpu.memory_space<vmem_shared>>
        tpu.wait_dma2 semaphore(%run_scoped3A : memref<!tpu.dma_semaphore, #tpu.memory_space<semaphore_mem>>) src(%dma_wait3A_73 : memref<16x128xf32, #tpu.memory_space<vmem_shared>>) dst(%dma_wait3A_71 : memref<16x128xf32, #tpu.memory_space<hbm>>)
        tpu.yield
      }) : () -> ()
    } else {
    }
    return
  }
}

#map = affine_map<(d0, d1) -> (0, 0)>
#map1 = affine_map<(d0, d1) -> (0, 0, 0)>
module attributes {stable_mosaic.version = 14 : i64} {
  func.func @scat_kernel(%arg0: i32, %arg1: i32, %arg2: memref<10000x128xf32, #tpu.memory_space<hbm>>, %arg3: memref<2560x128xi32, #tpu.memory_space<hbm>>, %arg4: memref<2560x128xi32, #tpu.memory_space<hbm>>, %arg5: memref<16x128xf32, #tpu.memory_space<hbm>>, %arg6: memref<2x10000x128xf32, #tpu.memory_space<hbm>>, %arg7: memref<128xi32, #tpu.memory_space<vmem>>, %arg8: memref<128xi32, #tpu.memory_space<vmem>>, %arg9: memref<128xi32, #tpu.memory_space<vmem>>, %arg10: memref<128xi32, #tpu.memory_space<vmem>>, %arg11: memref<128xi32, #tpu.memory_space<vmem>>, %arg12: memref<128xi32, #tpu.memory_space<vmem>>, %arg13: memref<128xi32, #tpu.memory_space<vmem>>, %arg14: memref<128xi32, #tpu.memory_space<vmem>>, %arg15: memref<128x128xf32, #tpu.memory_space<vmem>>, %arg16: memref<128x128xf32, #tpu.memory_space<vmem>>, %arg17: memref<16x128xf32, #tpu.memory_space<vmem>>, %arg18: memref<10512x128xf32, #tpu.memory_space<vmem_shared>>, %arg19: memref<!tpu.dma_semaphore, #tpu.memory_space<semaphore_mem>>, %arg20: memref<!tpu.dma_semaphore, #tpu.memory_space<semaphore_mem>>, %arg21: memref<!tpu.dma_semaphore, #tpu.memory_space<semaphore_mem>>, %arg22: memref<!tpu.dma_semaphore, #tpu.memory_space<semaphore_mem>>, %arg23: memref<!tpu.dma_semaphore, #tpu.memory_space<semaphore_mem>>, %arg24: memref<!tpu.dma_semaphore, #tpu.memory_space<semaphore_mem>>) attributes {dimension_semantics = [#tpu.dimension_semantics<core_parallel>, #tpu.dimension_semantics<subcore_parallel>], iteration_bounds = array<i64: 2, 16>, scalar_prefetch = 0 : i64, scratch_operands = 18 : i64, tpu.core_type = #tpu.core_type<sc_vector_subcore>, window_params = [{transform_indices = #map}, {transform_indices = #map}, {transform_indices = #map}, {transform_indices = #map}, {transform_indices = #map1}]} {
    %mul3A = arith.constant 16 : i32
    %mul3A_0 = arith.muli %arg0, %mul3A : i32
    %add3A = arith.addi %mul3A_0, %arg1 : i32
    %mul3A_1 = arith.constant 624 : i32
    %mul3A_2 = arith.muli %arg1, %mul3A_1 : i32
    %mul3A_3 = arith.constant 80 : i32
    %mul3A_4 = arith.muli %add3A, %mul3A_3 : i32
    %add3A_5 = arith.constant 0 : i32
    %add3A_6 = arith.addi %mul3A_4, %add3A_5 : i32
    %dma_start3A = arith.constant 0 : i32
    %dma_start3A_7 = tpu.memref_slice %arg3[%add3A_6, %dma_start3A] : memref<2560x128xi32, #tpu.memory_space<hbm>> -> memref<1x128xi32, #tpu.memory_space<hbm>>
    %dma_start3A_8 = tpu.memref_squeeze %dma_start3A_7 : memref<1x128xi32, #tpu.memory_space<hbm>> -> memref<128xi32, #tpu.memory_space<hbm>>
    %dma_start3A_9 = arith.constant 0 : i32
    %dma_start3A_10 = tpu.memref_slice %arg3[%add3A_6, %dma_start3A_9] : memref<2560x128xi32, #tpu.memory_space<hbm>> -> memref<1x128xi32, #tpu.memory_space<hbm>>
    %dma_start3A_11 = tpu.memref_squeeze %dma_start3A_10 : memref<1x128xi32, #tpu.memory_space<hbm>> -> memref<128xi32, #tpu.memory_space<hbm>>
    tpu.enqueue_dma source(%dma_start3A_11 : memref<128xi32, #tpu.memory_space<hbm>>) target(%arg7 : memref<128xi32, #tpu.memory_space<vmem>>) target_semaphore(%arg21 : memref<!tpu.dma_semaphore, #tpu.memory_space<semaphore_mem>>)
    %mul3A_12 = arith.constant 80 : i32
    %mul3A_13 = arith.muli %add3A, %mul3A_12 : i32
    %add3A_14 = arith.constant 0 : i32
    %add3A_15 = arith.addi %mul3A_13, %add3A_14 : i32
    %dma_start3A_16 = arith.constant 0 : i32
    %dma_start3A_17 = tpu.memref_slice %arg4[%add3A_15, %dma_start3A_16] : memref<2560x128xi32, #tpu.memory_space<hbm>> -> memref<1x128xi32, #tpu.memory_space<hbm>>
    %dma_start3A_18 = tpu.memref_squeeze %dma_start3A_17 : memref<1x128xi32, #tpu.memory_space<hbm>> -> memref<128xi32, #tpu.memory_space<hbm>>
    %dma_start3A_19 = arith.constant 0 : i32
    %dma_start3A_20 = tpu.memref_slice %arg4[%add3A_15, %dma_start3A_19] : memref<2560x128xi32, #tpu.memory_space<hbm>> -> memref<1x128xi32, #tpu.memory_space<hbm>>
    %dma_start3A_21 = tpu.memref_squeeze %dma_start3A_20 : memref<1x128xi32, #tpu.memory_space<hbm>> -> memref<128xi32, #tpu.memory_space<hbm>>
    tpu.enqueue_dma source(%dma_start3A_21 : memref<128xi32, #tpu.memory_space<hbm>>) target(%arg11 : memref<128xi32, #tpu.memory_space<vmem>>) target_semaphore(%arg21 : memref<!tpu.dma_semaphore, #tpu.memory_space<semaphore_mem>>)
    %mul3A_22 = arith.constant 80 : i32
    %mul3A_23 = arith.muli %add3A, %mul3A_22 : i32
    %add3A_24 = arith.constant 1 : i32
    %add3A_25 = arith.addi %mul3A_23, %add3A_24 : i32
    %dma_start3A_26 = arith.constant 0 : i32
    %dma_start3A_27 = tpu.memref_slice %arg3[%add3A_25, %dma_start3A_26] : memref<2560x128xi32, #tpu.memory_space<hbm>> -> memref<1x128xi32, #tpu.memory_space<hbm>>
    %dma_start3A_28 = tpu.memref_squeeze %dma_start3A_27 : memref<1x128xi32, #tpu.memory_space<hbm>> -> memref<128xi32, #tpu.memory_space<hbm>>
    %dma_start3A_29 = arith.constant 0 : i32
    %dma_start3A_30 = tpu.memref_slice %arg3[%add3A_25, %dma_start3A_29] : memref<2560x128xi32, #tpu.memory_space<hbm>> -> memref<1x128xi32, #tpu.memory_space<hbm>>
    %dma_start3A_31 = tpu.memref_squeeze %dma_start3A_30 : memref<1x128xi32, #tpu.memory_space<hbm>> -> memref<128xi32, #tpu.memory_space<hbm>>
    tpu.enqueue_dma source(%dma_start3A_31 : memref<128xi32, #tpu.memory_space<hbm>>) target(%arg8 : memref<128xi32, #tpu.memory_space<vmem>>) target_semaphore(%arg22 : memref<!tpu.dma_semaphore, #tpu.memory_space<semaphore_mem>>)
    %mul3A_32 = arith.constant 80 : i32
    %mul3A_33 = arith.muli %add3A, %mul3A_32 : i32
    %add3A_34 = arith.constant 1 : i32
    %add3A_35 = arith.addi %mul3A_33, %add3A_34 : i32
    %dma_start3A_36 = arith.constant 0 : i32
    %dma_start3A_37 = tpu.memref_slice %arg4[%add3A_35, %dma_start3A_36] : memref<2560x128xi32, #tpu.memory_space<hbm>> -> memref<1x128xi32, #tpu.memory_space<hbm>>
    %dma_start3A_38 = tpu.memref_squeeze %dma_start3A_37 : memref<1x128xi32, #tpu.memory_space<hbm>> -> memref<128xi32, #tpu.memory_space<hbm>>
    %dma_start3A_39 = arith.constant 0 : i32
    %dma_start3A_40 = tpu.memref_slice %arg4[%add3A_35, %dma_start3A_39] : memref<2560x128xi32, #tpu.memory_space<hbm>> -> memref<1x128xi32, #tpu.memory_space<hbm>>
    %dma_start3A_41 = tpu.memref_squeeze %dma_start3A_40 : memref<1x128xi32, #tpu.memory_space<hbm>> -> memref<128xi32, #tpu.memory_space<hbm>>
    tpu.enqueue_dma source(%dma_start3A_41 : memref<128xi32, #tpu.memory_space<hbm>>) target(%arg12 : memref<128xi32, #tpu.memory_space<vmem>>) target_semaphore(%arg22 : memref<!tpu.dma_semaphore, #tpu.memory_space<semaphore_mem>>)
    %mul3A_42 = arith.constant 80 : i32
    %mul3A_43 = arith.muli %add3A, %mul3A_42 : i32
    %add3A_44 = arith.constant 2 : i32
    %add3A_45 = arith.addi %mul3A_43, %add3A_44 : i32
    %dma_start3A_46 = arith.constant 0 : i32
    %dma_start3A_47 = tpu.memref_slice %arg3[%add3A_45, %dma_start3A_46] : memref<2560x128xi32, #tpu.memory_space<hbm>> -> memref<1x128xi32, #tpu.memory_space<hbm>>
    %dma_start3A_48 = tpu.memref_squeeze %dma_start3A_47 : memref<1x128xi32, #tpu.memory_space<hbm>> -> memref<128xi32, #tpu.memory_space<hbm>>
    %dma_start3A_49 = arith.constant 0 : i32
    %dma_start3A_50 = tpu.memref_slice %arg3[%add3A_45, %dma_start3A_49] : memref<2560x128xi32, #tpu.memory_space<hbm>> -> memref<1x128xi32, #tpu.memory_space<hbm>>
    %dma_start3A_51 = tpu.memref_squeeze %dma_start3A_50 : memref<1x128xi32, #tpu.memory_space<hbm>> -> memref<128xi32, #tpu.memory_space<hbm>>
    tpu.enqueue_dma source(%dma_start3A_51 : memref<128xi32, #tpu.memory_space<hbm>>) target(%arg9 : memref<128xi32, #tpu.memory_space<vmem>>) target_semaphore(%arg23 : memref<!tpu.dma_semaphore, #tpu.memory_space<semaphore_mem>>)
    %mul3A_52 = arith.constant 80 : i32
    %mul3A_53 = arith.muli %add3A, %mul3A_52 : i32
    %add3A_54 = arith.constant 2 : i32
    %add3A_55 = arith.addi %mul3A_53, %add3A_54 : i32
    %dma_start3A_56 = arith.constant 0 : i32
    %dma_start3A_57 = tpu.memref_slice %arg4[%add3A_55, %dma_start3A_56] : memref<2560x128xi32, #tpu.memory_space<hbm>> -> memref<1x128xi32, #tpu.memory_space<hbm>>
    %dma_start3A_58 = tpu.memref_squeeze %dma_start3A_57 : memref<1x128xi32, #tpu.memory_space<hbm>> -> memref<128xi32, #tpu.memory_space<hbm>>
    %dma_start3A_59 = arith.constant 0 : i32
    %dma_start3A_60 = tpu.memref_slice %arg4[%add3A_55, %dma_start3A_59] : memref<2560x128xi32, #tpu.memory_space<hbm>> -> memref<1x128xi32, #tpu.memory_space<hbm>>
    %dma_start3A_61 = tpu.memref_squeeze %dma_start3A_60 : memref<1x128xi32, #tpu.memory_space<hbm>> -> memref<128xi32, #tpu.memory_space<hbm>>
    tpu.enqueue_dma source(%dma_start3A_61 : memref<128xi32, #tpu.memory_space<hbm>>) target(%arg13 : memref<128xi32, #tpu.memory_space<vmem>>) target_semaphore(%arg23 : memref<!tpu.dma_semaphore, #tpu.memory_space<semaphore_mem>>)
    %mul3A_62 = arith.constant 80 : i32
    %mul3A_63 = arith.muli %add3A, %mul3A_62 : i32
    %add3A_64 = arith.constant 3 : i32
    %add3A_65 = arith.addi %mul3A_63, %add3A_64 : i32
    %dma_start3A_66 = arith.constant 0 : i32
    %dma_start3A_67 = tpu.memref_slice %arg3[%add3A_65, %dma_start3A_66] : memref<2560x128xi32, #tpu.memory_space<hbm>> -> memref<1x128xi32, #tpu.memory_space<hbm>>
    %dma_start3A_68 = tpu.memref_squeeze %dma_start3A_67 : memref<1x128xi32, #tpu.memory_space<hbm>> -> memref<128xi32, #tpu.memory_space<hbm>>
    %dma_start3A_69 = arith.constant 0 : i32
    %dma_start3A_70 = tpu.memref_slice %arg3[%add3A_65, %dma_start3A_69] : memref<2560x128xi32, #tpu.memory_space<hbm>> -> memref<1x128xi32, #tpu.memory_space<hbm>>
    %dma_start3A_71 = tpu.memref_squeeze %dma_start3A_70 : memref<1x128xi32, #tpu.memory_space<hbm>> -> memref<128xi32, #tpu.memory_space<hbm>>
    tpu.enqueue_dma source(%dma_start3A_71 : memref<128xi32, #tpu.memory_space<hbm>>) target(%arg10 : memref<128xi32, #tpu.memory_space<vmem>>) target_semaphore(%arg24 : memref<!tpu.dma_semaphore, #tpu.memory_space<semaphore_mem>>)
    %mul3A_72 = arith.constant 80 : i32
    %mul3A_73 = arith.muli %add3A, %mul3A_72 : i32
    %add3A_74 = arith.constant 3 : i32
    %add3A_75 = arith.addi %mul3A_73, %add3A_74 : i32
    %dma_start3A_76 = arith.constant 0 : i32
    %dma_start3A_77 = tpu.memref_slice %arg4[%add3A_75, %dma_start3A_76] : memref<2560x128xi32, #tpu.memory_space<hbm>> -> memref<1x128xi32, #tpu.memory_space<hbm>>
    %dma_start3A_78 = tpu.memref_squeeze %dma_start3A_77 : memref<1x128xi32, #tpu.memory_space<hbm>> -> memref<128xi32, #tpu.memory_space<hbm>>
    %dma_start3A_79 = arith.constant 0 : i32
    %dma_start3A_80 = tpu.memref_slice %arg4[%add3A_75, %dma_start3A_79] : memref<2560x128xi32, #tpu.memory_space<hbm>> -> memref<1x128xi32, #tpu.memory_space<hbm>>
    %dma_start3A_81 = tpu.memref_squeeze %dma_start3A_80 : memref<1x128xi32, #tpu.memory_space<hbm>> -> memref<128xi32, #tpu.memory_space<hbm>>
    tpu.enqueue_dma source(%dma_start3A_81 : memref<128xi32, #tpu.memory_space<hbm>>) target(%arg14 : memref<128xi32, #tpu.memory_space<vmem>>) target_semaphore(%arg24 : memref<!tpu.dma_semaphore, #tpu.memory_space<semaphore_mem>>)
    "tpu.region"() ({
      %run_scoped3A = tpu.sem_alloc : memref<!tpu.dma_semaphore, #tpu.memory_space<semaphore_mem>>
      tpu.enqueue_dma source(%arg5 : memref<16x128xf32, #tpu.memory_space<hbm>>) target(%arg17 : memref<16x128xf32, #tpu.memory_space<vmem>>) target_semaphore(%run_scoped3A : memref<!tpu.dma_semaphore, #tpu.memory_space<semaphore_mem>>)
      tpu.wait_dma2 semaphore(%run_scoped3A : memref<!tpu.dma_semaphore, #tpu.memory_space<semaphore_mem>>) src(%arg5 : memref<16x128xf32, #tpu.memory_space<hbm>>) dst(%arg17 : memref<16x128xf32, #tpu.memory_space<vmem>>)
      tpu.yield
    }) : () -> ()
    %scan3A = arith.constant 0 : i32
    %scan3A_82 = arith.constant 0 : i32
    %scan3A_83 = arith.constant 39 : i32
    %scan3A_84 = arith.addi %scan3A_82, %scan3A_83 : i32
    %scan3A_85 = arith.constant 1 : i32
    scf.for %scan3A_146 = %scan3A_82 to %scan3A_84 step %scan3A_85  : i32 {
      %mul3A_147 = arith.constant 16 : i32
      %mul3A_148 = arith.muli %scan3A_146, %mul3A_147 : i32
      %add3A_149 = arith.addi %mul3A_2, %mul3A_148 : i32
      "tpu.region"() ({
        %run_scoped3A = tpu.sem_alloc : memref<!tpu.dma_semaphore, #tpu.memory_space<semaphore_mem>>
        %dma_start3A_150 = arith.constant 0 : i32
        %dma_start3A_151 = tpu.memref_slice %arg18[%add3A_149, %dma_start3A_150] : memref<10512x128xf32, #tpu.memory_space<vmem_shared>> -> memref<16x128xf32, #tpu.memory_space<vmem_shared>>
        %dma_start3A_152 = arith.constant 0 : i32
        %dma_start3A_153 = tpu.memref_slice %arg18[%add3A_149, %dma_start3A_152] : memref<10512x128xf32, #tpu.memory_space<vmem_shared>> -> memref<16x128xf32, #tpu.memory_space<vmem_shared>>
        tpu.enqueue_dma source(%arg17 : memref<16x128xf32, #tpu.memory_space<vmem>>) target(%dma_start3A_153 : memref<16x128xf32, #tpu.memory_space<vmem_shared>>) target_semaphore(%run_scoped3A : memref<!tpu.dma_semaphore, #tpu.memory_space<semaphore_mem>>)
        %dma_wait3A_154 = arith.constant 0 : i32
        %dma_wait3A_155 = tpu.memref_slice %arg18[%add3A_149, %dma_wait3A_154] : memref<10512x128xf32, #tpu.memory_space<vmem_shared>> -> memref<16x128xf32, #tpu.memory_space<vmem_shared>>
        %dma_wait3A_156 = arith.constant 0 : i32
        %dma_wait3A_157 = tpu.memref_slice %arg18[%add3A_149, %dma_wait3A_156] : memref<10512x128xf32, #tpu.memory_space<vmem_shared>> -> memref<16x128xf32, #tpu.memory_space<vmem_shared>>
        tpu.wait_dma2 semaphore(%run_scoped3A : memref<!tpu.dma_semaphore, #tpu.memory_space<semaphore_mem>>) src(%arg17 : memref<16x128xf32, #tpu.memory_space<vmem>>) dst(%dma_wait3A_157 : memref<16x128xf32, #tpu.memory_space<vmem_shared>>)
        tpu.yield
      }) : () -> ()
    }
    %scan3A_86 = arith.constant 39 : i32
    %eq3A = arith.constant 15 : i32
    %eq3A_87 = arith.cmpi eq, %arg1, %eq3A : i32
    %convert_element_type3A = arith.extui %eq3A_87 : i1 to i32
    %cond3A = arith.constant 0 : i32
    %cond3A_88 = arith.cmpi ne, %convert_element_type3A, %cond3A : i32
    scf.if %cond3A_88 {
      %add3A_146 = arith.constant 624 : i32
      %add3A_147 = arith.addi %mul3A_2, %add3A_146 : i32
      "tpu.region"() ({
        %run_scoped3A = tpu.sem_alloc : memref<!tpu.dma_semaphore, #tpu.memory_space<semaphore_mem>>
        %dma_start3A_148 = arith.constant 0 : i32
        %dma_start3A_149 = tpu.memref_slice %arg18[%add3A_147, %dma_start3A_148] : memref<10512x128xf32, #tpu.memory_space<vmem_shared>> -> memref<16x128xf32, #tpu.memory_space<vmem_shared>>
        %dma_start3A_150 = arith.constant 0 : i32
        %dma_start3A_151 = tpu.memref_slice %arg18[%add3A_147, %dma_start3A_150] : memref<10512x128xf32, #tpu.memory_space<vmem_shared>> -> memref<16x128xf32, #tpu.memory_space<vmem_shared>>
        tpu.enqueue_dma source(%arg17 : memref<16x128xf32, #tpu.memory_space<vmem>>) target(%dma_start3A_151 : memref<16x128xf32, #tpu.memory_space<vmem_shared>>) target_semaphore(%run_scoped3A : memref<!tpu.dma_semaphore, #tpu.memory_space<semaphore_mem>>)
        %dma_wait3A_152 = arith.constant 0 : i32
        %dma_wait3A_153 = tpu.memref_slice %arg18[%add3A_147, %dma_wait3A_152] : memref<10512x128xf32, #tpu.memory_space<vmem_shared>> -> memref<16x128xf32, #tpu.memory_space<vmem_shared>>
        %dma_wait3A_154 = arith.constant 0 : i32
        %dma_wait3A_155 = tpu.memref_slice %arg18[%add3A_147, %dma_wait3A_154] : memref<10512x128xf32, #tpu.memory_space<vmem_shared>> -> memref<16x128xf32, #tpu.memory_space<vmem_shared>>
        tpu.wait_dma2 semaphore(%run_scoped3A : memref<!tpu.dma_semaphore, #tpu.memory_space<semaphore_mem>>) src(%arg17 : memref<16x128xf32, #tpu.memory_space<vmem>>) dst(%dma_wait3A_155 : memref<16x128xf32, #tpu.memory_space<vmem_shared>>)
        tpu.yield
      }) : () -> ()
    } else {
    }
    %barrier3A = arith.constant 0 : index
    tpu.barrier barrier_id(%barrier3A)
    %mul3A_89 = arith.constant 80 : i32
    %mul3A_90 = arith.muli %add3A, %mul3A_89 : i32
    %add3A_91 = arith.constant 0 : i32
    %add3A_92 = arith.addi %mul3A_90, %add3A_91 : i32
    %dma_wait3A = arith.constant 0 : i32
    %dma_wait3A_93 = tpu.memref_slice %arg3[%add3A_92, %dma_wait3A] : memref<2560x128xi32, #tpu.memory_space<hbm>> -> memref<1x128xi32, #tpu.memory_space<hbm>>
    %dma_wait3A_94 = tpu.memref_squeeze %dma_wait3A_93 : memref<1x128xi32, #tpu.memory_space<hbm>> -> memref<128xi32, #tpu.memory_space<hbm>>
    %dma_wait3A_95 = arith.constant 0 : i32
    %dma_wait3A_96 = tpu.memref_slice %arg3[%add3A_92, %dma_wait3A_95] : memref<2560x128xi32, #tpu.memory_space<hbm>> -> memref<1x128xi32, #tpu.memory_space<hbm>>
    %dma_wait3A_97 = tpu.memref_squeeze %dma_wait3A_96 : memref<1x128xi32, #tpu.memory_space<hbm>> -> memref<128xi32, #tpu.memory_space<hbm>>
    tpu.wait_dma2 semaphore(%arg21 : memref<!tpu.dma_semaphore, #tpu.memory_space<semaphore_mem>>) src(%dma_wait3A_97 : memref<128xi32, #tpu.memory_space<hbm>>) dst(%arg7 : memref<128xi32, #tpu.memory_space<vmem>>)
    %mul3A_98 = arith.constant 80 : i32
    %mul3A_99 = arith.muli %add3A, %mul3A_98 : i32
    %add3A_100 = arith.constant 0 : i32
    %add3A_101 = arith.addi %mul3A_99, %add3A_100 : i32
    %dma_wait3A_102 = arith.constant 0 : i32
    %dma_wait3A_103 = tpu.memref_slice %arg4[%add3A_101, %dma_wait3A_102] : memref<2560x128xi32, #tpu.memory_space<hbm>> -> memref<1x128xi32, #tpu.memory_space<hbm>>
    %dma_wait3A_104 = tpu.memref_squeeze %dma_wait3A_103 : memref<1x128xi32, #tpu.memory_space<hbm>> -> memref<128xi32, #tpu.memory_space<hbm>>
    %dma_wait3A_105 = arith.constant 0 : i32
    %dma_wait3A_106 = tpu.memref_slice %arg4[%add3A_101, %dma_wait3A_105] : memref<2560x128xi32, #tpu.memory_space<hbm>> -> memref<1x128xi32, #tpu.memory_space<hbm>>
    %dma_wait3A_107 = tpu.memref_squeeze %dma_wait3A_106 : memref<1x128xi32, #tpu.memory_space<hbm>> -> memref<128xi32, #tpu.memory_space<hbm>>
    tpu.wait_dma2 semaphore(%arg21 : memref<!tpu.dma_semaphore, #tpu.memory_space<semaphore_mem>>) src(%dma_wait3A_107 : memref<128xi32, #tpu.memory_space<hbm>>) dst(%arg11 : memref<128xi32, #tpu.memory_space<vmem>>)
    %dma_start3A_108 = arith.constant 0 : i32
    %dma_start3A_109 = arith.constant 0 : i32
    %dma_start3A_110 = tpu.memref_slice %arg2[%dma_start3A_108, %dma_start3A_109] : memref<10000x128xf32, #tpu.memory_space<hbm>> -> memref<10000x128xf32, #tpu.memory_space<hbm>>
    tpu.enqueue_indirect_dma source(%dma_start3A_110 : memref<10000x128xf32, #tpu.memory_space<hbm>>) target(%arg15 : memref<128x128xf32, #tpu.memory_space<vmem>>) offsets(%arg7 : memref<128xi32, #tpu.memory_space<vmem>>) semaphore(%arg19 : memref<!tpu.dma_semaphore, #tpu.memory_space<semaphore_mem>>)
    %mul3A_111 = arith.constant 80 : i32
    %mul3A_112 = arith.muli %add3A, %mul3A_111 : i32
    %add3A_113 = arith.constant 1 : i32
    %add3A_114 = arith.addi %mul3A_112, %add3A_113 : i32
    %dma_wait3A_115 = arith.constant 0 : i32
    %dma_wait3A_116 = tpu.memref_slice %arg3[%add3A_114, %dma_wait3A_115] : memref<2560x128xi32, #tpu.memory_space<hbm>> -> memref<1x128xi32, #tpu.memory_space<hbm>>
    %dma_wait3A_117 = tpu.memref_squeeze %dma_wait3A_116 : memref<1x128xi32, #tpu.memory_space<hbm>> -> memref<128xi32, #tpu.memory_space<hbm>>
    %dma_wait3A_118 = arith.constant 0 : i32
    %dma_wait3A_119 = tpu.memref_slice %arg3[%add3A_114, %dma_wait3A_118] : memref<2560x128xi32, #tpu.memory_space<hbm>> -> memref<1x128xi32, #tpu.memory_space<hbm>>
    %dma_wait3A_120 = tpu.memref_squeeze %dma_wait3A_119 : memref<1x128xi32, #tpu.memory_space<hbm>> -> memref<128xi32, #tpu.memory_space<hbm>>
    tpu.wait_dma2 semaphore(%arg22 : memref<!tpu.dma_semaphore, #tpu.memory_space<semaphore_mem>>) src(%dma_wait3A_120 : memref<128xi32, #tpu.memory_space<hbm>>) dst(%arg8 : memref<128xi32, #tpu.memory_space<vmem>>)
    %mul3A_121 = arith.constant 80 : i32
    %mul3A_122 = arith.muli %add3A, %mul3A_121 : i32
    %add3A_123 = arith.constant 1 : i32
    %add3A_124 = arith.addi %mul3A_122, %add3A_123 : i32
    %dma_wait3A_125 = arith.constant 0 : i32
    %dma_wait3A_126 = tpu.memref_slice %arg4[%add3A_124, %dma_wait3A_125] : memref<2560x128xi32, #tpu.memory_space<hbm>> -> memref<1x128xi32, #tpu.memory_space<hbm>>
    %dma_wait3A_127 = tpu.memref_squeeze %dma_wait3A_126 : memref<1x128xi32, #tpu.memory_space<hbm>> -> memref<128xi32, #tpu.memory_space<hbm>>
    %dma_wait3A_128 = arith.constant 0 : i32
    %dma_wait3A_129 = tpu.memref_slice %arg4[%add3A_124, %dma_wait3A_128] : memref<2560x128xi32, #tpu.memory_space<hbm>> -> memref<1x128xi32, #tpu.memory_space<hbm>>
    %dma_wait3A_130 = tpu.memref_squeeze %dma_wait3A_129 : memref<1x128xi32, #tpu.memory_space<hbm>> -> memref<128xi32, #tpu.memory_space<hbm>>
    tpu.wait_dma2 semaphore(%arg22 : memref<!tpu.dma_semaphore, #tpu.memory_space<semaphore_mem>>) src(%dma_wait3A_130 : memref<128xi32, #tpu.memory_space<hbm>>) dst(%arg12 : memref<128xi32, #tpu.memory_space<vmem>>)
    %dma_start3A_131 = arith.constant 0 : i32
    %dma_start3A_132 = arith.constant 0 : i32
    %dma_start3A_133 = tpu.memref_slice %arg2[%dma_start3A_131, %dma_start3A_132] : memref<10000x128xf32, #tpu.memory_space<hbm>> -> memref<10000x128xf32, #tpu.memory_space<hbm>>
    tpu.enqueue_indirect_dma source(%dma_start3A_133 : memref<10000x128xf32, #tpu.memory_space<hbm>>) target(%arg16 : memref<128x128xf32, #tpu.memory_space<vmem>>) offsets(%arg8 : memref<128xi32, #tpu.memory_space<vmem>>) semaphore(%arg20 : memref<!tpu.dma_semaphore, #tpu.memory_space<semaphore_mem>>)
    %scan3A_134 = arith.constant 0 : i32
    %scan3A_135 = arith.constant 0 : i32
    %scan3A_136 = arith.constant 20 : i32
    %scan3A_137 = arith.addi %scan3A_135, %scan3A_136 : i32
    %scan3A_138 = arith.constant 1 : i32
    scf.for %scan3A_146 = %scan3A_135 to %scan3A_137 step %scan3A_138  : i32 {
      %mul3A_147 = arith.constant 4 : i32
      %mul3A_148 = arith.muli %mul3A_147, %scan3A_146 : i32
      %dma_wait3A_149 = arith.constant 0 : i32
      %dma_wait3A_150 = arith.constant 0 : i32
      %dma_wait3A_151 = tpu.memref_slice %arg2[%dma_wait3A_149, %dma_wait3A_150] : memref<10000x128xf32, #tpu.memory_space<hbm>> -> memref<10000x128xf32, #tpu.memory_space<hbm>>
      tpu.wait_indirect_dma semaphore(%arg19 : memref<!tpu.dma_semaphore, #tpu.memory_space<semaphore_mem>>) src(%dma_wait3A_151 : memref<10000x128xf32, #tpu.memory_space<hbm>>) dst(%arg15 : memref<128x128xf32, #tpu.memory_space<vmem>>)
      "tpu.region"() ({
        %run_scoped3A = tpu.sem_alloc : memref<!tpu.dma_semaphore, #tpu.memory_space<semaphore_mem>>
        %dma_start3A_222 = arith.constant 0 : i32
        %dma_start3A_223 = arith.constant 0 : i32
        %dma_start3A_224 = tpu.memref_slice %arg18[%dma_start3A_222, %dma_start3A_223] : memref<10512x128xf32, #tpu.memory_space<vmem_shared>> -> memref<10512x128xf32, #tpu.memory_space<vmem_shared>>
        tpu.enqueue_indirect_dma source(%arg15 : memref<128x128xf32, #tpu.memory_space<vmem>>) target(%dma_start3A_224 : memref<10512x128xf32, #tpu.memory_space<vmem_shared>>) offsets(%arg11 : memref<128xi32, #tpu.memory_space<vmem>>) semaphore(%run_scoped3A : memref<!tpu.dma_semaphore, #tpu.memory_space<semaphore_mem>>) {add = true}
        %dma_wait3A_225 = arith.constant 0 : i32
        %dma_wait3A_226 = arith.constant 0 : i32
        %dma_wait3A_227 = tpu.memref_slice %arg18[%dma_wait3A_225, %dma_wait3A_226] : memref<10512x128xf32, #tpu.memory_space<vmem_shared>> -> memref<10512x128xf32, #tpu.memory_space<vmem_shared>>
        tpu.wait_indirect_dma semaphore(%run_scoped3A : memref<!tpu.dma_semaphore, #tpu.memory_space<semaphore_mem>>) src(%arg15 : memref<128x128xf32, #tpu.memory_space<vmem>>) dst(%dma_wait3A_227 : memref<10512x128xf32, #tpu.memory_space<vmem_shared>>)
        tpu.yield
      }) : () -> ()
      %add3A_152 = arith.constant 4 : i32
      %add3A_153 = arith.addi %mul3A_148, %add3A_152 : i32
      %lt3A = arith.constant 80 : i32
      %lt3A_154 = arith.cmpi slt, %add3A_153, %lt3A : i32
      %convert_element_type3A_155 = arith.extui %lt3A_154 : i1 to i32
      %cond3A_156 = arith.constant 0 : i32
      %cond3A_157 = arith.cmpi ne, %convert_element_type3A_155, %cond3A_156 : i32
      scf.if %cond3A_157 {
        %add3A_222 = arith.constant 4 : i32
        %add3A_223 = arith.addi %mul3A_148, %add3A_222 : i32
        %mul3A_224 = arith.constant 80 : i32
        %mul3A_225 = arith.muli %add3A, %mul3A_224 : i32
        %add3A_226 = arith.addi %mul3A_225, %add3A_223 : i32
        %dma_start3A_227 = arith.constant 0 : i32
        %dma_start3A_228 = tpu.memref_slice %arg3[%add3A_226, %dma_start3A_227] : memref<2560x128xi32, #tpu.memory_space<hbm>> -> memref<1x128xi32, #tpu.memory_space<hbm>>
        %dma_start3A_229 = tpu.memref_squeeze %dma_start3A_228 : memref<1x128xi32, #tpu.memory_space<hbm>> -> memref<128xi32, #tpu.memory_space<hbm>>
        %dma_start3A_230 = arith.constant 0 : i32
        %dma_start3A_231 = tpu.memref_slice %arg3[%add3A_226, %dma_start3A_230] : memref<2560x128xi32, #tpu.memory_space<hbm>> -> memref<1x128xi32, #tpu.memory_space<hbm>>
        %dma_start3A_232 = tpu.memref_squeeze %dma_start3A_231 : memref<1x128xi32, #tpu.memory_space<hbm>> -> memref<128xi32, #tpu.memory_space<hbm>>
        tpu.enqueue_dma source(%dma_start3A_232 : memref<128xi32, #tpu.memory_space<hbm>>) target(%arg7 : memref<128xi32, #tpu.memory_space<vmem>>) target_semaphore(%arg21 : memref<!tpu.dma_semaphore, #tpu.memory_space<semaphore_mem>>)
        %mul3A_233 = arith.constant 80 : i32
        %mul3A_234 = arith.muli %add3A, %mul3A_233 : i32
        %add3A_235 = arith.addi %mul3A_234, %add3A_223 : i32
        %dma_start3A_236 = arith.constant 0 : i32
        %dma_start3A_237 = tpu.memref_slice %arg4[%add3A_235, %dma_start3A_236] : memref<2560x128xi32, #tpu.memory_space<hbm>> -> memref<1x128xi32, #tpu.memory_space<hbm>>
        %dma_start3A_238 = tpu.memref_squeeze %dma_start3A_237 : memref<1x128xi32, #tpu.memory_space<hbm>> -> memref<128xi32, #tpu.memory_space<hbm>>
        %dma_start3A_239 = arith.constant 0 : i32
        %dma_start3A_240 = tpu.memref_slice %arg4[%add3A_235, %dma_start3A_239] : memref<2560x128xi32, #tpu.memory_space<hbm>> -> memref<1x128xi32, #tpu.memory_space<hbm>>
        %dma_start3A_241 = tpu.memref_squeeze %dma_start3A_240 : memref<1x128xi32, #tpu.memory_space<hbm>> -> memref<128xi32, #tpu.memory_space<hbm>>
        tpu.enqueue_dma source(%dma_start3A_241 : memref<128xi32, #tpu.memory_space<hbm>>) target(%arg11 : memref<128xi32, #tpu.memory_space<vmem>>) target_semaphore(%arg21 : memref<!tpu.dma_semaphore, #tpu.memory_space<semaphore_mem>>)
      } else {
      }
      %add3A_158 = arith.constant 2 : i32
      %add3A_159 = arith.addi %mul3A_148, %add3A_158 : i32
      %lt3A_160 = arith.constant 80 : i32
      %lt3A_161 = arith.cmpi slt, %add3A_159, %lt3A_160 : i32
      %convert_element_type3A_162 = arith.extui %lt3A_161 : i1 to i32
      %cond3A_163 = arith.constant 0 : i32
      %cond3A_164 = arith.cmpi ne, %convert_element_type3A_162, %cond3A_163 : i32
      scf.if %cond3A_164 {
        %add3A_222 = arith.constant 2 : i32
        %add3A_223 = arith.addi %mul3A_148, %add3A_222 : i32
        %mul3A_224 = arith.constant 80 : i32
        %mul3A_225 = arith.muli %add3A, %mul3A_224 : i32
        %add3A_226 = arith.addi %mul3A_225, %add3A_223 : i32
        %dma_wait3A_227 = arith.constant 0 : i32
        %dma_wait3A_228 = tpu.memref_slice %arg3[%add3A_226, %dma_wait3A_227] : memref<2560x128xi32, #tpu.memory_space<hbm>> -> memref<1x128xi32, #tpu.memory_space<hbm>>
        %dma_wait3A_229 = tpu.memref_squeeze %dma_wait3A_228 : memref<1x128xi32, #tpu.memory_space<hbm>> -> memref<128xi32, #tpu.memory_space<hbm>>
        %dma_wait3A_230 = arith.constant 0 : i32
        %dma_wait3A_231 = tpu.memref_slice %arg3[%add3A_226, %dma_wait3A_230] : memref<2560x128xi32, #tpu.memory_space<hbm>> -> memref<1x128xi32, #tpu.memory_space<hbm>>
        %dma_wait3A_232 = tpu.memref_squeeze %dma_wait3A_231 : memref<1x128xi32, #tpu.memory_space<hbm>> -> memref<128xi32, #tpu.memory_space<hbm>>
        tpu.wait_dma2 semaphore(%arg23 : memref<!tpu.dma_semaphore, #tpu.memory_space<semaphore_mem>>) src(%dma_wait3A_232 : memref<128xi32, #tpu.memory_space<hbm>>) dst(%arg9 : memref<128xi32, #tpu.memory_space<vmem>>)
        %mul3A_233 = arith.constant 80 : i32
        %mul3A_234 = arith.muli %add3A, %mul3A_233 : i32
        %add3A_235 = arith.addi %mul3A_234, %add3A_223 : i32
        %dma_wait3A_236 = arith.constant 0 : i32
        %dma_wait3A_237 = tpu.memref_slice %arg4[%add3A_235, %dma_wait3A_236] : memref<2560x128xi32, #tpu.memory_space<hbm>> -> memref<1x128xi32, #tpu.memory_space<hbm>>
        %dma_wait3A_238 = tpu.memref_squeeze %dma_wait3A_237 : memref<1x128xi32, #tpu.memory_space<hbm>> -> memref<128xi32, #tpu.memory_space<hbm>>
        %dma_wait3A_239 = arith.constant 0 : i32
        %dma_wait3A_240 = tpu.memref_slice %arg4[%add3A_235, %dma_wait3A_239] : memref<2560x128xi32, #tpu.memory_space<hbm>> -> memref<1x128xi32, #tpu.memory_space<hbm>>
        %dma_wait3A_241 = tpu.memref_squeeze %dma_wait3A_240 : memref<1x128xi32, #tpu.memory_space<hbm>> -> memref<128xi32, #tpu.memory_space<hbm>>
        tpu.wait_dma2 semaphore(%arg23 : memref<!tpu.dma_semaphore, #tpu.memory_space<semaphore_mem>>) src(%dma_wait3A_241 : memref<128xi32, #tpu.memory_space<hbm>>) dst(%arg13 : memref<128xi32, #tpu.memory_space<vmem>>)
        %dma_start3A_242 = arith.constant 0 : i32
        %dma_start3A_243 = arith.constant 0 : i32
        %dma_start3A_244 = tpu.memref_slice %arg2[%dma_start3A_242, %dma_start3A_243] : memref<10000x128xf32, #tpu.memory_space<hbm>> -> memref<10000x128xf32, #tpu.memory_space<hbm>>
        tpu.enqueue_indirect_dma source(%dma_start3A_244 : memref<10000x128xf32, #tpu.memory_space<hbm>>) target(%arg15 : memref<128x128xf32, #tpu.memory_space<vmem>>) offsets(%arg9 : memref<128xi32, #tpu.memory_space<vmem>>) semaphore(%arg19 : memref<!tpu.dma_semaphore, #tpu.memory_space<semaphore_mem>>)
      } else {
      }
      %add3A_165 = arith.constant 1 : i32
      %add3A_166 = arith.addi %mul3A_148, %add3A_165 : i32
      %dma_wait3A_167 = arith.constant 0 : i32
      %dma_wait3A_168 = arith.constant 0 : i32
      %dma_wait3A_169 = tpu.memref_slice %arg2[%dma_wait3A_167, %dma_wait3A_168] : memref<10000x128xf32, #tpu.memory_space<hbm>> -> memref<10000x128xf32, #tpu.memory_space<hbm>>
      tpu.wait_indirect_dma semaphore(%arg20 : memref<!tpu.dma_semaphore, #tpu.memory_space<semaphore_mem>>) src(%dma_wait3A_169 : memref<10000x128xf32, #tpu.memory_space<hbm>>) dst(%arg16 : memref<128x128xf32, #tpu.memory_space<vmem>>)
      "tpu.region"() ({
        %run_scoped3A = tpu.sem_alloc : memref<!tpu.dma_semaphore, #tpu.memory_space<semaphore_mem>>
        %dma_start3A_222 = arith.constant 0 : i32
        %dma_start3A_223 = arith.constant 0 : i32
        %dma_start3A_224 = tpu.memref_slice %arg18[%dma_start3A_222, %dma_start3A_223] : memref<10512x128xf32, #tpu.memory_space<vmem_shared>> -> memref<10512x128xf32, #tpu.memory_space<vmem_shared>>
        tpu.enqueue_indirect_dma source(%arg16 : memref<128x128xf32, #tpu.memory_space<vmem>>) target(%dma_start3A_224 : memref<10512x128xf32, #tpu.memory_space<vmem_shared>>) offsets(%arg12 : memref<128xi32, #tpu.memory_space<vmem>>) semaphore(%run_scoped3A : memref<!tpu.dma_semaphore, #tpu.memory_space<semaphore_mem>>) {add = true}
        %dma_wait3A_225 = arith.constant 0 : i32
        %dma_wait3A_226 = arith.constant 0 : i32
        %dma_wait3A_227 = tpu.memref_slice %arg18[%dma_wait3A_225, %dma_wait3A_226] : memref<10512x128xf32, #tpu.memory_space<vmem_shared>> -> memref<10512x128xf32, #tpu.memory_space<vmem_shared>>
        tpu.wait_indirect_dma semaphore(%run_scoped3A : memref<!tpu.dma_semaphore, #tpu.memory_space<semaphore_mem>>) src(%arg16 : memref<128x128xf32, #tpu.memory_space<vmem>>) dst(%dma_wait3A_227 : memref<10512x128xf32, #tpu.memory_space<vmem_shared>>)
        tpu.yield
      }) : () -> ()
      %add3A_170 = arith.constant 4 : i32
      %add3A_171 = arith.addi %add3A_166, %add3A_170 : i32
      %lt3A_172 = arith.constant 80 : i32
      %lt3A_173 = arith.cmpi slt, %add3A_171, %lt3A_172 : i32
      %convert_element_type3A_174 = arith.extui %lt3A_173 : i1 to i32
      %cond3A_175 = arith.constant 0 : i32
      %cond3A_176 = arith.cmpi ne, %convert_element_type3A_174, %cond3A_175 : i32
      scf.if %cond3A_176 {
        %add3A_222 = arith.constant 4 : i32
        %add3A_223 = arith.addi %add3A_166, %add3A_222 : i32
        %mul3A_224 = arith.constant 80 : i32
        %mul3A_225 = arith.muli %add3A, %mul3A_224 : i32
        %add3A_226 = arith.addi %mul3A_225, %add3A_223 : i32
        %dma_start3A_227 = arith.constant 0 : i32
        %dma_start3A_228 = tpu.memref_slice %arg3[%add3A_226, %dma_start3A_227] : memref<2560x128xi32, #tpu.memory_space<hbm>> -> memref<1x128xi32, #tpu.memory_space<hbm>>
        %dma_start3A_229 = tpu.memref_squeeze %dma_start3A_228 : memref<1x128xi32, #tpu.memory_space<hbm>> -> memref<128xi32, #tpu.memory_space<hbm>>
        %dma_start3A_230 = arith.constant 0 : i32
        %dma_start3A_231 = tpu.memref_slice %arg3[%add3A_226, %dma_start3A_230] : memref<2560x128xi32, #tpu.memory_space<hbm>> -> memref<1x128xi32, #tpu.memory_space<hbm>>
        %dma_start3A_232 = tpu.memref_squeeze %dma_start3A_231 : memref<1x128xi32, #tpu.memory_space<hbm>> -> memref<128xi32, #tpu.memory_space<hbm>>
        tpu.enqueue_dma source(%dma_start3A_232 : memref<128xi32, #tpu.memory_space<hbm>>) target(%arg8 : memref<128xi32, #tpu.memory_space<vmem>>) target_semaphore(%arg22 : memref<!tpu.dma_semaphore, #tpu.memory_space<semaphore_mem>>)
        %mul3A_233 = arith.constant 80 : i32
        %mul3A_234 = arith.muli %add3A, %mul3A_233 : i32
        %add3A_235 = arith.addi %mul3A_234, %add3A_223 : i32
        %dma_start3A_236 = arith.constant 0 : i32
        %dma_start3A_237 = tpu.memref_slice %arg4[%add3A_235, %dma_start3A_236] : memref<2560x128xi32, #tpu.memory_space<hbm>> -> memref<1x128xi32, #tpu.memory_space<hbm>>
        %dma_start3A_238 = tpu.memref_squeeze %dma_start3A_237 : memref<1x128xi32, #tpu.memory_space<hbm>> -> memref<128xi32, #tpu.memory_space<hbm>>
        %dma_start3A_239 = arith.constant 0 : i32
        %dma_start3A_240 = tpu.memref_slice %arg4[%add3A_235, %dma_start3A_239] : memref<2560x128xi32, #tpu.memory_space<hbm>> -> memref<1x128xi32, #tpu.memory_space<hbm>>
        %dma_start3A_241 = tpu.memref_squeeze %dma_start3A_240 : memref<1x128xi32, #tpu.memory_space<hbm>> -> memref<128xi32, #tpu.memory_space<hbm>>
        tpu.enqueue_dma source(%dma_start3A_241 : memref<128xi32, #tpu.memory_space<hbm>>) target(%arg12 : memref<128xi32, #tpu.memory_space<vmem>>) target_semaphore(%arg22 : memref<!tpu.dma_semaphore, #tpu.memory_space<semaphore_mem>>)
      } else {
      }
      %add3A_177 = arith.constant 2 : i32
      %add3A_178 = arith.addi %add3A_166, %add3A_177 : i32
      %lt3A_179 = arith.constant 80 : i32
      %lt3A_180 = arith.cmpi slt, %add3A_178, %lt3A_179 : i32
      %convert_element_type3A_181 = arith.extui %lt3A_180 : i1 to i32
      %cond3A_182 = arith.constant 0 : i32
      %cond3A_183 = arith.cmpi ne, %convert_element_type3A_181, %cond3A_182 : i32
      scf.if %cond3A_183 {
        %add3A_222 = arith.constant 2 : i32
        %add3A_223 = arith.addi %add3A_166, %add3A_222 : i32
        %mul3A_224 = arith.constant 80 : i32
        %mul3A_225 = arith.muli %add3A, %mul3A_224 : i32
        %add3A_226 = arith.addi %mul3A_225, %add3A_223 : i32
        %dma_wait3A_227 = arith.constant 0 : i32
        %dma_wait3A_228 = tpu.memref_slice %arg3[%add3A_226, %dma_wait3A_227] : memref<2560x128xi32, #tpu.memory_space<hbm>> -> memref<1x128xi32, #tpu.memory_space<hbm>>
        %dma_wait3A_229 = tpu.memref_squeeze %dma_wait3A_228 : memref<1x128xi32, #tpu.memory_space<hbm>> -> memref<128xi32, #tpu.memory_space<hbm>>
        %dma_wait3A_230 = arith.constant 0 : i32
        %dma_wait3A_231 = tpu.memref_slice %arg3[%add3A_226, %dma_wait3A_230] : memref<2560x128xi32, #tpu.memory_space<hbm>> -> memref<1x128xi32, #tpu.memory_space<hbm>>
        %dma_wait3A_232 = tpu.memref_squeeze %dma_wait3A_231 : memref<1x128xi32, #tpu.memory_space<hbm>> -> memref<128xi32, #tpu.memory_space<hbm>>
        tpu.wait_dma2 semaphore(%arg24 : memref<!tpu.dma_semaphore, #tpu.memory_space<semaphore_mem>>) src(%dma_wait3A_232 : memref<128xi32, #tpu.memory_space<hbm>>) dst(%arg10 : memref<128xi32, #tpu.memory_space<vmem>>)
        %mul3A_233 = arith.constant 80 : i32
        %mul3A_234 = arith.muli %add3A, %mul3A_233 : i32
        %add3A_235 = arith.addi %mul3A_234, %add3A_223 : i32
        %dma_wait3A_236 = arith.constant 0 : i32
        %dma_wait3A_237 = tpu.memref_slice %arg4[%add3A_235, %dma_wait3A_236] : memref<2560x128xi32, #tpu.memory_space<hbm>> -> memref<1x128xi32, #tpu.memory_space<hbm>>
        %dma_wait3A_238 = tpu.memref_squeeze %dma_wait3A_237 : memref<1x128xi32, #tpu.memory_space<hbm>> -> memref<128xi32, #tpu.memory_space<hbm>>
        %dma_wait3A_239 = arith.constant 0 : i32
        %dma_wait3A_240 = tpu.memref_slice %arg4[%add3A_235, %dma_wait3A_239] : memref<2560x128xi32, #tpu.memory_space<hbm>> -> memref<1x128xi32, #tpu.memory_space<hbm>>
        %dma_wait3A_241 = tpu.memref_squeeze %dma_wait3A_240 : memref<1x128xi32, #tpu.memory_space<hbm>> -> memref<128xi32, #tpu.memory_space<hbm>>
        tpu.wait_dma2 semaphore(%arg24 : memref<!tpu.dma_semaphore, #tpu.memory_space<semaphore_mem>>) src(%dma_wait3A_241 : memref<128xi32, #tpu.memory_space<hbm>>) dst(%arg14 : memref<128xi32, #tpu.memory_space<vmem>>)
        %dma_start3A_242 = arith.constant 0 : i32
        %dma_start3A_243 = arith.constant 0 : i32
        %dma_start3A_244 = tpu.memref_slice %arg2[%dma_start3A_242, %dma_start3A_243] : memref<10000x128xf32, #tpu.memory_space<hbm>> -> memref<10000x128xf32, #tpu.memory_space<hbm>>
        tpu.enqueue_indirect_dma source(%dma_start3A_244 : memref<10000x128xf32, #tpu.memory_space<hbm>>) target(%arg16 : memref<128x128xf32, #tpu.memory_space<vmem>>) offsets(%arg10 : memref<128xi32, #tpu.memory_space<vmem>>) semaphore(%arg20 : memref<!tpu.dma_semaphore, #tpu.memory_space<semaphore_mem>>)
      } else {
      }
      %add3A_184 = arith.constant 2 : i32
      %add3A_185 = arith.addi %mul3A_148, %add3A_184 : i32
      %dma_wait3A_186 = arith.constant 0 : i32
      %dma_wait3A_187 = arith.constant 0 : i32
      %dma_wait3A_188 = tpu.memref_slice %arg2[%dma_wait3A_186, %dma_wait3A_187] : memref<10000x128xf32, #tpu.memory_space<hbm>> -> memref<10000x128xf32, #tpu.memory_space<hbm>>
      tpu.wait_indirect_dma semaphore(%arg19 : memref<!tpu.dma_semaphore, #tpu.memory_space<semaphore_mem>>) src(%dma_wait3A_188 : memref<10000x128xf32, #tpu.memory_space<hbm>>) dst(%arg15 : memref<128x128xf32, #tpu.memory_space<vmem>>)
      "tpu.region"() ({
        %run_scoped3A = tpu.sem_alloc : memref<!tpu.dma_semaphore, #tpu.memory_space<semaphore_mem>>
        %dma_start3A_222 = arith.constant 0 : i32
        %dma_start3A_223 = arith.constant 0 : i32
        %dma_start3A_224 = tpu.memref_slice %arg18[%dma_start3A_222, %dma_start3A_223] : memref<10512x128xf32, #tpu.memory_space<vmem_shared>> -> memref<10512x128xf32, #tpu.memory_space<vmem_shared>>
        tpu.enqueue_indirect_dma source(%arg15 : memref<128x128xf32, #tpu.memory_space<vmem>>) target(%dma_start3A_224 : memref<10512x128xf32, #tpu.memory_space<vmem_shared>>) offsets(%arg13 : memref<128xi32, #tpu.memory_space<vmem>>) semaphore(%run_scoped3A : memref<!tpu.dma_semaphore, #tpu.memory_space<semaphore_mem>>) {add = true}
        %dma_wait3A_225 = arith.constant 0 : i32
        %dma_wait3A_226 = arith.constant 0 : i32
        %dma_wait3A_227 = tpu.memref_slice %arg18[%dma_wait3A_225, %dma_wait3A_226] : memref<10512x128xf32, #tpu.memory_space<vmem_shared>> -> memref<10512x128xf32, #tpu.memory_space<vmem_shared>>
        tpu.wait_indirect_dma semaphore(%run_scoped3A : memref<!tpu.dma_semaphore, #tpu.memory_space<semaphore_mem>>) src(%arg15 : memref<128x128xf32, #tpu.memory_space<vmem>>) dst(%dma_wait3A_227 : memref<10512x128xf32, #tpu.memory_space<vmem_shared>>)
        tpu.yield
      }) : () -> ()
      %add3A_189 = arith.constant 4 : i32
      %add3A_190 = arith.addi %add3A_185, %add3A_189 : i32
      %lt3A_191 = arith.constant 80 : i32
      %lt3A_192 = arith.cmpi slt, %add3A_190, %lt3A_191 : i32
      %convert_element_type3A_193 = arith.extui %lt3A_192 : i1 to i32
      %cond3A_194 = arith.constant 0 : i32
      %cond3A_195 = arith.cmpi ne, %convert_element_type3A_193, %cond3A_194 : i32
      scf.if %cond3A_195 {
        %add3A_222 = arith.constant 4 : i32
        %add3A_223 = arith.addi %add3A_185, %add3A_222 : i32
        %mul3A_224 = arith.constant 80 : i32
        %mul3A_225 = arith.muli %add3A, %mul3A_224 : i32
        %add3A_226 = arith.addi %mul3A_225, %add3A_223 : i32
        %dma_start3A_227 = arith.constant 0 : i32
        %dma_start3A_228 = tpu.memref_slice %arg3[%add3A_226, %dma_start3A_227] : memref<2560x128xi32, #tpu.memory_space<hbm>> -> memref<1x128xi32, #tpu.memory_space<hbm>>
        %dma_start3A_229 = tpu.memref_squeeze %dma_start3A_228 : memref<1x128xi32, #tpu.memory_space<hbm>> -> memref<128xi32, #tpu.memory_space<hbm>>
        %dma_start3A_230 = arith.constant 0 : i32
        %dma_start3A_231 = tpu.memref_slice %arg3[%add3A_226, %dma_start3A_230] : memref<2560x128xi32, #tpu.memory_space<hbm>> -> memref<1x128xi32, #tpu.memory_space<hbm>>
        %dma_start3A_232 = tpu.memref_squeeze %dma_start3A_231 : memref<1x128xi32, #tpu.memory_space<hbm>> -> memref<128xi32, #tpu.memory_space<hbm>>
        tpu.enqueue_dma source(%dma_start3A_232 : memref<128xi32, #tpu.memory_space<hbm>>) target(%arg9 : memref<128xi32, #tpu.memory_space<vmem>>) target_semaphore(%arg23 : memref<!tpu.dma_semaphore, #tpu.memory_space<semaphore_mem>>)
        %mul3A_233 = arith.constant 80 : i32
        %mul3A_234 = arith.muli %add3A, %mul3A_233 : i32
        %add3A_235 = arith.addi %mul3A_234, %add3A_223 : i32
        %dma_start3A_236 = arith.constant 0 : i32
        %dma_start3A_237 = tpu.memref_slice %arg4[%add3A_235, %dma_start3A_236] : memref<2560x128xi32, #tpu.memory_space<hbm>> -> memref<1x128xi32, #tpu.memory_space<hbm>>
        %dma_start3A_238 = tpu.memref_squeeze %dma_start3A_237 : memref<1x128xi32, #tpu.memory_space<hbm>> -> memref<128xi32, #tpu.memory_space<hbm>>
        %dma_start3A_239 = arith.constant 0 : i32
        %dma_start3A_240 = tpu.memref_slice %arg4[%add3A_235, %dma_start3A_239] : memref<2560x128xi32, #tpu.memory_space<hbm>> -> memref<1x128xi32, #tpu.memory_space<hbm>>
        %dma_start3A_241 = tpu.memref_squeeze %dma_start3A_240 : memref<1x128xi32, #tpu.memory_space<hbm>> -> memref<128xi32, #tpu.memory_space<hbm>>
        tpu.enqueue_dma source(%dma_start3A_241 : memref<128xi32, #tpu.memory_space<hbm>>) target(%arg13 : memref<128xi32, #tpu.memory_space<vmem>>) target_semaphore(%arg23 : memref<!tpu.dma_semaphore, #tpu.memory_space<semaphore_mem>>)
      } else {
      }
      %add3A_196 = arith.constant 2 : i32
      %add3A_197 = arith.addi %add3A_185, %add3A_196 : i32
      %lt3A_198 = arith.constant 80 : i32
      %lt3A_199 = arith.cmpi slt, %add3A_197, %lt3A_198 : i32
      %convert_element_type3A_200 = arith.extui %lt3A_199 : i1 to i32
      %cond3A_201 = arith.constant 0 : i32
      %cond3A_202 = arith.cmpi ne, %convert_element_type3A_200, %cond3A_201 : i32
      scf.if %cond3A_202 {
        %add3A_222 = arith.constant 2 : i32
        %add3A_223 = arith.addi %add3A_185, %add3A_222 : i32
        %mul3A_224 = arith.constant 80 : i32
        %mul3A_225 = arith.muli %add3A, %mul3A_224 : i32
        %add3A_226 = arith.addi %mul3A_225, %add3A_223 : i32
        %dma_wait3A_227 = arith.constant 0 : i32
        %dma_wait3A_228 = tpu.memref_slice %arg3[%add3A_226, %dma_wait3A_227] : memref<2560x128xi32, #tpu.memory_space<hbm>> -> memref<1x128xi32, #tpu.memory_space<hbm>>
        %dma_wait3A_229 = tpu.memref_squeeze %dma_wait3A_228 : memref<1x128xi32, #tpu.memory_space<hbm>> -> memref<128xi32, #tpu.memory_space<hbm>>
        %dma_wait3A_230 = arith.constant 0 : i32
        %dma_wait3A_231 = tpu.memref_slice %arg3[%add3A_226, %dma_wait3A_230] : memref<2560x128xi32, #tpu.memory_space<hbm>> -> memref<1x128xi32, #tpu.memory_space<hbm>>
        %dma_wait3A_232 = tpu.memref_squeeze %dma_wait3A_231 : memref<1x128xi32, #tpu.memory_space<hbm>> -> memref<128xi32, #tpu.memory_space<hbm>>
        tpu.wait_dma2 semaphore(%arg21 : memref<!tpu.dma_semaphore, #tpu.memory_space<semaphore_mem>>) src(%dma_wait3A_232 : memref<128xi32, #tpu.memory_space<hbm>>) dst(%arg7 : memref<128xi32, #tpu.memory_space<vmem>>)
        %mul3A_233 = arith.constant 80 : i32
        %mul3A_234 = arith.muli %add3A, %mul3A_233 : i32
        %add3A_235 = arith.addi %mul3A_234, %add3A_223 : i32
        %dma_wait3A_236 = arith.constant 0 : i32
        %dma_wait3A_237 = tpu.memref_slice %arg4[%add3A_235, %dma_wait3A_236] : memref<2560x128xi32, #tpu.memory_space<hbm>> -> memref<1x128xi32, #tpu.memory_space<hbm>>
        %dma_wait3A_238 = tpu.memref_squeeze %dma_wait3A_237 : memref<1x128xi32, #tpu.memory_space<hbm>> -> memref<128xi32, #tpu.memory_space<hbm>>
        %dma_wait3A_239 = arith.constant 0 : i32
        %dma_wait3A_240 = tpu.memref_slice %arg4[%add3A_235, %dma_wait3A_239] : memref<2560x128xi32, #tpu.memory_space<hbm>> -> memref<1x128xi32, #tpu.memory_space<hbm>>
        %dma_wait3A_241 = tpu.memref_squeeze %dma_wait3A_240 : memref<1x128xi32, #tpu.memory_space<hbm>> -> memref<128xi32, #tpu.memory_space<hbm>>
        tpu.wait_dma2 semaphore(%arg21 : memref<!tpu.dma_semaphore, #tpu.memory_space<semaphore_mem>>) src(%dma_wait3A_241 : memref<128xi32, #tpu.memory_space<hbm>>) dst(%arg11 : memref<128xi32, #tpu.memory_space<vmem>>)
        %dma_start3A_242 = arith.constant 0 : i32
        %dma_start3A_243 = arith.constant 0 : i32
        %dma_start3A_244 = tpu.memref_slice %arg2[%dma_start3A_242, %dma_start3A_243] : memref<10000x128xf32, #tpu.memory_space<hbm>> -> memref<10000x128xf32, #tpu.memory_space<hbm>>
        tpu.enqueue_indirect_dma source(%dma_start3A_244 : memref<10000x128xf32, #tpu.memory_space<hbm>>) target(%arg15 : memref<128x128xf32, #tpu.memory_space<vmem>>) offsets(%arg7 : memref<128xi32, #tpu.memory_space<vmem>>) semaphore(%arg19 : memref<!tpu.dma_semaphore, #tpu.memory_space<semaphore_mem>>)
      } else {
      }
      %add3A_203 = arith.constant 3 : i32
      %add3A_204 = arith.addi %mul3A_148, %add3A_203 : i32
      %dma_wait3A_205 = arith.constant 0 : i32
      %dma_wait3A_206 = arith.constant 0 : i32
      %dma_wait3A_207 = tpu.memref_slice %arg2[%dma_wait3A_205, %dma_wait3A_206] : memref<10000x128xf32, #tpu.memory_space<hbm>> -> memref<10000x128xf32, #tpu.memory_space<hbm>>
      tpu.wait_indirect_dma semaphore(%arg20 : memref<!tpu.dma_semaphore, #tpu.memory_space<semaphore_mem>>) src(%dma_wait3A_207 : memref<10000x128xf32, #tpu.memory_space<hbm>>) dst(%arg16 : memref<128x128xf32, #tpu.memory_space<vmem>>)
      "tpu.region"() ({
        %run_scoped3A = tpu.sem_alloc : memref<!tpu.dma_semaphore, #tpu.memory_space<semaphore_mem>>
        %dma_start3A_222 = arith.constant 0 : i32
        %dma_start3A_223 = arith.constant 0 : i32
        %dma_start3A_224 = tpu.memref_slice %arg18[%dma_start3A_222, %dma_start3A_223] : memref<10512x128xf32, #tpu.memory_space<vmem_shared>> -> memref<10512x128xf32, #tpu.memory_space<vmem_shared>>
        tpu.enqueue_indirect_dma source(%arg16 : memref<128x128xf32, #tpu.memory_space<vmem>>) target(%dma_start3A_224 : memref<10512x128xf32, #tpu.memory_space<vmem_shared>>) offsets(%arg14 : memref<128xi32, #tpu.memory_space<vmem>>) semaphore(%run_scoped3A : memref<!tpu.dma_semaphore, #tpu.memory_space<semaphore_mem>>) {add = true}
        %dma_wait3A_225 = arith.constant 0 : i32
        %dma_wait3A_226 = arith.constant 0 : i32
        %dma_wait3A_227 = tpu.memref_slice %arg18[%dma_wait3A_225, %dma_wait3A_226] : memref<10512x128xf32, #tpu.memory_space<vmem_shared>> -> memref<10512x128xf32, #tpu.memory_space<vmem_shared>>
        tpu.wait_indirect_dma semaphore(%run_scoped3A : memref<!tpu.dma_semaphore, #tpu.memory_space<semaphore_mem>>) src(%arg16 : memref<128x128xf32, #tpu.memory_space<vmem>>) dst(%dma_wait3A_227 : memref<10512x128xf32, #tpu.memory_space<vmem_shared>>)
        tpu.yield
      }) : () -> ()
      %add3A_208 = arith.constant 4 : i32
      %add3A_209 = arith.addi %add3A_204, %add3A_208 : i32
      %lt3A_210 = arith.constant 80 : i32
      %lt3A_211 = arith.cmpi slt, %add3A_209, %lt3A_210 : i32
      %convert_element_type3A_212 = arith.extui %lt3A_211 : i1 to i32
      %cond3A_213 = arith.constant 0 : i32
      %cond3A_214 = arith.cmpi ne, %convert_element_type3A_212, %cond3A_213 : i32
      scf.if %cond3A_214 {
        %add3A_222 = arith.constant 4 : i32
        %add3A_223 = arith.addi %add3A_204, %add3A_222 : i32
        %mul3A_224 = arith.constant 80 : i32
        %mul3A_225 = arith.muli %add3A, %mul3A_224 : i32
        %add3A_226 = arith.addi %mul3A_225, %add3A_223 : i32
        %dma_start3A_227 = arith.constant 0 : i32
        %dma_start3A_228 = tpu.memref_slice %arg3[%add3A_226, %dma_start3A_227] : memref<2560x128xi32, #tpu.memory_space<hbm>> -> memref<1x128xi32, #tpu.memory_space<hbm>>
        %dma_start3A_229 = tpu.memref_squeeze %dma_start3A_228 : memref<1x128xi32, #tpu.memory_space<hbm>> -> memref<128xi32, #tpu.memory_space<hbm>>
        %dma_start3A_230 = arith.constant 0 : i32
        %dma_start3A_231 = tpu.memref_slice %arg3[%add3A_226, %dma_start3A_230] : memref<2560x128xi32, #tpu.memory_space<hbm>> -> memref<1x128xi32, #tpu.memory_space<hbm>>
        %dma_start3A_232 = tpu.memref_squeeze %dma_start3A_231 : memref<1x128xi32, #tpu.memory_space<hbm>> -> memref<128xi32, #tpu.memory_space<hbm>>
        tpu.enqueue_dma source(%dma_start3A_232 : memref<128xi32, #tpu.memory_space<hbm>>) target(%arg10 : memref<128xi32, #tpu.memory_space<vmem>>) target_semaphore(%arg24 : memref<!tpu.dma_semaphore, #tpu.memory_space<semaphore_mem>>)
        %mul3A_233 = arith.constant 80 : i32
        %mul3A_234 = arith.muli %add3A, %mul3A_233 : i32
        %add3A_235 = arith.addi %mul3A_234, %add3A_223 : i32
        %dma_start3A_236 = arith.constant 0 : i32
        %dma_start3A_237 = tpu.memref_slice %arg4[%add3A_235, %dma_start3A_236] : memref<2560x128xi32, #tpu.memory_space<hbm>> -> memref<1x128xi32, #tpu.memory_space<hbm>>
        %dma_start3A_238 = tpu.memref_squeeze %dma_start3A_237 : memref<1x128xi32, #tpu.memory_space<hbm>> -> memref<128xi32, #tpu.memory_space<hbm>>
        %dma_start3A_239 = arith.constant 0 : i32
        %dma_start3A_240 = tpu.memref_slice %arg4[%add3A_235, %dma_start3A_239] : memref<2560x128xi32, #tpu.memory_space<hbm>> -> memref<1x128xi32, #tpu.memory_space<hbm>>
        %dma_start3A_241 = tpu.memref_squeeze %dma_start3A_240 : memref<1x128xi32, #tpu.memory_space<hbm>> -> memref<128xi32, #tpu.memory_space<hbm>>
        tpu.enqueue_dma source(%dma_start3A_241 : memref<128xi32, #tpu.memory_space<hbm>>) target(%arg14 : memref<128xi32, #tpu.memory_space<vmem>>) target_semaphore(%arg24 : memref<!tpu.dma_semaphore, #tpu.memory_space<semaphore_mem>>)
      } else {
      }
      %add3A_215 = arith.constant 2 : i32
      %add3A_216 = arith.addi %add3A_204, %add3A_215 : i32
      %lt3A_217 = arith.constant 80 : i32
      %lt3A_218 = arith.cmpi slt, %add3A_216, %lt3A_217 : i32
      %convert_element_type3A_219 = arith.extui %lt3A_218 : i1 to i32
      %cond3A_220 = arith.constant 0 : i32
      %cond3A_221 = arith.cmpi ne, %convert_element_type3A_219, %cond3A_220 : i32
      scf.if %cond3A_221 {
        %add3A_222 = arith.constant 2 : i32
        %add3A_223 = arith.addi %add3A_204, %add3A_222 : i32
        %mul3A_224 = arith.constant 80 : i32
        %mul3A_225 = arith.muli %add3A, %mul3A_224 : i32
        %add3A_226 = arith.addi %mul3A_225, %add3A_223 : i32
        %dma_wait3A_227 = arith.constant 0 : i32
        %dma_wait3A_228 = tpu.memref_slice %arg3[%add3A_226, %dma_wait3A_227] : memref<2560x128xi32, #tpu.memory_space<hbm>> -> memref<1x128xi32, #tpu.memory_space<hbm>>
        %dma_wait3A_229 = tpu.memref_squeeze %dma_wait3A_228 : memref<1x128xi32, #tpu.memory_space<hbm>> -> memref<128xi32, #tpu.memory_space<hbm>>
        %dma_wait3A_230 = arith.constant 0 : i32
        %dma_wait3A_231 = tpu.memref_slice %arg3[%add3A_226, %dma_wait3A_230] : memref<2560x128xi32, #tpu.memory_space<hbm>> -> memref<1x128xi32, #tpu.memory_space<hbm>>
        %dma_wait3A_232 = tpu.memref_squeeze %dma_wait3A_231 : memref<1x128xi32, #tpu.memory_space<hbm>> -> memref<128xi32, #tpu.memory_space<hbm>>
        tpu.wait_dma2 semaphore(%arg22 : memref<!tpu.dma_semaphore, #tpu.memory_space<semaphore_mem>>) src(%dma_wait3A_232 : memref<128xi32, #tpu.memory_space<hbm>>) dst(%arg8 : memref<128xi32, #tpu.memory_space<vmem>>)
        %mul3A_233 = arith.constant 80 : i32
        %mul3A_234 = arith.muli %add3A, %mul3A_233 : i32
        %add3A_235 = arith.addi %mul3A_234, %add3A_223 : i32
        %dma_wait3A_236 = arith.constant 0 : i32
        %dma_wait3A_237 = tpu.memref_slice %arg4[%add3A_235, %dma_wait3A_236] : memref<2560x128xi32, #tpu.memory_space<hbm>> -> memref<1x128xi32, #tpu.memory_space<hbm>>
        %dma_wait3A_238 = tpu.memref_squeeze %dma_wait3A_237 : memref<1x128xi32, #tpu.memory_space<hbm>> -> memref<128xi32, #tpu.memory_space<hbm>>
        %dma_wait3A_239 = arith.constant 0 : i32
        %dma_wait3A_240 = tpu.memref_slice %arg4[%add3A_235, %dma_wait3A_239] : memref<2560x128xi32, #tpu.memory_space<hbm>> -> memref<1x128xi32, #tpu.memory_space<hbm>>
        %dma_wait3A_241 = tpu.memref_squeeze %dma_wait3A_240 : memref<1x128xi32, #tpu.memory_space<hbm>> -> memref<128xi32, #tpu.memory_space<hbm>>
        tpu.wait_dma2 semaphore(%arg22 : memref<!tpu.dma_semaphore, #tpu.memory_space<semaphore_mem>>) src(%dma_wait3A_241 : memref<128xi32, #tpu.memory_space<hbm>>) dst(%arg12 : memref<128xi32, #tpu.memory_space<vmem>>)
        %dma_start3A_242 = arith.constant 0 : i32
        %dma_start3A_243 = arith.constant 0 : i32
        %dma_start3A_244 = tpu.memref_slice %arg2[%dma_start3A_242, %dma_start3A_243] : memref<10000x128xf32, #tpu.memory_space<hbm>> -> memref<10000x128xf32, #tpu.memory_space<hbm>>
        tpu.enqueue_indirect_dma source(%dma_start3A_244 : memref<10000x128xf32, #tpu.memory_space<hbm>>) target(%arg16 : memref<128x128xf32, #tpu.memory_space<vmem>>) offsets(%arg8 : memref<128xi32, #tpu.memory_space<vmem>>) semaphore(%arg20 : memref<!tpu.dma_semaphore, #tpu.memory_space<semaphore_mem>>)
      } else {
      }
    }
    %scan3A_139 = arith.constant 20 : i32
    %barrier3A_140 = arith.constant 0 : index
    tpu.barrier barrier_id(%barrier3A_140)
    "tpu.region"() ({
      %run_scoped3A = tpu.sem_alloc : memref<!tpu.dma_semaphore, #tpu.memory_space<semaphore_mem>>
      %dma_start3A_146 = arith.constant 0 : i32
      %dma_start3A_147 = tpu.memref_slice %arg6[%arg0, %mul3A_2, %dma_start3A_146] : memref<2x10000x128xf32, #tpu.memory_space<hbm>> -> memref<1x624x128xf32, #tpu.memory_space<hbm>>
      %dma_start3A_148 = tpu.memref_squeeze %dma_start3A_147 : memref<1x624x128xf32, #tpu.memory_space<hbm>> -> memref<624x128xf32, #tpu.memory_space<hbm>>
      %dma_start3A_149 = arith.constant 0 : i32
      %dma_start3A_150 = tpu.memref_slice %arg18[%mul3A_2, %dma_start3A_149] : memref<10512x128xf32, #tpu.memory_space<vmem_shared>> -> memref<624x128xf32, #tpu.memory_space<vmem_shared>>
      tpu.enqueue_dma source(%dma_start3A_150 : memref<624x128xf32, #tpu.memory_space<vmem_shared>>) target(%dma_start3A_148 : memref<624x128xf32, #tpu.memory_space<hbm>>) target_semaphore(%run_scoped3A : memref<!tpu.dma_semaphore, #tpu.memory_space<semaphore_mem>>)
      %dma_wait3A_151 = arith.constant 0 : i32
      %dma_wait3A_152 = tpu.memref_slice %arg6[%arg0, %mul3A_2, %dma_wait3A_151] : memref<2x10000x128xf32, #tpu.memory_space<hbm>> -> memref<1x624x128xf32, #tpu.memory_space<hbm>>
      %dma_wait3A_153 = tpu.memref_squeeze %dma_wait3A_152 : memref<1x624x128xf32, #tpu.memory_space<hbm>> -> memref<624x128xf32, #tpu.memory_space<hbm>>
      %dma_wait3A_154 = arith.constant 0 : i32
      %dma_wait3A_155 = tpu.memref_slice %arg18[%mul3A_2, %dma_wait3A_154] : memref<10512x128xf32, #tpu.memory_space<vmem_shared>> -> memref<624x128xf32, #tpu.memory_space<vmem_shared>>
      tpu.wait_dma2 semaphore(%run_scoped3A : memref<!tpu.dma_semaphore, #tpu.memory_space<semaphore_mem>>) src(%dma_wait3A_155 : memref<624x128xf32, #tpu.memory_space<vmem_shared>>) dst(%dma_wait3A_153 : memref<624x128xf32, #tpu.memory_space<hbm>>)
      tpu.yield
    }) : () -> ()
    %eq3A_141 = arith.constant 15 : i32
    %eq3A_142 = arith.cmpi eq, %arg1, %eq3A_141 : i32
    %convert_element_type3A_143 = arith.extui %eq3A_142 : i1 to i32
    %cond3A_144 = arith.constant 0 : i32
    %cond3A_145 = arith.cmpi ne, %convert_element_type3A_143, %cond3A_144 : i32
    scf.if %cond3A_145 {
      %add3A_146 = arith.constant 624 : i32
      %add3A_147 = arith.addi %mul3A_2, %add3A_146 : i32
      %add3A_148 = arith.constant 624 : i32
      %add3A_149 = arith.addi %mul3A_2, %add3A_148 : i32
      "tpu.region"() ({
        %run_scoped3A = tpu.sem_alloc : memref<!tpu.dma_semaphore, #tpu.memory_space<semaphore_mem>>
        %dma_start3A_150 = arith.constant 0 : i32
        %dma_start3A_151 = tpu.memref_slice %arg6[%arg0, %add3A_149, %dma_start3A_150] : memref<2x10000x128xf32, #tpu.memory_space<hbm>> -> memref<1x16x128xf32, #tpu.memory_space<hbm>>
        %dma_start3A_152 = tpu.memref_squeeze %dma_start3A_151 : memref<1x16x128xf32, #tpu.memory_space<hbm>> -> memref<16x128xf32, #tpu.memory_space<hbm>>
        %dma_start3A_153 = arith.constant 0 : i32
        %dma_start3A_154 = tpu.memref_slice %arg18[%add3A_147, %dma_start3A_153] : memref<10512x128xf32, #tpu.memory_space<vmem_shared>> -> memref<16x128xf32, #tpu.memory_space<vmem_shared>>
        tpu.enqueue_dma source(%dma_start3A_154 : memref<16x128xf32, #tpu.memory_space<vmem_shared>>) target(%dma_start3A_152 : memref<16x128xf32, #tpu.memory_space<hbm>>) target_semaphore(%run_scoped3A : memref<!tpu.dma_semaphore, #tpu.memory_space<semaphore_mem>>)
        %dma_wait3A_155 = arith.constant 0 : i32
        %dma_wait3A_156 = tpu.memref_slice %arg6[%arg0, %add3A_149, %dma_wait3A_155] : memref<2x10000x128xf32, #tpu.memory_space<hbm>> -> memref<1x16x128xf32, #tpu.memory_space<hbm>>
        %dma_wait3A_157 = tpu.memref_squeeze %dma_wait3A_156 : memref<1x16x128xf32, #tpu.memory_space<hbm>> -> memref<16x128xf32, #tpu.memory_space<hbm>>
        %dma_wait3A_158 = arith.constant 0 : i32
        %dma_wait3A_159 = tpu.memref_slice %arg18[%add3A_147, %dma_wait3A_158] : memref<10512x128xf32, #tpu.memory_space<vmem_shared>> -> memref<16x128xf32, #tpu.memory_space<vmem_shared>>
        tpu.wait_dma2 semaphore(%run_scoped3A : memref<!tpu.dma_semaphore, #tpu.memory_space<semaphore_mem>>) src(%dma_wait3A_159 : memref<16x128xf32, #tpu.memory_space<vmem_shared>>) dst(%dma_wait3A_157 : memref<16x128xf32, #tpu.memory_space<hbm>>)
        tpu.yield
      }) : () -> ()
    } else {
    }
    return
  }
}

#map = affine_map<(d0, d1) -> (0, 0)>
#map1 = affine_map<(d0, d1) -> (0, 0, 0)>
module attributes {stable_mosaic.version = 14 : i64} {
  func.func @scat_kernel(%arg0: i32, %arg1: i32, %arg2: memref<10000x128xf32, #tpu.memory_space<hbm>>, %arg3: memref<2560x128xi32, #tpu.memory_space<hbm>>, %arg4: memref<2560x128xi32, #tpu.memory_space<hbm>>, %arg5: memref<16x128xf32, #tpu.memory_space<hbm>>, %arg6: memref<2x10000x128xf32, #tpu.memory_space<hbm>>, %arg7: memref<128xi32, #tpu.memory_space<vmem>>, %arg8: memref<128xi32, #tpu.memory_space<vmem>>, %arg9: memref<128xi32, #tpu.memory_space<vmem>>, %arg10: memref<128xi32, #tpu.memory_space<vmem>>, %arg11: memref<128xi32, #tpu.memory_space<vmem>>, %arg12: memref<128xi32, #tpu.memory_space<vmem>>, %arg13: memref<128xi32, #tpu.memory_space<vmem>>, %arg14: memref<128xi32, #tpu.memory_space<vmem>>, %arg15: memref<128x128xf32, #tpu.memory_space<vmem>>, %arg16: memref<128x128xf32, #tpu.memory_space<vmem>>, %arg17: memref<16x128xf32, #tpu.memory_space<vmem>>, %arg18: memref<10512x128xf32, #tpu.memory_space<vmem_shared>>, %arg19: memref<!tpu.dma_semaphore, #tpu.memory_space<semaphore_mem>>, %arg20: memref<!tpu.dma_semaphore, #tpu.memory_space<semaphore_mem>>, %arg21: memref<!tpu.dma_semaphore, #tpu.memory_space<semaphore_mem>>, %arg22: memref<!tpu.dma_semaphore, #tpu.memory_space<semaphore_mem>>, %arg23: memref<!tpu.dma_semaphore, #tpu.memory_space<semaphore_mem>>, %arg24: memref<!tpu.dma_semaphore, #tpu.memory_space<semaphore_mem>>) attributes {dimension_semantics = [#tpu.dimension_semantics<core_parallel>, #tpu.dimension_semantics<subcore_parallel>], iteration_bounds = array<i64: 2, 16>, scalar_prefetch = 0 : i64, scratch_operands = 18 : i64, tpu.core_type = #tpu.core_type<sc_vector_subcore>, window_params = [{transform_indices = #map}, {transform_indices = #map}, {transform_indices = #map}, {transform_indices = #map}, {transform_indices = #map1}]} {
    %mul3A = arith.constant 16 : i32
    %mul3A_0 = arith.muli %arg0, %mul3A : i32
    %add3A = arith.addi %mul3A_0, %arg1 : i32
    %mul3A_1 = arith.constant 624 : i32
    %mul3A_2 = arith.muli %arg1, %mul3A_1 : i32
    %mul3A_3 = arith.constant 80 : i32
    %mul3A_4 = arith.muli %add3A, %mul3A_3 : i32
    %add3A_5 = arith.constant 0 : i32
    %add3A_6 = arith.addi %mul3A_4, %add3A_5 : i32
    %dma_start3A = arith.constant 0 : i32
    %dma_start3A_7 = tpu.memref_slice %arg3[%add3A_6, %dma_start3A] : memref<2560x128xi32, #tpu.memory_space<hbm>> -> memref<1x128xi32, #tpu.memory_space<hbm>>
    %dma_start3A_8 = tpu.memref_squeeze %dma_start3A_7 : memref<1x128xi32, #tpu.memory_space<hbm>> -> memref<128xi32, #tpu.memory_space<hbm>>
    %dma_start3A_9 = arith.constant 0 : i32
    %dma_start3A_10 = tpu.memref_slice %arg3[%add3A_6, %dma_start3A_9] : memref<2560x128xi32, #tpu.memory_space<hbm>> -> memref<1x128xi32, #tpu.memory_space<hbm>>
    %dma_start3A_11 = tpu.memref_squeeze %dma_start3A_10 : memref<1x128xi32, #tpu.memory_space<hbm>> -> memref<128xi32, #tpu.memory_space<hbm>>
    tpu.enqueue_dma source(%dma_start3A_11 : memref<128xi32, #tpu.memory_space<hbm>>) target(%arg7 : memref<128xi32, #tpu.memory_space<vmem>>) target_semaphore(%arg21 : memref<!tpu.dma_semaphore, #tpu.memory_space<semaphore_mem>>)
    %mul3A_12 = arith.constant 80 : i32
    %mul3A_13 = arith.muli %add3A, %mul3A_12 : i32
    %add3A_14 = arith.constant 0 : i32
    %add3A_15 = arith.addi %mul3A_13, %add3A_14 : i32
    %dma_start3A_16 = arith.constant 0 : i32
    %dma_start3A_17 = tpu.memref_slice %arg4[%add3A_15, %dma_start3A_16] : memref<2560x128xi32, #tpu.memory_space<hbm>> -> memref<1x128xi32, #tpu.memory_space<hbm>>
    %dma_start3A_18 = tpu.memref_squeeze %dma_start3A_17 : memref<1x128xi32, #tpu.memory_space<hbm>> -> memref<128xi32, #tpu.memory_space<hbm>>
    %dma_start3A_19 = arith.constant 0 : i32
    %dma_start3A_20 = tpu.memref_slice %arg4[%add3A_15, %dma_start3A_19] : memref<2560x128xi32, #tpu.memory_space<hbm>> -> memref<1x128xi32, #tpu.memory_space<hbm>>
    %dma_start3A_21 = tpu.memref_squeeze %dma_start3A_20 : memref<1x128xi32, #tpu.memory_space<hbm>> -> memref<128xi32, #tpu.memory_space<hbm>>
    tpu.enqueue_dma source(%dma_start3A_21 : memref<128xi32, #tpu.memory_space<hbm>>) target(%arg11 : memref<128xi32, #tpu.memory_space<vmem>>) target_semaphore(%arg21 : memref<!tpu.dma_semaphore, #tpu.memory_space<semaphore_mem>>)
    %mul3A_22 = arith.constant 80 : i32
    %mul3A_23 = arith.muli %add3A, %mul3A_22 : i32
    %add3A_24 = arith.constant 1 : i32
    %add3A_25 = arith.addi %mul3A_23, %add3A_24 : i32
    %dma_start3A_26 = arith.constant 0 : i32
    %dma_start3A_27 = tpu.memref_slice %arg3[%add3A_25, %dma_start3A_26] : memref<2560x128xi32, #tpu.memory_space<hbm>> -> memref<1x128xi32, #tpu.memory_space<hbm>>
    %dma_start3A_28 = tpu.memref_squeeze %dma_start3A_27 : memref<1x128xi32, #tpu.memory_space<hbm>> -> memref<128xi32, #tpu.memory_space<hbm>>
    %dma_start3A_29 = arith.constant 0 : i32
    %dma_start3A_30 = tpu.memref_slice %arg3[%add3A_25, %dma_start3A_29] : memref<2560x128xi32, #tpu.memory_space<hbm>> -> memref<1x128xi32, #tpu.memory_space<hbm>>
    %dma_start3A_31 = tpu.memref_squeeze %dma_start3A_30 : memref<1x128xi32, #tpu.memory_space<hbm>> -> memref<128xi32, #tpu.memory_space<hbm>>
    tpu.enqueue_dma source(%dma_start3A_31 : memref<128xi32, #tpu.memory_space<hbm>>) target(%arg8 : memref<128xi32, #tpu.memory_space<vmem>>) target_semaphore(%arg22 : memref<!tpu.dma_semaphore, #tpu.memory_space<semaphore_mem>>)
    %mul3A_32 = arith.constant 80 : i32
    %mul3A_33 = arith.muli %add3A, %mul3A_32 : i32
    %add3A_34 = arith.constant 1 : i32
    %add3A_35 = arith.addi %mul3A_33, %add3A_34 : i32
    %dma_start3A_36 = arith.constant 0 : i32
    %dma_start3A_37 = tpu.memref_slice %arg4[%add3A_35, %dma_start3A_36] : memref<2560x128xi32, #tpu.memory_space<hbm>> -> memref<1x128xi32, #tpu.memory_space<hbm>>
    %dma_start3A_38 = tpu.memref_squeeze %dma_start3A_37 : memref<1x128xi32, #tpu.memory_space<hbm>> -> memref<128xi32, #tpu.memory_space<hbm>>
    %dma_start3A_39 = arith.constant 0 : i32
    %dma_start3A_40 = tpu.memref_slice %arg4[%add3A_35, %dma_start3A_39] : memref<2560x128xi32, #tpu.memory_space<hbm>> -> memref<1x128xi32, #tpu.memory_space<hbm>>
    %dma_start3A_41 = tpu.memref_squeeze %dma_start3A_40 : memref<1x128xi32, #tpu.memory_space<hbm>> -> memref<128xi32, #tpu.memory_space<hbm>>
    tpu.enqueue_dma source(%dma_start3A_41 : memref<128xi32, #tpu.memory_space<hbm>>) target(%arg12 : memref<128xi32, #tpu.memory_space<vmem>>) target_semaphore(%arg22 : memref<!tpu.dma_semaphore, #tpu.memory_space<semaphore_mem>>)
    %mul3A_42 = arith.constant 80 : i32
    %mul3A_43 = arith.muli %add3A, %mul3A_42 : i32
    %add3A_44 = arith.constant 2 : i32
    %add3A_45 = arith.addi %mul3A_43, %add3A_44 : i32
    %dma_start3A_46 = arith.constant 0 : i32
    %dma_start3A_47 = tpu.memref_slice %arg3[%add3A_45, %dma_start3A_46] : memref<2560x128xi32, #tpu.memory_space<hbm>> -> memref<1x128xi32, #tpu.memory_space<hbm>>
    %dma_start3A_48 = tpu.memref_squeeze %dma_start3A_47 : memref<1x128xi32, #tpu.memory_space<hbm>> -> memref<128xi32, #tpu.memory_space<hbm>>
    %dma_start3A_49 = arith.constant 0 : i32
    %dma_start3A_50 = tpu.memref_slice %arg3[%add3A_45, %dma_start3A_49] : memref<2560x128xi32, #tpu.memory_space<hbm>> -> memref<1x128xi32, #tpu.memory_space<hbm>>
    %dma_start3A_51 = tpu.memref_squeeze %dma_start3A_50 : memref<1x128xi32, #tpu.memory_space<hbm>> -> memref<128xi32, #tpu.memory_space<hbm>>
    tpu.enqueue_dma source(%dma_start3A_51 : memref<128xi32, #tpu.memory_space<hbm>>) target(%arg9 : memref<128xi32, #tpu.memory_space<vmem>>) target_semaphore(%arg23 : memref<!tpu.dma_semaphore, #tpu.memory_space<semaphore_mem>>)
    %mul3A_52 = arith.constant 80 : i32
    %mul3A_53 = arith.muli %add3A, %mul3A_52 : i32
    %add3A_54 = arith.constant 2 : i32
    %add3A_55 = arith.addi %mul3A_53, %add3A_54 : i32
    %dma_start3A_56 = arith.constant 0 : i32
    %dma_start3A_57 = tpu.memref_slice %arg4[%add3A_55, %dma_start3A_56] : memref<2560x128xi32, #tpu.memory_space<hbm>> -> memref<1x128xi32, #tpu.memory_space<hbm>>
    %dma_start3A_58 = tpu.memref_squeeze %dma_start3A_57 : memref<1x128xi32, #tpu.memory_space<hbm>> -> memref<128xi32, #tpu.memory_space<hbm>>
    %dma_start3A_59 = arith.constant 0 : i32
    %dma_start3A_60 = tpu.memref_slice %arg4[%add3A_55, %dma_start3A_59] : memref<2560x128xi32, #tpu.memory_space<hbm>> -> memref<1x128xi32, #tpu.memory_space<hbm>>
    %dma_start3A_61 = tpu.memref_squeeze %dma_start3A_60 : memref<1x128xi32, #tpu.memory_space<hbm>> -> memref<128xi32, #tpu.memory_space<hbm>>
    tpu.enqueue_dma source(%dma_start3A_61 : memref<128xi32, #tpu.memory_space<hbm>>) target(%arg13 : memref<128xi32, #tpu.memory_space<vmem>>) target_semaphore(%arg23 : memref<!tpu.dma_semaphore, #tpu.memory_space<semaphore_mem>>)
    %mul3A_62 = arith.constant 80 : i32
    %mul3A_63 = arith.muli %add3A, %mul3A_62 : i32
    %add3A_64 = arith.constant 3 : i32
    %add3A_65 = arith.addi %mul3A_63, %add3A_64 : i32
    %dma_start3A_66 = arith.constant 0 : i32
    %dma_start3A_67 = tpu.memref_slice %arg3[%add3A_65, %dma_start3A_66] : memref<2560x128xi32, #tpu.memory_space<hbm>> -> memref<1x128xi32, #tpu.memory_space<hbm>>
    %dma_start3A_68 = tpu.memref_squeeze %dma_start3A_67 : memref<1x128xi32, #tpu.memory_space<hbm>> -> memref<128xi32, #tpu.memory_space<hbm>>
    %dma_start3A_69 = arith.constant 0 : i32
    %dma_start3A_70 = tpu.memref_slice %arg3[%add3A_65, %dma_start3A_69] : memref<2560x128xi32, #tpu.memory_space<hbm>> -> memref<1x128xi32, #tpu.memory_space<hbm>>
    %dma_start3A_71 = tpu.memref_squeeze %dma_start3A_70 : memref<1x128xi32, #tpu.memory_space<hbm>> -> memref<128xi32, #tpu.memory_space<hbm>>
    tpu.enqueue_dma source(%dma_start3A_71 : memref<128xi32, #tpu.memory_space<hbm>>) target(%arg10 : memref<128xi32, #tpu.memory_space<vmem>>) target_semaphore(%arg24 : memref<!tpu.dma_semaphore, #tpu.memory_space<semaphore_mem>>)
    %mul3A_72 = arith.constant 80 : i32
    %mul3A_73 = arith.muli %add3A, %mul3A_72 : i32
    %add3A_74 = arith.constant 3 : i32
    %add3A_75 = arith.addi %mul3A_73, %add3A_74 : i32
    %dma_start3A_76 = arith.constant 0 : i32
    %dma_start3A_77 = tpu.memref_slice %arg4[%add3A_75, %dma_start3A_76] : memref<2560x128xi32, #tpu.memory_space<hbm>> -> memref<1x128xi32, #tpu.memory_space<hbm>>
    %dma_start3A_78 = tpu.memref_squeeze %dma_start3A_77 : memref<1x128xi32, #tpu.memory_space<hbm>> -> memref<128xi32, #tpu.memory_space<hbm>>
    %dma_start3A_79 = arith.constant 0 : i32
    %dma_start3A_80 = tpu.memref_slice %arg4[%add3A_75, %dma_start3A_79] : memref<2560x128xi32, #tpu.memory_space<hbm>> -> memref<1x128xi32, #tpu.memory_space<hbm>>
    %dma_start3A_81 = tpu.memref_squeeze %dma_start3A_80 : memref<1x128xi32, #tpu.memory_space<hbm>> -> memref<128xi32, #tpu.memory_space<hbm>>
    tpu.enqueue_dma source(%dma_start3A_81 : memref<128xi32, #tpu.memory_space<hbm>>) target(%arg14 : memref<128xi32, #tpu.memory_space<vmem>>) target_semaphore(%arg24 : memref<!tpu.dma_semaphore, #tpu.memory_space<semaphore_mem>>)
    "tpu.region"() ({
      %run_scoped3A = tpu.sem_alloc : memref<!tpu.dma_semaphore, #tpu.memory_space<semaphore_mem>>
      tpu.enqueue_dma source(%arg5 : memref<16x128xf32, #tpu.memory_space<hbm>>) target(%arg17 : memref<16x128xf32, #tpu.memory_space<vmem>>) target_semaphore(%run_scoped3A : memref<!tpu.dma_semaphore, #tpu.memory_space<semaphore_mem>>)
      tpu.wait_dma2 semaphore(%run_scoped3A : memref<!tpu.dma_semaphore, #tpu.memory_space<semaphore_mem>>) src(%arg5 : memref<16x128xf32, #tpu.memory_space<hbm>>) dst(%arg17 : memref<16x128xf32, #tpu.memory_space<vmem>>)
      tpu.yield
    }) : () -> ()
    %scan3A = arith.constant 0 : i32
    %scan3A_82 = arith.constant 0 : i32
    %scan3A_83 = arith.constant 39 : i32
    %scan3A_84 = arith.addi %scan3A_82, %scan3A_83 : i32
    %scan3A_85 = arith.constant 1 : i32
    scf.for %scan3A_146 = %scan3A_82 to %scan3A_84 step %scan3A_85  : i32 {
      %mul3A_147 = arith.constant 16 : i32
      %mul3A_148 = arith.muli %scan3A_146, %mul3A_147 : i32
      %add3A_149 = arith.addi %mul3A_2, %mul3A_148 : i32
      "tpu.region"() ({
        %run_scoped3A = tpu.sem_alloc : memref<!tpu.dma_semaphore, #tpu.memory_space<semaphore_mem>>
        %dma_start3A_150 = arith.constant 0 : i32
        %dma_start3A_151 = tpu.memref_slice %arg18[%add3A_149, %dma_start3A_150] : memref<10512x128xf32, #tpu.memory_space<vmem_shared>> -> memref<16x128xf32, #tpu.memory_space<vmem_shared>>
        %dma_start3A_152 = arith.constant 0 : i32
        %dma_start3A_153 = tpu.memref_slice %arg18[%add3A_149, %dma_start3A_152] : memref<10512x128xf32, #tpu.memory_space<vmem_shared>> -> memref<16x128xf32, #tpu.memory_space<vmem_shared>>
        tpu.enqueue_dma source(%arg17 : memref<16x128xf32, #tpu.memory_space<vmem>>) target(%dma_start3A_153 : memref<16x128xf32, #tpu.memory_space<vmem_shared>>) target_semaphore(%run_scoped3A : memref<!tpu.dma_semaphore, #tpu.memory_space<semaphore_mem>>)
        %dma_wait3A_154 = arith.constant 0 : i32
        %dma_wait3A_155 = tpu.memref_slice %arg18[%add3A_149, %dma_wait3A_154] : memref<10512x128xf32, #tpu.memory_space<vmem_shared>> -> memref<16x128xf32, #tpu.memory_space<vmem_shared>>
        %dma_wait3A_156 = arith.constant 0 : i32
        %dma_wait3A_157 = tpu.memref_slice %arg18[%add3A_149, %dma_wait3A_156] : memref<10512x128xf32, #tpu.memory_space<vmem_shared>> -> memref<16x128xf32, #tpu.memory_space<vmem_shared>>
        tpu.wait_dma2 semaphore(%run_scoped3A : memref<!tpu.dma_semaphore, #tpu.memory_space<semaphore_mem>>) src(%arg17 : memref<16x128xf32, #tpu.memory_space<vmem>>) dst(%dma_wait3A_157 : memref<16x128xf32, #tpu.memory_space<vmem_shared>>)
        tpu.yield
      }) : () -> ()
    }
    %scan3A_86 = arith.constant 39 : i32
    %eq3A = arith.constant 15 : i32
    %eq3A_87 = arith.cmpi eq, %arg1, %eq3A : i32
    %convert_element_type3A = arith.extui %eq3A_87 : i1 to i32
    %cond3A = arith.constant 0 : i32
    %cond3A_88 = arith.cmpi ne, %convert_element_type3A, %cond3A : i32
    scf.if %cond3A_88 {
      %add3A_146 = arith.constant 624 : i32
      %add3A_147 = arith.addi %mul3A_2, %add3A_146 : i32
      "tpu.region"() ({
        %run_scoped3A = tpu.sem_alloc : memref<!tpu.dma_semaphore, #tpu.memory_space<semaphore_mem>>
        %dma_start3A_148 = arith.constant 0 : i32
        %dma_start3A_149 = tpu.memref_slice %arg18[%add3A_147, %dma_start3A_148] : memref<10512x128xf32, #tpu.memory_space<vmem_shared>> -> memref<16x128xf32, #tpu.memory_space<vmem_shared>>
        %dma_start3A_150 = arith.constant 0 : i32
        %dma_start3A_151 = tpu.memref_slice %arg18[%add3A_147, %dma_start3A_150] : memref<10512x128xf32, #tpu.memory_space<vmem_shared>> -> memref<16x128xf32, #tpu.memory_space<vmem_shared>>
        tpu.enqueue_dma source(%arg17 : memref<16x128xf32, #tpu.memory_space<vmem>>) target(%dma_start3A_151 : memref<16x128xf32, #tpu.memory_space<vmem_shared>>) target_semaphore(%run_scoped3A : memref<!tpu.dma_semaphore, #tpu.memory_space<semaphore_mem>>)
        %dma_wait3A_152 = arith.constant 0 : i32
        %dma_wait3A_153 = tpu.memref_slice %arg18[%add3A_147, %dma_wait3A_152] : memref<10512x128xf32, #tpu.memory_space<vmem_shared>> -> memref<16x128xf32, #tpu.memory_space<vmem_shared>>
        %dma_wait3A_154 = arith.constant 0 : i32
        %dma_wait3A_155 = tpu.memref_slice %arg18[%add3A_147, %dma_wait3A_154] : memref<10512x128xf32, #tpu.memory_space<vmem_shared>> -> memref<16x128xf32, #tpu.memory_space<vmem_shared>>
        tpu.wait_dma2 semaphore(%run_scoped3A : memref<!tpu.dma_semaphore, #tpu.memory_space<semaphore_mem>>) src(%arg17 : memref<16x128xf32, #tpu.memory_space<vmem>>) dst(%dma_wait3A_155 : memref<16x128xf32, #tpu.memory_space<vmem_shared>>)
        tpu.yield
      }) : () -> ()
    } else {
    }
    %barrier3A = arith.constant 0 : index
    tpu.barrier barrier_id(%barrier3A)
    %mul3A_89 = arith.constant 80 : i32
    %mul3A_90 = arith.muli %add3A, %mul3A_89 : i32
    %add3A_91 = arith.constant 0 : i32
    %add3A_92 = arith.addi %mul3A_90, %add3A_91 : i32
    %dma_wait3A = arith.constant 0 : i32
    %dma_wait3A_93 = tpu.memref_slice %arg3[%add3A_92, %dma_wait3A] : memref<2560x128xi32, #tpu.memory_space<hbm>> -> memref<1x128xi32, #tpu.memory_space<hbm>>
    %dma_wait3A_94 = tpu.memref_squeeze %dma_wait3A_93 : memref<1x128xi32, #tpu.memory_space<hbm>> -> memref<128xi32, #tpu.memory_space<hbm>>
    %dma_wait3A_95 = arith.constant 0 : i32
    %dma_wait3A_96 = tpu.memref_slice %arg3[%add3A_92, %dma_wait3A_95] : memref<2560x128xi32, #tpu.memory_space<hbm>> -> memref<1x128xi32, #tpu.memory_space<hbm>>
    %dma_wait3A_97 = tpu.memref_squeeze %dma_wait3A_96 : memref<1x128xi32, #tpu.memory_space<hbm>> -> memref<128xi32, #tpu.memory_space<hbm>>
    tpu.wait_dma2 semaphore(%arg21 : memref<!tpu.dma_semaphore, #tpu.memory_space<semaphore_mem>>) src(%dma_wait3A_97 : memref<128xi32, #tpu.memory_space<hbm>>) dst(%arg7 : memref<128xi32, #tpu.memory_space<vmem>>)
    %mul3A_98 = arith.constant 80 : i32
    %mul3A_99 = arith.muli %add3A, %mul3A_98 : i32
    %add3A_100 = arith.constant 0 : i32
    %add3A_101 = arith.addi %mul3A_99, %add3A_100 : i32
    %dma_wait3A_102 = arith.constant 0 : i32
    %dma_wait3A_103 = tpu.memref_slice %arg4[%add3A_101, %dma_wait3A_102] : memref<2560x128xi32, #tpu.memory_space<hbm>> -> memref<1x128xi32, #tpu.memory_space<hbm>>
    %dma_wait3A_104 = tpu.memref_squeeze %dma_wait3A_103 : memref<1x128xi32, #tpu.memory_space<hbm>> -> memref<128xi32, #tpu.memory_space<hbm>>
    %dma_wait3A_105 = arith.constant 0 : i32
    %dma_wait3A_106 = tpu.memref_slice %arg4[%add3A_101, %dma_wait3A_105] : memref<2560x128xi32, #tpu.memory_space<hbm>> -> memref<1x128xi32, #tpu.memory_space<hbm>>
    %dma_wait3A_107 = tpu.memref_squeeze %dma_wait3A_106 : memref<1x128xi32, #tpu.memory_space<hbm>> -> memref<128xi32, #tpu.memory_space<hbm>>
    tpu.wait_dma2 semaphore(%arg21 : memref<!tpu.dma_semaphore, #tpu.memory_space<semaphore_mem>>) src(%dma_wait3A_107 : memref<128xi32, #tpu.memory_space<hbm>>) dst(%arg11 : memref<128xi32, #tpu.memory_space<vmem>>)
    %dma_start3A_108 = arith.constant 0 : i32
    %dma_start3A_109 = arith.constant 0 : i32
    %dma_start3A_110 = tpu.memref_slice %arg2[%dma_start3A_108, %dma_start3A_109] : memref<10000x128xf32, #tpu.memory_space<hbm>> -> memref<10000x128xf32, #tpu.memory_space<hbm>>
    tpu.enqueue_indirect_dma source(%dma_start3A_110 : memref<10000x128xf32, #tpu.memory_space<hbm>>) target(%arg15 : memref<128x128xf32, #tpu.memory_space<vmem>>) offsets(%arg7 : memref<128xi32, #tpu.memory_space<vmem>>) semaphore(%arg19 : memref<!tpu.dma_semaphore, #tpu.memory_space<semaphore_mem>>)
    %mul3A_111 = arith.constant 80 : i32
    %mul3A_112 = arith.muli %add3A, %mul3A_111 : i32
    %add3A_113 = arith.constant 1 : i32
    %add3A_114 = arith.addi %mul3A_112, %add3A_113 : i32
    %dma_wait3A_115 = arith.constant 0 : i32
    %dma_wait3A_116 = tpu.memref_slice %arg3[%add3A_114, %dma_wait3A_115] : memref<2560x128xi32, #tpu.memory_space<hbm>> -> memref<1x128xi32, #tpu.memory_space<hbm>>
    %dma_wait3A_117 = tpu.memref_squeeze %dma_wait3A_116 : memref<1x128xi32, #tpu.memory_space<hbm>> -> memref<128xi32, #tpu.memory_space<hbm>>
    %dma_wait3A_118 = arith.constant 0 : i32
    %dma_wait3A_119 = tpu.memref_slice %arg3[%add3A_114, %dma_wait3A_118] : memref<2560x128xi32, #tpu.memory_space<hbm>> -> memref<1x128xi32, #tpu.memory_space<hbm>>
    %dma_wait3A_120 = tpu.memref_squeeze %dma_wait3A_119 : memref<1x128xi32, #tpu.memory_space<hbm>> -> memref<128xi32, #tpu.memory_space<hbm>>
    tpu.wait_dma2 semaphore(%arg22 : memref<!tpu.dma_semaphore, #tpu.memory_space<semaphore_mem>>) src(%dma_wait3A_120 : memref<128xi32, #tpu.memory_space<hbm>>) dst(%arg8 : memref<128xi32, #tpu.memory_space<vmem>>)
    %mul3A_121 = arith.constant 80 : i32
    %mul3A_122 = arith.muli %add3A, %mul3A_121 : i32
    %add3A_123 = arith.constant 1 : i32
    %add3A_124 = arith.addi %mul3A_122, %add3A_123 : i32
    %dma_wait3A_125 = arith.constant 0 : i32
    %dma_wait3A_126 = tpu.memref_slice %arg4[%add3A_124, %dma_wait3A_125] : memref<2560x128xi32, #tpu.memory_space<hbm>> -> memref<1x128xi32, #tpu.memory_space<hbm>>
    %dma_wait3A_127 = tpu.memref_squeeze %dma_wait3A_126 : memref<1x128xi32, #tpu.memory_space<hbm>> -> memref<128xi32, #tpu.memory_space<hbm>>
    %dma_wait3A_128 = arith.constant 0 : i32
    %dma_wait3A_129 = tpu.memref_slice %arg4[%add3A_124, %dma_wait3A_128] : memref<2560x128xi32, #tpu.memory_space<hbm>> -> memref<1x128xi32, #tpu.memory_space<hbm>>
    %dma_wait3A_130 = tpu.memref_squeeze %dma_wait3A_129 : memref<1x128xi32, #tpu.memory_space<hbm>> -> memref<128xi32, #tpu.memory_space<hbm>>
    tpu.wait_dma2 semaphore(%arg22 : memref<!tpu.dma_semaphore, #tpu.memory_space<semaphore_mem>>) src(%dma_wait3A_130 : memref<128xi32, #tpu.memory_space<hbm>>) dst(%arg12 : memref<128xi32, #tpu.memory_space<vmem>>)
    %dma_start3A_131 = arith.constant 0 : i32
    %dma_start3A_132 = arith.constant 0 : i32
    %dma_start3A_133 = tpu.memref_slice %arg2[%dma_start3A_131, %dma_start3A_132] : memref<10000x128xf32, #tpu.memory_space<hbm>> -> memref<10000x128xf32, #tpu.memory_space<hbm>>
    tpu.enqueue_indirect_dma source(%dma_start3A_133 : memref<10000x128xf32, #tpu.memory_space<hbm>>) target(%arg16 : memref<128x128xf32, #tpu.memory_space<vmem>>) offsets(%arg8 : memref<128xi32, #tpu.memory_space<vmem>>) semaphore(%arg20 : memref<!tpu.dma_semaphore, #tpu.memory_space<semaphore_mem>>)
    %scan3A_134 = arith.constant 0 : i32
    %scan3A_135 = arith.constant 0 : i32
    %scan3A_136 = arith.constant 20 : i32
    %scan3A_137 = arith.addi %scan3A_135, %scan3A_136 : i32
    %scan3A_138 = arith.constant 1 : i32
    scf.for %scan3A_146 = %scan3A_135 to %scan3A_137 step %scan3A_138  : i32 {
      %mul3A_147 = arith.constant 4 : i32
      %mul3A_148 = arith.muli %mul3A_147, %scan3A_146 : i32
      %dma_wait3A_149 = arith.constant 0 : i32
      %dma_wait3A_150 = arith.constant 0 : i32
      %dma_wait3A_151 = tpu.memref_slice %arg2[%dma_wait3A_149, %dma_wait3A_150] : memref<10000x128xf32, #tpu.memory_space<hbm>> -> memref<10000x128xf32, #tpu.memory_space<hbm>>
      tpu.wait_indirect_dma semaphore(%arg19 : memref<!tpu.dma_semaphore, #tpu.memory_space<semaphore_mem>>) src(%dma_wait3A_151 : memref<10000x128xf32, #tpu.memory_space<hbm>>) dst(%arg15 : memref<128x128xf32, #tpu.memory_space<vmem>>)
      "tpu.region"() ({
        %run_scoped3A = tpu.sem_alloc : memref<!tpu.dma_semaphore, #tpu.memory_space<semaphore_mem>>
        %dma_start3A_222 = arith.constant 0 : i32
        %dma_start3A_223 = arith.constant 0 : i32
        %dma_start3A_224 = tpu.memref_slice %arg18[%dma_start3A_222, %dma_start3A_223] : memref<10512x128xf32, #tpu.memory_space<vmem_shared>> -> memref<10512x128xf32, #tpu.memory_space<vmem_shared>>
        tpu.enqueue_indirect_dma source(%arg15 : memref<128x128xf32, #tpu.memory_space<vmem>>) target(%dma_start3A_224 : memref<10512x128xf32, #tpu.memory_space<vmem_shared>>) offsets(%arg11 : memref<128xi32, #tpu.memory_space<vmem>>) semaphore(%run_scoped3A : memref<!tpu.dma_semaphore, #tpu.memory_space<semaphore_mem>>) {add = true}
        %dma_wait3A_225 = arith.constant 0 : i32
        %dma_wait3A_226 = arith.constant 0 : i32
        %dma_wait3A_227 = tpu.memref_slice %arg18[%dma_wait3A_225, %dma_wait3A_226] : memref<10512x128xf32, #tpu.memory_space<vmem_shared>> -> memref<10512x128xf32, #tpu.memory_space<vmem_shared>>
        tpu.wait_indirect_dma semaphore(%run_scoped3A : memref<!tpu.dma_semaphore, #tpu.memory_space<semaphore_mem>>) src(%arg15 : memref<128x128xf32, #tpu.memory_space<vmem>>) dst(%dma_wait3A_227 : memref<10512x128xf32, #tpu.memory_space<vmem_shared>>)
        tpu.yield
      }) : () -> ()
      %add3A_152 = arith.constant 4 : i32
      %add3A_153 = arith.addi %mul3A_148, %add3A_152 : i32
      %lt3A = arith.constant 80 : i32
      %lt3A_154 = arith.cmpi slt, %add3A_153, %lt3A : i32
      %convert_element_type3A_155 = arith.extui %lt3A_154 : i1 to i32
      %cond3A_156 = arith.constant 0 : i32
      %cond3A_157 = arith.cmpi ne, %convert_element_type3A_155, %cond3A_156 : i32
      scf.if %cond3A_157 {
        %add3A_222 = arith.constant 4 : i32
        %add3A_223 = arith.addi %mul3A_148, %add3A_222 : i32
        %mul3A_224 = arith.constant 80 : i32
        %mul3A_225 = arith.muli %add3A, %mul3A_224 : i32
        %add3A_226 = arith.addi %mul3A_225, %add3A_223 : i32
        %dma_start3A_227 = arith.constant 0 : i32
        %dma_start3A_228 = tpu.memref_slice %arg3[%add3A_226, %dma_start3A_227] : memref<2560x128xi32, #tpu.memory_space<hbm>> -> memref<1x128xi32, #tpu.memory_space<hbm>>
        %dma_start3A_229 = tpu.memref_squeeze %dma_start3A_228 : memref<1x128xi32, #tpu.memory_space<hbm>> -> memref<128xi32, #tpu.memory_space<hbm>>
        %dma_start3A_230 = arith.constant 0 : i32
        %dma_start3A_231 = tpu.memref_slice %arg3[%add3A_226, %dma_start3A_230] : memref<2560x128xi32, #tpu.memory_space<hbm>> -> memref<1x128xi32, #tpu.memory_space<hbm>>
        %dma_start3A_232 = tpu.memref_squeeze %dma_start3A_231 : memref<1x128xi32, #tpu.memory_space<hbm>> -> memref<128xi32, #tpu.memory_space<hbm>>
        tpu.enqueue_dma source(%dma_start3A_232 : memref<128xi32, #tpu.memory_space<hbm>>) target(%arg7 : memref<128xi32, #tpu.memory_space<vmem>>) target_semaphore(%arg21 : memref<!tpu.dma_semaphore, #tpu.memory_space<semaphore_mem>>)
        %mul3A_233 = arith.constant 80 : i32
        %mul3A_234 = arith.muli %add3A, %mul3A_233 : i32
        %add3A_235 = arith.addi %mul3A_234, %add3A_223 : i32
        %dma_start3A_236 = arith.constant 0 : i32
        %dma_start3A_237 = tpu.memref_slice %arg4[%add3A_235, %dma_start3A_236] : memref<2560x128xi32, #tpu.memory_space<hbm>> -> memref<1x128xi32, #tpu.memory_space<hbm>>
        %dma_start3A_238 = tpu.memref_squeeze %dma_start3A_237 : memref<1x128xi32, #tpu.memory_space<hbm>> -> memref<128xi32, #tpu.memory_space<hbm>>
        %dma_start3A_239 = arith.constant 0 : i32
        %dma_start3A_240 = tpu.memref_slice %arg4[%add3A_235, %dma_start3A_239] : memref<2560x128xi32, #tpu.memory_space<hbm>> -> memref<1x128xi32, #tpu.memory_space<hbm>>
        %dma_start3A_241 = tpu.memref_squeeze %dma_start3A_240 : memref<1x128xi32, #tpu.memory_space<hbm>> -> memref<128xi32, #tpu.memory_space<hbm>>
        tpu.enqueue_dma source(%dma_start3A_241 : memref<128xi32, #tpu.memory_space<hbm>>) target(%arg11 : memref<128xi32, #tpu.memory_space<vmem>>) target_semaphore(%arg21 : memref<!tpu.dma_semaphore, #tpu.memory_space<semaphore_mem>>)
      } else {
      }
      %add3A_158 = arith.constant 2 : i32
      %add3A_159 = arith.addi %mul3A_148, %add3A_158 : i32
      %lt3A_160 = arith.constant 80 : i32
      %lt3A_161 = arith.cmpi slt, %add3A_159, %lt3A_160 : i32
      %convert_element_type3A_162 = arith.extui %lt3A_161 : i1 to i32
      %cond3A_163 = arith.constant 0 : i32
      %cond3A_164 = arith.cmpi ne, %convert_element_type3A_162, %cond3A_163 : i32
      scf.if %cond3A_164 {
        %add3A_222 = arith.constant 2 : i32
        %add3A_223 = arith.addi %mul3A_148, %add3A_222 : i32
        %mul3A_224 = arith.constant 80 : i32
        %mul3A_225 = arith.muli %add3A, %mul3A_224 : i32
        %add3A_226 = arith.addi %mul3A_225, %add3A_223 : i32
        %dma_wait3A_227 = arith.constant 0 : i32
        %dma_wait3A_228 = tpu.memref_slice %arg3[%add3A_226, %dma_wait3A_227] : memref<2560x128xi32, #tpu.memory_space<hbm>> -> memref<1x128xi32, #tpu.memory_space<hbm>>
        %dma_wait3A_229 = tpu.memref_squeeze %dma_wait3A_228 : memref<1x128xi32, #tpu.memory_space<hbm>> -> memref<128xi32, #tpu.memory_space<hbm>>
        %dma_wait3A_230 = arith.constant 0 : i32
        %dma_wait3A_231 = tpu.memref_slice %arg3[%add3A_226, %dma_wait3A_230] : memref<2560x128xi32, #tpu.memory_space<hbm>> -> memref<1x128xi32, #tpu.memory_space<hbm>>
        %dma_wait3A_232 = tpu.memref_squeeze %dma_wait3A_231 : memref<1x128xi32, #tpu.memory_space<hbm>> -> memref<128xi32, #tpu.memory_space<hbm>>
        tpu.wait_dma2 semaphore(%arg23 : memref<!tpu.dma_semaphore, #tpu.memory_space<semaphore_mem>>) src(%dma_wait3A_232 : memref<128xi32, #tpu.memory_space<hbm>>) dst(%arg9 : memref<128xi32, #tpu.memory_space<vmem>>)
        %mul3A_233 = arith.constant 80 : i32
        %mul3A_234 = arith.muli %add3A, %mul3A_233 : i32
        %add3A_235 = arith.addi %mul3A_234, %add3A_223 : i32
        %dma_wait3A_236 = arith.constant 0 : i32
        %dma_wait3A_237 = tpu.memref_slice %arg4[%add3A_235, %dma_wait3A_236] : memref<2560x128xi32, #tpu.memory_space<hbm>> -> memref<1x128xi32, #tpu.memory_space<hbm>>
        %dma_wait3A_238 = tpu.memref_squeeze %dma_wait3A_237 : memref<1x128xi32, #tpu.memory_space<hbm>> -> memref<128xi32, #tpu.memory_space<hbm>>
        %dma_wait3A_239 = arith.constant 0 : i32
        %dma_wait3A_240 = tpu.memref_slice %arg4[%add3A_235, %dma_wait3A_239] : memref<2560x128xi32, #tpu.memory_space<hbm>> -> memref<1x128xi32, #tpu.memory_space<hbm>>
        %dma_wait3A_241 = tpu.memref_squeeze %dma_wait3A_240 : memref<1x128xi32, #tpu.memory_space<hbm>> -> memref<128xi32, #tpu.memory_space<hbm>>
        tpu.wait_dma2 semaphore(%arg23 : memref<!tpu.dma_semaphore, #tpu.memory_space<semaphore_mem>>) src(%dma_wait3A_241 : memref<128xi32, #tpu.memory_space<hbm>>) dst(%arg13 : memref<128xi32, #tpu.memory_space<vmem>>)
        %dma_start3A_242 = arith.constant 0 : i32
        %dma_start3A_243 = arith.constant 0 : i32
        %dma_start3A_244 = tpu.memref_slice %arg2[%dma_start3A_242, %dma_start3A_243] : memref<10000x128xf32, #tpu.memory_space<hbm>> -> memref<10000x128xf32, #tpu.memory_space<hbm>>
        tpu.enqueue_indirect_dma source(%dma_start3A_244 : memref<10000x128xf32, #tpu.memory_space<hbm>>) target(%arg15 : memref<128x128xf32, #tpu.memory_space<vmem>>) offsets(%arg9 : memref<128xi32, #tpu.memory_space<vmem>>) semaphore(%arg19 : memref<!tpu.dma_semaphore, #tpu.memory_space<semaphore_mem>>)
      } else {
      }
      %add3A_165 = arith.constant 1 : i32
      %add3A_166 = arith.addi %mul3A_148, %add3A_165 : i32
      %dma_wait3A_167 = arith.constant 0 : i32
      %dma_wait3A_168 = arith.constant 0 : i32
      %dma_wait3A_169 = tpu.memref_slice %arg2[%dma_wait3A_167, %dma_wait3A_168] : memref<10000x128xf32, #tpu.memory_space<hbm>> -> memref<10000x128xf32, #tpu.memory_space<hbm>>
      tpu.wait_indirect_dma semaphore(%arg20 : memref<!tpu.dma_semaphore, #tpu.memory_space<semaphore_mem>>) src(%dma_wait3A_169 : memref<10000x128xf32, #tpu.memory_space<hbm>>) dst(%arg16 : memref<128x128xf32, #tpu.memory_space<vmem>>)
      "tpu.region"() ({
        %run_scoped3A = tpu.sem_alloc : memref<!tpu.dma_semaphore, #tpu.memory_space<semaphore_mem>>
        %dma_start3A_222 = arith.constant 0 : i32
        %dma_start3A_223 = arith.constant 0 : i32
        %dma_start3A_224 = tpu.memref_slice %arg18[%dma_start3A_222, %dma_start3A_223] : memref<10512x128xf32, #tpu.memory_space<vmem_shared>> -> memref<10512x128xf32, #tpu.memory_space<vmem_shared>>
        tpu.enqueue_indirect_dma source(%arg16 : memref<128x128xf32, #tpu.memory_space<vmem>>) target(%dma_start3A_224 : memref<10512x128xf32, #tpu.memory_space<vmem_shared>>) offsets(%arg12 : memref<128xi32, #tpu.memory_space<vmem>>) semaphore(%run_scoped3A : memref<!tpu.dma_semaphore, #tpu.memory_space<semaphore_mem>>) {add = true}
        %dma_wait3A_225 = arith.constant 0 : i32
        %dma_wait3A_226 = arith.constant 0 : i32
        %dma_wait3A_227 = tpu.memref_slice %arg18[%dma_wait3A_225, %dma_wait3A_226] : memref<10512x128xf32, #tpu.memory_space<vmem_shared>> -> memref<10512x128xf32, #tpu.memory_space<vmem_shared>>
        tpu.wait_indirect_dma semaphore(%run_scoped3A : memref<!tpu.dma_semaphore, #tpu.memory_space<semaphore_mem>>) src(%arg16 : memref<128x128xf32, #tpu.memory_space<vmem>>) dst(%dma_wait3A_227 : memref<10512x128xf32, #tpu.memory_space<vmem_shared>>)
        tpu.yield
      }) : () -> ()
      %add3A_170 = arith.constant 4 : i32
      %add3A_171 = arith.addi %add3A_166, %add3A_170 : i32
      %lt3A_172 = arith.constant 80 : i32
      %lt3A_173 = arith.cmpi slt, %add3A_171, %lt3A_172 : i32
      %convert_element_type3A_174 = arith.extui %lt3A_173 : i1 to i32
      %cond3A_175 = arith.constant 0 : i32
      %cond3A_176 = arith.cmpi ne, %convert_element_type3A_174, %cond3A_175 : i32
      scf.if %cond3A_176 {
        %add3A_222 = arith.constant 4 : i32
        %add3A_223 = arith.addi %add3A_166, %add3A_222 : i32
        %mul3A_224 = arith.constant 80 : i32
        %mul3A_225 = arith.muli %add3A, %mul3A_224 : i32
        %add3A_226 = arith.addi %mul3A_225, %add3A_223 : i32
        %dma_start3A_227 = arith.constant 0 : i32
        %dma_start3A_228 = tpu.memref_slice %arg3[%add3A_226, %dma_start3A_227] : memref<2560x128xi32, #tpu.memory_space<hbm>> -> memref<1x128xi32, #tpu.memory_space<hbm>>
        %dma_start3A_229 = tpu.memref_squeeze %dma_start3A_228 : memref<1x128xi32, #tpu.memory_space<hbm>> -> memref<128xi32, #tpu.memory_space<hbm>>
        %dma_start3A_230 = arith.constant 0 : i32
        %dma_start3A_231 = tpu.memref_slice %arg3[%add3A_226, %dma_start3A_230] : memref<2560x128xi32, #tpu.memory_space<hbm>> -> memref<1x128xi32, #tpu.memory_space<hbm>>
        %dma_start3A_232 = tpu.memref_squeeze %dma_start3A_231 : memref<1x128xi32, #tpu.memory_space<hbm>> -> memref<128xi32, #tpu.memory_space<hbm>>
        tpu.enqueue_dma source(%dma_start3A_232 : memref<128xi32, #tpu.memory_space<hbm>>) target(%arg8 : memref<128xi32, #tpu.memory_space<vmem>>) target_semaphore(%arg22 : memref<!tpu.dma_semaphore, #tpu.memory_space<semaphore_mem>>)
        %mul3A_233 = arith.constant 80 : i32
        %mul3A_234 = arith.muli %add3A, %mul3A_233 : i32
        %add3A_235 = arith.addi %mul3A_234, %add3A_223 : i32
        %dma_start3A_236 = arith.constant 0 : i32
        %dma_start3A_237 = tpu.memref_slice %arg4[%add3A_235, %dma_start3A_236] : memref<2560x128xi32, #tpu.memory_space<hbm>> -> memref<1x128xi32, #tpu.memory_space<hbm>>
        %dma_start3A_238 = tpu.memref_squeeze %dma_start3A_237 : memref<1x128xi32, #tpu.memory_space<hbm>> -> memref<128xi32, #tpu.memory_space<hbm>>
        %dma_start3A_239 = arith.constant 0 : i32
        %dma_start3A_240 = tpu.memref_slice %arg4[%add3A_235, %dma_start3A_239] : memref<2560x128xi32, #tpu.memory_space<hbm>> -> memref<1x128xi32, #tpu.memory_space<hbm>>
        %dma_start3A_241 = tpu.memref_squeeze %dma_start3A_240 : memref<1x128xi32, #tpu.memory_space<hbm>> -> memref<128xi32, #tpu.memory_space<hbm>>
        tpu.enqueue_dma source(%dma_start3A_241 : memref<128xi32, #tpu.memory_space<hbm>>) target(%arg12 : memref<128xi32, #tpu.memory_space<vmem>>) target_semaphore(%arg22 : memref<!tpu.dma_semaphore, #tpu.memory_space<semaphore_mem>>)
      } else {
      }
      %add3A_177 = arith.constant 2 : i32
      %add3A_178 = arith.addi %add3A_166, %add3A_177 : i32
      %lt3A_179 = arith.constant 80 : i32
      %lt3A_180 = arith.cmpi slt, %add3A_178, %lt3A_179 : i32
      %convert_element_type3A_181 = arith.extui %lt3A_180 : i1 to i32
      %cond3A_182 = arith.constant 0 : i32
      %cond3A_183 = arith.cmpi ne, %convert_element_type3A_181, %cond3A_182 : i32
      scf.if %cond3A_183 {
        %add3A_222 = arith.constant 2 : i32
        %add3A_223 = arith.addi %add3A_166, %add3A_222 : i32
        %mul3A_224 = arith.constant 80 : i32
        %mul3A_225 = arith.muli %add3A, %mul3A_224 : i32
        %add3A_226 = arith.addi %mul3A_225, %add3A_223 : i32
        %dma_wait3A_227 = arith.constant 0 : i32
        %dma_wait3A_228 = tpu.memref_slice %arg3[%add3A_226, %dma_wait3A_227] : memref<2560x128xi32, #tpu.memory_space<hbm>> -> memref<1x128xi32, #tpu.memory_space<hbm>>
        %dma_wait3A_229 = tpu.memref_squeeze %dma_wait3A_228 : memref<1x128xi32, #tpu.memory_space<hbm>> -> memref<128xi32, #tpu.memory_space<hbm>>
        %dma_wait3A_230 = arith.constant 0 : i32
        %dma_wait3A_231 = tpu.memref_slice %arg3[%add3A_226, %dma_wait3A_230] : memref<2560x128xi32, #tpu.memory_space<hbm>> -> memref<1x128xi32, #tpu.memory_space<hbm>>
        %dma_wait3A_232 = tpu.memref_squeeze %dma_wait3A_231 : memref<1x128xi32, #tpu.memory_space<hbm>> -> memref<128xi32, #tpu.memory_space<hbm>>
        tpu.wait_dma2 semaphore(%arg24 : memref<!tpu.dma_semaphore, #tpu.memory_space<semaphore_mem>>) src(%dma_wait3A_232 : memref<128xi32, #tpu.memory_space<hbm>>) dst(%arg10 : memref<128xi32, #tpu.memory_space<vmem>>)
        %mul3A_233 = arith.constant 80 : i32
        %mul3A_234 = arith.muli %add3A, %mul3A_233 : i32
        %add3A_235 = arith.addi %mul3A_234, %add3A_223 : i32
        %dma_wait3A_236 = arith.constant 0 : i32
        %dma_wait3A_237 = tpu.memref_slice %arg4[%add3A_235, %dma_wait3A_236] : memref<2560x128xi32, #tpu.memory_space<hbm>> -> memref<1x128xi32, #tpu.memory_space<hbm>>
        %dma_wait3A_238 = tpu.memref_squeeze %dma_wait3A_237 : memref<1x128xi32, #tpu.memory_space<hbm>> -> memref<128xi32, #tpu.memory_space<hbm>>
        %dma_wait3A_239 = arith.constant 0 : i32
        %dma_wait3A_240 = tpu.memref_slice %arg4[%add3A_235, %dma_wait3A_239] : memref<2560x128xi32, #tpu.memory_space<hbm>> -> memref<1x128xi32, #tpu.memory_space<hbm>>
        %dma_wait3A_241 = tpu.memref_squeeze %dma_wait3A_240 : memref<1x128xi32, #tpu.memory_space<hbm>> -> memref<128xi32, #tpu.memory_space<hbm>>
        tpu.wait_dma2 semaphore(%arg24 : memref<!tpu.dma_semaphore, #tpu.memory_space<semaphore_mem>>) src(%dma_wait3A_241 : memref<128xi32, #tpu.memory_space<hbm>>) dst(%arg14 : memref<128xi32, #tpu.memory_space<vmem>>)
        %dma_start3A_242 = arith.constant 0 : i32
        %dma_start3A_243 = arith.constant 0 : i32
        %dma_start3A_244 = tpu.memref_slice %arg2[%dma_start3A_242, %dma_start3A_243] : memref<10000x128xf32, #tpu.memory_space<hbm>> -> memref<10000x128xf32, #tpu.memory_space<hbm>>
        tpu.enqueue_indirect_dma source(%dma_start3A_244 : memref<10000x128xf32, #tpu.memory_space<hbm>>) target(%arg16 : memref<128x128xf32, #tpu.memory_space<vmem>>) offsets(%arg10 : memref<128xi32, #tpu.memory_space<vmem>>) semaphore(%arg20 : memref<!tpu.dma_semaphore, #tpu.memory_space<semaphore_mem>>)
      } else {
      }
      %add3A_184 = arith.constant 2 : i32
      %add3A_185 = arith.addi %mul3A_148, %add3A_184 : i32
      %dma_wait3A_186 = arith.constant 0 : i32
      %dma_wait3A_187 = arith.constant 0 : i32
      %dma_wait3A_188 = tpu.memref_slice %arg2[%dma_wait3A_186, %dma_wait3A_187] : memref<10000x128xf32, #tpu.memory_space<hbm>> -> memref<10000x128xf32, #tpu.memory_space<hbm>>
      tpu.wait_indirect_dma semaphore(%arg19 : memref<!tpu.dma_semaphore, #tpu.memory_space<semaphore_mem>>) src(%dma_wait3A_188 : memref<10000x128xf32, #tpu.memory_space<hbm>>) dst(%arg15 : memref<128x128xf32, #tpu.memory_space<vmem>>)
      "tpu.region"() ({
        %run_scoped3A = tpu.sem_alloc : memref<!tpu.dma_semaphore, #tpu.memory_space<semaphore_mem>>
        %dma_start3A_222 = arith.constant 0 : i32
        %dma_start3A_223 = arith.constant 0 : i32
        %dma_start3A_224 = tpu.memref_slice %arg18[%dma_start3A_222, %dma_start3A_223] : memref<10512x128xf32, #tpu.memory_space<vmem_shared>> -> memref<10512x128xf32, #tpu.memory_space<vmem_shared>>
        tpu.enqueue_indirect_dma source(%arg15 : memref<128x128xf32, #tpu.memory_space<vmem>>) target(%dma_start3A_224 : memref<10512x128xf32, #tpu.memory_space<vmem_shared>>) offsets(%arg13 : memref<128xi32, #tpu.memory_space<vmem>>) semaphore(%run_scoped3A : memref<!tpu.dma_semaphore, #tpu.memory_space<semaphore_mem>>) {add = true}
        %dma_wait3A_225 = arith.constant 0 : i32
        %dma_wait3A_226 = arith.constant 0 : i32
        %dma_wait3A_227 = tpu.memref_slice %arg18[%dma_wait3A_225, %dma_wait3A_226] : memref<10512x128xf32, #tpu.memory_space<vmem_shared>> -> memref<10512x128xf32, #tpu.memory_space<vmem_shared>>
        tpu.wait_indirect_dma semaphore(%run_scoped3A : memref<!tpu.dma_semaphore, #tpu.memory_space<semaphore_mem>>) src(%arg15 : memref<128x128xf32, #tpu.memory_space<vmem>>) dst(%dma_wait3A_227 : memref<10512x128xf32, #tpu.memory_space<vmem_shared>>)
        tpu.yield
      }) : () -> ()
      %add3A_189 = arith.constant 4 : i32
      %add3A_190 = arith.addi %add3A_185, %add3A_189 : i32
      %lt3A_191 = arith.constant 80 : i32
      %lt3A_192 = arith.cmpi slt, %add3A_190, %lt3A_191 : i32
      %convert_element_type3A_193 = arith.extui %lt3A_192 : i1 to i32
      %cond3A_194 = arith.constant 0 : i32
      %cond3A_195 = arith.cmpi ne, %convert_element_type3A_193, %cond3A_194 : i32
      scf.if %cond3A_195 {
        %add3A_222 = arith.constant 4 : i32
        %add3A_223 = arith.addi %add3A_185, %add3A_222 : i32
        %mul3A_224 = arith.constant 80 : i32
        %mul3A_225 = arith.muli %add3A, %mul3A_224 : i32
        %add3A_226 = arith.addi %mul3A_225, %add3A_223 : i32
        %dma_start3A_227 = arith.constant 0 : i32
        %dma_start3A_228 = tpu.memref_slice %arg3[%add3A_226, %dma_start3A_227] : memref<2560x128xi32, #tpu.memory_space<hbm>> -> memref<1x128xi32, #tpu.memory_space<hbm>>
        %dma_start3A_229 = tpu.memref_squeeze %dma_start3A_228 : memref<1x128xi32, #tpu.memory_space<hbm>> -> memref<128xi32, #tpu.memory_space<hbm>>
        %dma_start3A_230 = arith.constant 0 : i32
        %dma_start3A_231 = tpu.memref_slice %arg3[%add3A_226, %dma_start3A_230] : memref<2560x128xi32, #tpu.memory_space<hbm>> -> memref<1x128xi32, #tpu.memory_space<hbm>>
        %dma_start3A_232 = tpu.memref_squeeze %dma_start3A_231 : memref<1x128xi32, #tpu.memory_space<hbm>> -> memref<128xi32, #tpu.memory_space<hbm>>
        tpu.enqueue_dma source(%dma_start3A_232 : memref<128xi32, #tpu.memory_space<hbm>>) target(%arg9 : memref<128xi32, #tpu.memory_space<vmem>>) target_semaphore(%arg23 : memref<!tpu.dma_semaphore, #tpu.memory_space<semaphore_mem>>)
        %mul3A_233 = arith.constant 80 : i32
        %mul3A_234 = arith.muli %add3A, %mul3A_233 : i32
        %add3A_235 = arith.addi %mul3A_234, %add3A_223 : i32
        %dma_start3A_236 = arith.constant 0 : i32
        %dma_start3A_237 = tpu.memref_slice %arg4[%add3A_235, %dma_start3A_236] : memref<2560x128xi32, #tpu.memory_space<hbm>> -> memref<1x128xi32, #tpu.memory_space<hbm>>
        %dma_start3A_238 = tpu.memref_squeeze %dma_start3A_237 : memref<1x128xi32, #tpu.memory_space<hbm>> -> memref<128xi32, #tpu.memory_space<hbm>>
        %dma_start3A_239 = arith.constant 0 : i32
        %dma_start3A_240 = tpu.memref_slice %arg4[%add3A_235, %dma_start3A_239] : memref<2560x128xi32, #tpu.memory_space<hbm>> -> memref<1x128xi32, #tpu.memory_space<hbm>>
        %dma_start3A_241 = tpu.memref_squeeze %dma_start3A_240 : memref<1x128xi32, #tpu.memory_space<hbm>> -> memref<128xi32, #tpu.memory_space<hbm>>
        tpu.enqueue_dma source(%dma_start3A_241 : memref<128xi32, #tpu.memory_space<hbm>>) target(%arg13 : memref<128xi32, #tpu.memory_space<vmem>>) target_semaphore(%arg23 : memref<!tpu.dma_semaphore, #tpu.memory_space<semaphore_mem>>)
      } else {
      }
      %add3A_196 = arith.constant 2 : i32
      %add3A_197 = arith.addi %add3A_185, %add3A_196 : i32
      %lt3A_198 = arith.constant 80 : i32
      %lt3A_199 = arith.cmpi slt, %add3A_197, %lt3A_198 : i32
      %convert_element_type3A_200 = arith.extui %lt3A_199 : i1 to i32
      %cond3A_201 = arith.constant 0 : i32
      %cond3A_202 = arith.cmpi ne, %convert_element_type3A_200, %cond3A_201 : i32
      scf.if %cond3A_202 {
        %add3A_222 = arith.constant 2 : i32
        %add3A_223 = arith.addi %add3A_185, %add3A_222 : i32
        %mul3A_224 = arith.constant 80 : i32
        %mul3A_225 = arith.muli %add3A, %mul3A_224 : i32
        %add3A_226 = arith.addi %mul3A_225, %add3A_223 : i32
        %dma_wait3A_227 = arith.constant 0 : i32
        %dma_wait3A_228 = tpu.memref_slice %arg3[%add3A_226, %dma_wait3A_227] : memref<2560x128xi32, #tpu.memory_space<hbm>> -> memref<1x128xi32, #tpu.memory_space<hbm>>
        %dma_wait3A_229 = tpu.memref_squeeze %dma_wait3A_228 : memref<1x128xi32, #tpu.memory_space<hbm>> -> memref<128xi32, #tpu.memory_space<hbm>>
        %dma_wait3A_230 = arith.constant 0 : i32
        %dma_wait3A_231 = tpu.memref_slice %arg3[%add3A_226, %dma_wait3A_230] : memref<2560x128xi32, #tpu.memory_space<hbm>> -> memref<1x128xi32, #tpu.memory_space<hbm>>
        %dma_wait3A_232 = tpu.memref_squeeze %dma_wait3A_231 : memref<1x128xi32, #tpu.memory_space<hbm>> -> memref<128xi32, #tpu.memory_space<hbm>>
        tpu.wait_dma2 semaphore(%arg21 : memref<!tpu.dma_semaphore, #tpu.memory_space<semaphore_mem>>) src(%dma_wait3A_232 : memref<128xi32, #tpu.memory_space<hbm>>) dst(%arg7 : memref<128xi32, #tpu.memory_space<vmem>>)
        %mul3A_233 = arith.constant 80 : i32
        %mul3A_234 = arith.muli %add3A, %mul3A_233 : i32
        %add3A_235 = arith.addi %mul3A_234, %add3A_223 : i32
        %dma_wait3A_236 = arith.constant 0 : i32
        %dma_wait3A_237 = tpu.memref_slice %arg4[%add3A_235, %dma_wait3A_236] : memref<2560x128xi32, #tpu.memory_space<hbm>> -> memref<1x128xi32, #tpu.memory_space<hbm>>
        %dma_wait3A_238 = tpu.memref_squeeze %dma_wait3A_237 : memref<1x128xi32, #tpu.memory_space<hbm>> -> memref<128xi32, #tpu.memory_space<hbm>>
        %dma_wait3A_239 = arith.constant 0 : i32
        %dma_wait3A_240 = tpu.memref_slice %arg4[%add3A_235, %dma_wait3A_239] : memref<2560x128xi32, #tpu.memory_space<hbm>> -> memref<1x128xi32, #tpu.memory_space<hbm>>
        %dma_wait3A_241 = tpu.memref_squeeze %dma_wait3A_240 : memref<1x128xi32, #tpu.memory_space<hbm>> -> memref<128xi32, #tpu.memory_space<hbm>>
        tpu.wait_dma2 semaphore(%arg21 : memref<!tpu.dma_semaphore, #tpu.memory_space<semaphore_mem>>) src(%dma_wait3A_241 : memref<128xi32, #tpu.memory_space<hbm>>) dst(%arg11 : memref<128xi32, #tpu.memory_space<vmem>>)
        %dma_start3A_242 = arith.constant 0 : i32
        %dma_start3A_243 = arith.constant 0 : i32
        %dma_start3A_244 = tpu.memref_slice %arg2[%dma_start3A_242, %dma_start3A_243] : memref<10000x128xf32, #tpu.memory_space<hbm>> -> memref<10000x128xf32, #tpu.memory_space<hbm>>
        tpu.enqueue_indirect_dma source(%dma_start3A_244 : memref<10000x128xf32, #tpu.memory_space<hbm>>) target(%arg15 : memref<128x128xf32, #tpu.memory_space<vmem>>) offsets(%arg7 : memref<128xi32, #tpu.memory_space<vmem>>) semaphore(%arg19 : memref<!tpu.dma_semaphore, #tpu.memory_space<semaphore_mem>>)
      } else {
      }
      %add3A_203 = arith.constant 3 : i32
      %add3A_204 = arith.addi %mul3A_148, %add3A_203 : i32
      %dma_wait3A_205 = arith.constant 0 : i32
      %dma_wait3A_206 = arith.constant 0 : i32
      %dma_wait3A_207 = tpu.memref_slice %arg2[%dma_wait3A_205, %dma_wait3A_206] : memref<10000x128xf32, #tpu.memory_space<hbm>> -> memref<10000x128xf32, #tpu.memory_space<hbm>>
      tpu.wait_indirect_dma semaphore(%arg20 : memref<!tpu.dma_semaphore, #tpu.memory_space<semaphore_mem>>) src(%dma_wait3A_207 : memref<10000x128xf32, #tpu.memory_space<hbm>>) dst(%arg16 : memref<128x128xf32, #tpu.memory_space<vmem>>)
      "tpu.region"() ({
        %run_scoped3A = tpu.sem_alloc : memref<!tpu.dma_semaphore, #tpu.memory_space<semaphore_mem>>
        %dma_start3A_222 = arith.constant 0 : i32
        %dma_start3A_223 = arith.constant 0 : i32
        %dma_start3A_224 = tpu.memref_slice %arg18[%dma_start3A_222, %dma_start3A_223] : memref<10512x128xf32, #tpu.memory_space<vmem_shared>> -> memref<10512x128xf32, #tpu.memory_space<vmem_shared>>
        tpu.enqueue_indirect_dma source(%arg16 : memref<128x128xf32, #tpu.memory_space<vmem>>) target(%dma_start3A_224 : memref<10512x128xf32, #tpu.memory_space<vmem_shared>>) offsets(%arg14 : memref<128xi32, #tpu.memory_space<vmem>>) semaphore(%run_scoped3A : memref<!tpu.dma_semaphore, #tpu.memory_space<semaphore_mem>>) {add = true}
        %dma_wait3A_225 = arith.constant 0 : i32
        %dma_wait3A_226 = arith.constant 0 : i32
        %dma_wait3A_227 = tpu.memref_slice %arg18[%dma_wait3A_225, %dma_wait3A_226] : memref<10512x128xf32, #tpu.memory_space<vmem_shared>> -> memref<10512x128xf32, #tpu.memory_space<vmem_shared>>
        tpu.wait_indirect_dma semaphore(%run_scoped3A : memref<!tpu.dma_semaphore, #tpu.memory_space<semaphore_mem>>) src(%arg16 : memref<128x128xf32, #tpu.memory_space<vmem>>) dst(%dma_wait3A_227 : memref<10512x128xf32, #tpu.memory_space<vmem_shared>>)
        tpu.yield
      }) : () -> ()
      %add3A_208 = arith.constant 4 : i32
      %add3A_209 = arith.addi %add3A_204, %add3A_208 : i32
      %lt3A_210 = arith.constant 80 : i32
      %lt3A_211 = arith.cmpi slt, %add3A_209, %lt3A_210 : i32
      %convert_element_type3A_212 = arith.extui %lt3A_211 : i1 to i32
      %cond3A_213 = arith.constant 0 : i32
      %cond3A_214 = arith.cmpi ne, %convert_element_type3A_212, %cond3A_213 : i32
      scf.if %cond3A_214 {
        %add3A_222 = arith.constant 4 : i32
        %add3A_223 = arith.addi %add3A_204, %add3A_222 : i32
        %mul3A_224 = arith.constant 80 : i32
        %mul3A_225 = arith.muli %add3A, %mul3A_224 : i32
        %add3A_226 = arith.addi %mul3A_225, %add3A_223 : i32
        %dma_start3A_227 = arith.constant 0 : i32
        %dma_start3A_228 = tpu.memref_slice %arg3[%add3A_226, %dma_start3A_227] : memref<2560x128xi32, #tpu.memory_space<hbm>> -> memref<1x128xi32, #tpu.memory_space<hbm>>
        %dma_start3A_229 = tpu.memref_squeeze %dma_start3A_228 : memref<1x128xi32, #tpu.memory_space<hbm>> -> memref<128xi32, #tpu.memory_space<hbm>>
        %dma_start3A_230 = arith.constant 0 : i32
        %dma_start3A_231 = tpu.memref_slice %arg3[%add3A_226, %dma_start3A_230] : memref<2560x128xi32, #tpu.memory_space<hbm>> -> memref<1x128xi32, #tpu.memory_space<hbm>>
        %dma_start3A_232 = tpu.memref_squeeze %dma_start3A_231 : memref<1x128xi32, #tpu.memory_space<hbm>> -> memref<128xi32, #tpu.memory_space<hbm>>
        tpu.enqueue_dma source(%dma_start3A_232 : memref<128xi32, #tpu.memory_space<hbm>>) target(%arg10 : memref<128xi32, #tpu.memory_space<vmem>>) target_semaphore(%arg24 : memref<!tpu.dma_semaphore, #tpu.memory_space<semaphore_mem>>)
        %mul3A_233 = arith.constant 80 : i32
        %mul3A_234 = arith.muli %add3A, %mul3A_233 : i32
        %add3A_235 = arith.addi %mul3A_234, %add3A_223 : i32
        %dma_start3A_236 = arith.constant 0 : i32
        %dma_start3A_237 = tpu.memref_slice %arg4[%add3A_235, %dma_start3A_236] : memref<2560x128xi32, #tpu.memory_space<hbm>> -> memref<1x128xi32, #tpu.memory_space<hbm>>
        %dma_start3A_238 = tpu.memref_squeeze %dma_start3A_237 : memref<1x128xi32, #tpu.memory_space<hbm>> -> memref<128xi32, #tpu.memory_space<hbm>>
        %dma_start3A_239 = arith.constant 0 : i32
        %dma_start3A_240 = tpu.memref_slice %arg4[%add3A_235, %dma_start3A_239] : memref<2560x128xi32, #tpu.memory_space<hbm>> -> memref<1x128xi32, #tpu.memory_space<hbm>>
        %dma_start3A_241 = tpu.memref_squeeze %dma_start3A_240 : memref<1x128xi32, #tpu.memory_space<hbm>> -> memref<128xi32, #tpu.memory_space<hbm>>
        tpu.enqueue_dma source(%dma_start3A_241 : memref<128xi32, #tpu.memory_space<hbm>>) target(%arg14 : memref<128xi32, #tpu.memory_space<vmem>>) target_semaphore(%arg24 : memref<!tpu.dma_semaphore, #tpu.memory_space<semaphore_mem>>)
      } else {
      }
      %add3A_215 = arith.constant 2 : i32
      %add3A_216 = arith.addi %add3A_204, %add3A_215 : i32
      %lt3A_217 = arith.constant 80 : i32
      %lt3A_218 = arith.cmpi slt, %add3A_216, %lt3A_217 : i32
      %convert_element_type3A_219 = arith.extui %lt3A_218 : i1 to i32
      %cond3A_220 = arith.constant 0 : i32
      %cond3A_221 = arith.cmpi ne, %convert_element_type3A_219, %cond3A_220 : i32
      scf.if %cond3A_221 {
        %add3A_222 = arith.constant 2 : i32
        %add3A_223 = arith.addi %add3A_204, %add3A_222 : i32
        %mul3A_224 = arith.constant 80 : i32
        %mul3A_225 = arith.muli %add3A, %mul3A_224 : i32
        %add3A_226 = arith.addi %mul3A_225, %add3A_223 : i32
        %dma_wait3A_227 = arith.constant 0 : i32
        %dma_wait3A_228 = tpu.memref_slice %arg3[%add3A_226, %dma_wait3A_227] : memref<2560x128xi32, #tpu.memory_space<hbm>> -> memref<1x128xi32, #tpu.memory_space<hbm>>
        %dma_wait3A_229 = tpu.memref_squeeze %dma_wait3A_228 : memref<1x128xi32, #tpu.memory_space<hbm>> -> memref<128xi32, #tpu.memory_space<hbm>>
        %dma_wait3A_230 = arith.constant 0 : i32
        %dma_wait3A_231 = tpu.memref_slice %arg3[%add3A_226, %dma_wait3A_230] : memref<2560x128xi32, #tpu.memory_space<hbm>> -> memref<1x128xi32, #tpu.memory_space<hbm>>
        %dma_wait3A_232 = tpu.memref_squeeze %dma_wait3A_231 : memref<1x128xi32, #tpu.memory_space<hbm>> -> memref<128xi32, #tpu.memory_space<hbm>>
        tpu.wait_dma2 semaphore(%arg22 : memref<!tpu.dma_semaphore, #tpu.memory_space<semaphore_mem>>) src(%dma_wait3A_232 : memref<128xi32, #tpu.memory_space<hbm>>) dst(%arg8 : memref<128xi32, #tpu.memory_space<vmem>>)
        %mul3A_233 = arith.constant 80 : i32
        %mul3A_234 = arith.muli %add3A, %mul3A_233 : i32
        %add3A_235 = arith.addi %mul3A_234, %add3A_223 : i32
        %dma_wait3A_236 = arith.constant 0 : i32
        %dma_wait3A_237 = tpu.memref_slice %arg4[%add3A_235, %dma_wait3A_236] : memref<2560x128xi32, #tpu.memory_space<hbm>> -> memref<1x128xi32, #tpu.memory_space<hbm>>
        %dma_wait3A_238 = tpu.memref_squeeze %dma_wait3A_237 : memref<1x128xi32, #tpu.memory_space<hbm>> -> memref<128xi32, #tpu.memory_space<hbm>>
        %dma_wait3A_239 = arith.constant 0 : i32
        %dma_wait3A_240 = tpu.memref_slice %arg4[%add3A_235, %dma_wait3A_239] : memref<2560x128xi32, #tpu.memory_space<hbm>> -> memref<1x128xi32, #tpu.memory_space<hbm>>
        %dma_wait3A_241 = tpu.memref_squeeze %dma_wait3A_240 : memref<1x128xi32, #tpu.memory_space<hbm>> -> memref<128xi32, #tpu.memory_space<hbm>>
        tpu.wait_dma2 semaphore(%arg22 : memref<!tpu.dma_semaphore, #tpu.memory_space<semaphore_mem>>) src(%dma_wait3A_241 : memref<128xi32, #tpu.memory_space<hbm>>) dst(%arg12 : memref<128xi32, #tpu.memory_space<vmem>>)
        %dma_start3A_242 = arith.constant 0 : i32
        %dma_start3A_243 = arith.constant 0 : i32
        %dma_start3A_244 = tpu.memref_slice %arg2[%dma_start3A_242, %dma_start3A_243] : memref<10000x128xf32, #tpu.memory_space<hbm>> -> memref<10000x128xf32, #tpu.memory_space<hbm>>
        tpu.enqueue_indirect_dma source(%dma_start3A_244 : memref<10000x128xf32, #tpu.memory_space<hbm>>) target(%arg16 : memref<128x128xf32, #tpu.memory_space<vmem>>) offsets(%arg8 : memref<128xi32, #tpu.memory_space<vmem>>) semaphore(%arg20 : memref<!tpu.dma_semaphore, #tpu.memory_space<semaphore_mem>>)
      } else {
      }
    }
    %scan3A_139 = arith.constant 20 : i32
    %barrier3A_140 = arith.constant 0 : index
    tpu.barrier barrier_id(%barrier3A_140)
    "tpu.region"() ({
      %run_scoped3A = tpu.sem_alloc : memref<!tpu.dma_semaphore, #tpu.memory_space<semaphore_mem>>
      %dma_start3A_146 = arith.constant 0 : i32
      %dma_start3A_147 = tpu.memref_slice %arg6[%arg0, %mul3A_2, %dma_start3A_146] : memref<2x10000x128xf32, #tpu.memory_space<hbm>> -> memref<1x624x128xf32, #tpu.memory_space<hbm>>
      %dma_start3A_148 = tpu.memref_squeeze %dma_start3A_147 : memref<1x624x128xf32, #tpu.memory_space<hbm>> -> memref<624x128xf32, #tpu.memory_space<hbm>>
      %dma_start3A_149 = arith.constant 0 : i32
      %dma_start3A_150 = tpu.memref_slice %arg18[%mul3A_2, %dma_start3A_149] : memref<10512x128xf32, #tpu.memory_space<vmem_shared>> -> memref<624x128xf32, #tpu.memory_space<vmem_shared>>
      tpu.enqueue_dma source(%dma_start3A_150 : memref<624x128xf32, #tpu.memory_space<vmem_shared>>) target(%dma_start3A_148 : memref<624x128xf32, #tpu.memory_space<hbm>>) target_semaphore(%run_scoped3A : memref<!tpu.dma_semaphore, #tpu.memory_space<semaphore_mem>>)
      %dma_wait3A_151 = arith.constant 0 : i32
      %dma_wait3A_152 = tpu.memref_slice %arg6[%arg0, %mul3A_2, %dma_wait3A_151] : memref<2x10000x128xf32, #tpu.memory_space<hbm>> -> memref<1x624x128xf32, #tpu.memory_space<hbm>>
      %dma_wait3A_153 = tpu.memref_squeeze %dma_wait3A_152 : memref<1x624x128xf32, #tpu.memory_space<hbm>> -> memref<624x128xf32, #tpu.memory_space<hbm>>
      %dma_wait3A_154 = arith.constant 0 : i32
      %dma_wait3A_155 = tpu.memref_slice %arg18[%mul3A_2, %dma_wait3A_154] : memref<10512x128xf32, #tpu.memory_space<vmem_shared>> -> memref<624x128xf32, #tpu.memory_space<vmem_shared>>
      tpu.wait_dma2 semaphore(%run_scoped3A : memref<!tpu.dma_semaphore, #tpu.memory_space<semaphore_mem>>) src(%dma_wait3A_155 : memref<624x128xf32, #tpu.memory_space<vmem_shared>>) dst(%dma_wait3A_153 : memref<624x128xf32, #tpu.memory_space<hbm>>)
      tpu.yield
    }) : () -> ()
    %eq3A_141 = arith.constant 15 : i32
    %eq3A_142 = arith.cmpi eq, %arg1, %eq3A_141 : i32
    %convert_element_type3A_143 = arith.extui %eq3A_142 : i1 to i32
    %cond3A_144 = arith.constant 0 : i32
    %cond3A_145 = arith.cmpi ne, %convert_element_type3A_143, %cond3A_144 : i32
    scf.if %cond3A_145 {
      %add3A_146 = arith.constant 624 : i32
      %add3A_147 = arith.addi %mul3A_2, %add3A_146 : i32
      %add3A_148 = arith.constant 624 : i32
      %add3A_149 = arith.addi %mul3A_2, %add3A_148 : i32
      "tpu.region"() ({
        %run_scoped3A = tpu.sem_alloc : memref<!tpu.dma_semaphore, #tpu.memory_space<semaphore_mem>>
        %dma_start3A_150 = arith.constant 0 : i32
        %dma_start3A_151 = tpu.memref_slice %arg6[%arg0, %add3A_149, %dma_start3A_150] : memref<2x10000x128xf32, #tpu.memory_space<hbm>> -> memref<1x16x128xf32, #tpu.memory_space<hbm>>
        %dma_start3A_152 = tpu.memref_squeeze %dma_start3A_151 : memref<1x16x128xf32, #tpu.memory_space<hbm>> -> memref<16x128xf32, #tpu.memory_space<hbm>>
        %dma_start3A_153 = arith.constant 0 : i32
        %dma_start3A_154 = tpu.memref_slice %arg18[%add3A_147, %dma_start3A_153] : memref<10512x128xf32, #tpu.memory_space<vmem_shared>> -> memref<16x128xf32, #tpu.memory_space<vmem_shared>>
        tpu.enqueue_dma source(%dma_start3A_154 : memref<16x128xf32, #tpu.memory_space<vmem_shared>>) target(%dma_start3A_152 : memref<16x128xf32, #tpu.memory_space<hbm>>) target_semaphore(%run_scoped3A : memref<!tpu.dma_semaphore, #tpu.memory_space<semaphore_mem>>)
        %dma_wait3A_155 = arith.constant 0 : i32
        %dma_wait3A_156 = tpu.memref_slice %arg6[%arg0, %add3A_149, %dma_wait3A_155] : memref<2x10000x128xf32, #tpu.memory_space<hbm>> -> memref<1x16x128xf32, #tpu.memory_space<hbm>>
        %dma_wait3A_157 = tpu.memref_squeeze %dma_wait3A_156 : memref<1x16x128xf32, #tpu.memory_space<hbm>> -> memref<16x128xf32, #tpu.memory_space<hbm>>
        %dma_wait3A_158 = arith.constant 0 : i32
        %dma_wait3A_159 = tpu.memref_slice %arg18[%add3A_147, %dma_wait3A_158] : memref<10512x128xf32, #tpu.memory_space<vmem_shared>> -> memref<16x128xf32, #tpu.memory_space<vmem_shared>>
        tpu.wait_dma2 semaphore(%run_scoped3A : memref<!tpu.dma_semaphore, #tpu.memory_space<semaphore_mem>>) src(%dma_wait3A_159 : memref<16x128xf32, #tpu.memory_space<vmem_shared>>) dst(%dma_wait3A_157 : memref<16x128xf32, #tpu.memory_space<hbm>>)
        tpu.yield
      }) : () -> ()
    } else {
    }
    return
  }
}

module attributes {stable_mosaic.version = 14 : i64} {
  func.func @body(%arg0: memref<10000x128xf32, #tpu.memory_space<vmem>>, %arg1: memref<1x128xf32, #tpu.memory_space<vmem>>, %arg2: memref<1x128xf32, #tpu.memory_space<vmem>>, %arg3: memref<128x128xf32, #tpu.memory_space<vmem>>, %arg4: memref<2x10000x128xf32, #tpu.memory_space<vmem>>, %arg5: memref<10000x128xf32, #tpu.memory_space<vmem>>) attributes {dimension_semantics = [], scalar_prefetch = 0 : i64, scratch_operands = 0 : i64, tpu.core_type = #tpu.core_type<tc>} {
    %get3A = arith.constant 0 : index
    %get3A_0 = arith.constant 0 : index
    %get3A_1 = vector.load %arg0[%get3A, %get3A_0] : memref<10000x128xf32, #tpu.memory_space<vmem>>, vector<10000x128xf32>
    %reduce_sum3A = arith.constant dense<0.000000e+00> : vector<128xf32>
    %reduce_sum3A_2 = vector.multi_reduction <add>, %get3A_1, %reduce_sum3A [0] : vector<10000x128xf32> to vector<128xf32>
    %broadcast_in_dim3A = vector.shape_cast %reduce_sum3A_2 : vector<128xf32> to vector<1x128xf32>
    %div3A = arith.constant 1.000000e+04 : f32
    %div3A_3 = vector.broadcast %div3A : f32 to vector<1x128xf32>
    %div3A_4 = arith.divf %broadcast_in_dim3A, %div3A_3 : vector<1x128xf32>
    %sub3A = vector.broadcast %div3A_4 : vector<1x128xf32> to vector<10000x128xf32>
    %sub3A_5 = arith.subf %get3A_1, %sub3A : vector<10000x128xf32>
    %integer_pow3A = arith.mulf %sub3A_5, %sub3A_5 : vector<10000x128xf32>
    %reduce_sum3A_6 = arith.constant dense<0.000000e+00> : vector<128xf32>
    %reduce_sum3A_7 = vector.multi_reduction <add>, %integer_pow3A, %reduce_sum3A_6 [0] : vector<10000x128xf32> to vector<128xf32>
    %broadcast_in_dim3A_8 = vector.shape_cast %reduce_sum3A_7 : vector<128xf32> to vector<1x128xf32>
    %div3A_9 = arith.constant 1.000000e+04 : f32
    %div3A_10 = vector.broadcast %div3A_9 : f32 to vector<1x128xf32>
    %div3A_11 = arith.divf %broadcast_in_dim3A_8, %div3A_10 : vector<1x128xf32>
    %sub3A_12 = vector.broadcast %div3A_4 : vector<1x128xf32> to vector<10000x128xf32>
    %sub3A_13 = arith.subf %get3A_1, %sub3A_12 : vector<10000x128xf32>
    %add3A = arith.constant 9.99999974E-6 : f32
    %add3A_14 = vector.broadcast %add3A : f32 to vector<1x128xf32>
    %add3A_15 = arith.addf %div3A_11, %add3A_14 : vector<1x128xf32>
    %sqrt3A = math.sqrt %add3A_15 : vector<1x128xf32>
    %div3A_16 = vector.broadcast %sqrt3A : vector<1x128xf32> to vector<10000x128xf32>
    %div3A_17 = arith.divf %sub3A_13, %div3A_16 : vector<10000x128xf32>
    %get3A_18 = arith.constant 0 : index
    %get3A_19 = arith.constant 0 : index
    %get3A_20 = vector.load %arg1[%get3A_18, %get3A_19] : memref<1x128xf32, #tpu.memory_space<vmem>>, vector<1x128xf32>
    %mul3A = vector.broadcast %get3A_20 : vector<1x128xf32> to vector<10000x128xf32>
    %mul3A_21 = arith.mulf %div3A_17, %mul3A : vector<10000x128xf32>
    %get3A_22 = arith.constant 0 : index
    %get3A_23 = arith.constant 0 : index
    %get3A_24 = vector.load %arg2[%get3A_22, %get3A_23] : memref<1x128xf32, #tpu.memory_space<vmem>>, vector<1x128xf32>
    %add3A_25 = vector.broadcast %get3A_24 : vector<1x128xf32> to vector<10000x128xf32>
    %add3A_26 = arith.addf %mul3A_21, %add3A_25 : vector<10000x128xf32>
    %get3A_27 = arith.constant 0 : index
    %get3A_28 = arith.constant 0 : index
    %get3A_29 = arith.constant 0 : index
    %get3A_30 = vector.load %arg4[%get3A_27, %get3A_28, %get3A_29] : memref<2x10000x128xf32, #tpu.memory_space<vmem>>, vector<1x10000x1xf32>
    %get3A_31 = vector.shape_cast %get3A_30 : vector<1x10000x1xf32> to vector<10000xf32>
    %get3A_32 = arith.constant 1 : index
    %get3A_33 = arith.constant 0 : index
    %get3A_34 = arith.constant 0 : index
    %get3A_35 = vector.load %arg4[%get3A_32, %get3A_33, %get3A_34] : memref<2x10000x128xf32, #tpu.memory_space<vmem>>, vector<1x10000x1xf32>
    %get3A_36 = vector.shape_cast %get3A_35 : vector<1x10000x1xf32> to vector<10000xf32>
    %add3A_37 = arith.addf %get3A_31, %get3A_36 : vector<10000xf32>
    %add3A_38 = arith.constant 1.000000e+00 : f32
    %add3A_39 = vector.broadcast %add3A_38 : f32 to vector<10000xf32>
    %add3A_40 = arith.addf %add3A_37, %add3A_39 : vector<10000xf32>
    %rsqrt3A = math.rsqrt %add3A_40 : vector<10000xf32>
    %get3A_41 = arith.constant 0 : index
    %get3A_42 = arith.constant 0 : index
    %get3A_43 = vector.load %arg3[%get3A_41, %get3A_42] : memref<128x128xf32, #tpu.memory_space<vmem>>, vector<128x128xf32>
    %dot_general3A = arith.constant dense<0.000000e+00> : vector<10000x128xf32>
    %dot_general3A_44 = tpu.matmul %add3A_26, %get3A_43, %dot_general3A {dimension_numbers = #tpu.dot_dimension_numbers<[1], [0], [0], [1], [0, 0, 1, 1], [], []>, transpose_lhs_hint = false} : vector<10000x128xf32>, vector<128x128xf32>, vector<10000x128xf32> -> vector<10000x128xf32>
    %broadcast_in_dim3A_45 = vector.shape_cast %rsqrt3A : vector<10000xf32> to vector<10000x1xf32>
    %mul3A_46 = vector.broadcast %broadcast_in_dim3A_45 : vector<10000x1xf32> to vector<10000x128xf32>
    %mul3A_47 = arith.mulf %dot_general3A_44, %mul3A_46 : vector<10000x128xf32>
    %swap3A = arith.constant 0 : index
    %swap3A_48 = arith.constant 0 : index
    %swap3A_49 = vector.load %arg5[%swap3A, %swap3A_48] : memref<10000x128xf32, #tpu.memory_space<vmem>>, vector<10000x128xf32>
    tpu.vector_store %arg5[%swap3A, %swap3A_48], %mul3A_47 {strides = array<i32>} : memref<10000x128xf32, #tpu.memory_space<vmem>>, vector<10000x128xf32>,
    return
  }
}

module attributes {stable_mosaic.version = 14 : i64} {
  func.func @body(%arg0: memref<2x10000x128xf32, #tpu.memory_space<vmem>>, %arg1: memref<10000x128xf32, #tpu.memory_space<vmem>>, %arg2: memref<2x10000x128xf32, #tpu.memory_space<vmem>>, %arg3: memref<1x128xf32, #tpu.memory_space<vmem>>, %arg4: memref<128x128xf32, #tpu.memory_space<vmem>>, %arg5: memref<10000x128xf32, #tpu.memory_space<vmem>>) attributes {dimension_semantics = [], scalar_prefetch = 0 : i64, scratch_operands = 0 : i64, tpu.core_type = #tpu.core_type<tc>} {
    %get3A = arith.constant 0 : index
    %get3A_0 = arith.constant 0 : index
    %get3A_1 = arith.constant 0 : index
    %get3A_2 = vector.load %arg2[%get3A, %get3A_0, %get3A_1] : memref<2x10000x128xf32, #tpu.memory_space<vmem>>, vector<1x10000x1xf32>
    %get3A_3 = vector.shape_cast %get3A_2 : vector<1x10000x1xf32> to vector<10000xf32>
    %get3A_4 = arith.constant 1 : index
    %get3A_5 = arith.constant 0 : index
    %get3A_6 = arith.constant 0 : index
    %get3A_7 = vector.load %arg2[%get3A_4, %get3A_5, %get3A_6] : memref<2x10000x128xf32, #tpu.memory_space<vmem>>, vector<1x10000x1xf32>
    %get3A_8 = vector.shape_cast %get3A_7 : vector<1x10000x1xf32> to vector<10000xf32>
    %add3A = arith.addf %get3A_3, %get3A_8 : vector<10000xf32>
    %add3A_9 = arith.constant 1.000000e+00 : f32
    %add3A_10 = vector.broadcast %add3A_9 : f32 to vector<10000xf32>
    %add3A_11 = arith.addf %add3A, %add3A_10 : vector<10000xf32>
    %rsqrt3A = math.rsqrt %add3A_11 : vector<10000xf32>
    %get3A_12 = arith.constant 0 : index
    %get3A_13 = arith.constant 0 : index
    %get3A_14 = arith.constant 0 : index
    %get3A_15 = vector.load %arg0[%get3A_12, %get3A_13, %get3A_14] : memref<2x10000x128xf32, #tpu.memory_space<vmem>>, vector<1x10000x128xf32>
    %get3A_16 = vector.shape_cast %get3A_15 : vector<1x10000x128xf32> to vector<10000x128xf32>
    %get3A_17 = arith.constant 1 : index
    %get3A_18 = arith.constant 0 : index
    %get3A_19 = arith.constant 0 : index
    %get3A_20 = vector.load %arg0[%get3A_17, %get3A_18, %get3A_19] : memref<2x10000x128xf32, #tpu.memory_space<vmem>>, vector<1x10000x128xf32>
    %get3A_21 = vector.shape_cast %get3A_20 : vector<1x10000x128xf32> to vector<10000x128xf32>
    %add3A_22 = arith.addf %get3A_16, %get3A_21 : vector<10000x128xf32>
    %get3A_23 = arith.constant 0 : index
    %get3A_24 = arith.constant 0 : index
    %get3A_25 = vector.load %arg1[%get3A_23, %get3A_24] : memref<10000x128xf32, #tpu.memory_space<vmem>>, vector<10000x128xf32>
    %add3A_26 = arith.addf %add3A_22, %get3A_25 : vector<10000x128xf32>
    %broadcast_in_dim3A = vector.shape_cast %rsqrt3A : vector<10000xf32> to vector<10000x1xf32>
    %mul3A = vector.broadcast %broadcast_in_dim3A : vector<10000x1xf32> to vector<10000x128xf32>
    %mul3A_27 = arith.mulf %add3A_26, %mul3A : vector<10000x128xf32>
    %get3A_28 = arith.constant 0 : index
    %get3A_29 = arith.constant 0 : index
    %get3A_30 = vector.load %arg3[%get3A_28, %get3A_29] : memref<1x128xf32, #tpu.memory_space<vmem>>, vector<1x128xf32>
    %add3A_31 = vector.broadcast %get3A_30 : vector<1x128xf32> to vector<10000x128xf32>
    %add3A_32 = arith.addf %mul3A_27, %add3A_31 : vector<10000x128xf32>
    %max3A = arith.constant 0.000000e+00 : f32
    %max3A_33 = vector.broadcast %max3A : f32 to vector<10000x128xf32>
    %max3A_34 = arith.maximumf %add3A_32, %max3A_33 : vector<10000x128xf32>
    %get3A_35 = arith.constant 0 : index
    %get3A_36 = arith.constant 0 : index
    %get3A_37 = vector.load %arg4[%get3A_35, %get3A_36] : memref<128x128xf32, #tpu.memory_space<vmem>>, vector<128x128xf32>
    %dot_general3A = arith.constant dense<0.000000e+00> : vector<10000x128xf32>
    %dot_general3A_38 = tpu.matmul %max3A_34, %get3A_37, %dot_general3A {dimension_numbers = #tpu.dot_dimension_numbers<[1], [0], [0], [1], [0, 0, 1, 1], [], []>, transpose_lhs_hint = false} : vector<10000x128xf32>, vector<128x128xf32>, vector<10000x128xf32> -> vector<10000x128xf32>
    %broadcast_in_dim3A_39 = vector.shape_cast %rsqrt3A : vector<10000xf32> to vector<10000x1xf32>
    %mul3A_40 = vector.broadcast %broadcast_in_dim3A_39 : vector<10000x1xf32> to vector<10000x128xf32>
    %mul3A_41 = arith.mulf %dot_general3A_38, %mul3A_40 : vector<10000x128xf32>
    %swap3A = arith.constant 0 : index
    %swap3A_42 = arith.constant 0 : index
    %swap3A_43 = vector.load %arg5[%swap3A, %swap3A_42] : memref<10000x128xf32, #tpu.memory_space<vmem>>, vector<10000x128xf32>
    tpu.vector_store %arg5[%swap3A, %swap3A_42], %mul3A_41 {strides = array<i32>} : memref<10000x128xf32, #tpu.memory_space<vmem>>, vector<10000x128xf32>,
    return
  }
}

module attributes {stable_mosaic.version = 14 : i64} {
  func.func @body(%arg0: memref<2x10000x128xf32, #tpu.memory_space<vmem>>, %arg1: memref<10000x128xf32, #tpu.memory_space<vmem>>, %arg2: memref<2x10000x128xf32, #tpu.memory_space<vmem>>, %arg3: memref<1x128xf32, #tpu.memory_space<vmem>>, %arg4: memref<128x16xf32, #tpu.memory_space<vmem>>, %arg5: memref<1x16xf32, #tpu.memory_space<vmem>>, %arg6: memref<16x2xf32, #tpu.memory_space<vmem>>, %arg7: memref<1x2xf32, #tpu.memory_space<vmem>>, %arg8: memref<10000x2xf32, #tpu.memory_space<vmem>>) attributes {dimension_semantics = [], scalar_prefetch = 0 : i64, scratch_operands = 0 : i64, tpu.core_type = #tpu.core_type<tc>} {
    %get3A = arith.constant 0 : index
    %get3A_0 = arith.constant 0 : index
    %get3A_1 = arith.constant 0 : index
    %get3A_2 = vector.load %arg2[%get3A, %get3A_0, %get3A_1] : memref<2x10000x128xf32, #tpu.memory_space<vmem>>, vector<1x10000x1xf32>
    %get3A_3 = vector.shape_cast %get3A_2 : vector<1x10000x1xf32> to vector<10000xf32>
    %get3A_4 = arith.constant 1 : index
    %get3A_5 = arith.constant 0 : index
    %get3A_6 = arith.constant 0 : index
    %get3A_7 = vector.load %arg2[%get3A_4, %get3A_5, %get3A_6] : memref<2x10000x128xf32, #tpu.memory_space<vmem>>, vector<1x10000x1xf32>
    %get3A_8 = vector.shape_cast %get3A_7 : vector<1x10000x1xf32> to vector<10000xf32>
    %add3A = arith.addf %get3A_3, %get3A_8 : vector<10000xf32>
    %add3A_9 = arith.constant 1.000000e+00 : f32
    %add3A_10 = vector.broadcast %add3A_9 : f32 to vector<10000xf32>
    %add3A_11 = arith.addf %add3A, %add3A_10 : vector<10000xf32>
    %rsqrt3A = math.rsqrt %add3A_11 : vector<10000xf32>
    %get3A_12 = arith.constant 0 : index
    %get3A_13 = arith.constant 0 : index
    %get3A_14 = arith.constant 0 : index
    %get3A_15 = vector.load %arg0[%get3A_12, %get3A_13, %get3A_14] : memref<2x10000x128xf32, #tpu.memory_space<vmem>>, vector<1x10000x128xf32>
    %get3A_16 = vector.shape_cast %get3A_15 : vector<1x10000x128xf32> to vector<10000x128xf32>
    %get3A_17 = arith.constant 1 : index
    %get3A_18 = arith.constant 0 : index
    %get3A_19 = arith.constant 0 : index
    %get3A_20 = vector.load %arg0[%get3A_17, %get3A_18, %get3A_19] : memref<2x10000x128xf32, #tpu.memory_space<vmem>>, vector<1x10000x128xf32>
    %get3A_21 = vector.shape_cast %get3A_20 : vector<1x10000x128xf32> to vector<10000x128xf32>
    %add3A_22 = arith.addf %get3A_16, %get3A_21 : vector<10000x128xf32>
    %get3A_23 = arith.constant 0 : index
    %get3A_24 = arith.constant 0 : index
    %get3A_25 = vector.load %arg1[%get3A_23, %get3A_24] : memref<10000x128xf32, #tpu.memory_space<vmem>>, vector<10000x128xf32>
    %add3A_26 = arith.addf %add3A_22, %get3A_25 : vector<10000x128xf32>
    %broadcast_in_dim3A = vector.shape_cast %rsqrt3A : vector<10000xf32> to vector<10000x1xf32>
    %mul3A = vector.broadcast %broadcast_in_dim3A : vector<10000x1xf32> to vector<10000x128xf32>
    %mul3A_27 = arith.mulf %add3A_26, %mul3A : vector<10000x128xf32>
    %get3A_28 = arith.constant 0 : index
    %get3A_29 = arith.constant 0 : index
    %get3A_30 = vector.load %arg3[%get3A_28, %get3A_29] : memref<1x128xf32, #tpu.memory_space<vmem>>, vector<1x128xf32>
    %add3A_31 = vector.broadcast %get3A_30 : vector<1x128xf32> to vector<10000x128xf32>
    %add3A_32 = arith.addf %mul3A_27, %add3A_31 : vector<10000x128xf32>
    %max3A = arith.constant 0.000000e+00 : f32
    %max3A_33 = vector.broadcast %max3A : f32 to vector<10000x128xf32>
    %max3A_34 = arith.maximumf %add3A_32, %max3A_33 : vector<10000x128xf32>
    %get3A_35 = arith.constant 0 : index
    %get3A_36 = arith.constant 0 : index
    %get3A_37 = vector.load %arg4[%get3A_35, %get3A_36] : memref<128x16xf32, #tpu.memory_space<vmem>>, vector<128x16xf32>
    %dot_general3A = arith.constant dense<0.000000e+00> : vector<10000x16xf32>
    %dot_general3A_38 = tpu.matmul %max3A_34, %get3A_37, %dot_general3A {dimension_numbers = #tpu.dot_dimension_numbers<[1], [0], [0], [1], [0, 0, 1, 1], [], []>, transpose_lhs_hint = false} : vector<10000x128xf32>, vector<128x16xf32>, vector<10000x16xf32> -> vector<10000x16xf32>
    %get3A_39 = arith.constant 0 : index
    %get3A_40 = arith.constant 0 : index
    %get3A_41 = vector.load %arg5[%get3A_39, %get3A_40] : memref<1x16xf32, #tpu.memory_space<vmem>>, vector<1x16xf32>
    %add3A_42 = vector.broadcast %get3A_41 : vector<1x16xf32> to vector<10000x16xf32>
    %add3A_43 = arith.addf %dot_general3A_38, %add3A_42 : vector<10000x16xf32>
    %max3A_44 = arith.constant 0.000000e+00 : f32
    %max3A_45 = vector.broadcast %max3A_44 : f32 to vector<10000x16xf32>
    %max3A_46 = arith.maximumf %add3A_43, %max3A_45 : vector<10000x16xf32>
    %get3A_47 = arith.constant 0 : index
    %get3A_48 = arith.constant 0 : index
    %get3A_49 = vector.load %arg6[%get3A_47, %get3A_48] : memref<16x2xf32, #tpu.memory_space<vmem>>, vector<16x2xf32>
    %dot_general3A_50 = arith.constant dense<0.000000e+00> : vector<10000x2xf32>
    %dot_general3A_51 = tpu.matmul %max3A_46, %get3A_49, %dot_general3A_50 {dimension_numbers = #tpu.dot_dimension_numbers<[1], [0], [0], [1], [0, 0, 1, 1], [], []>, transpose_lhs_hint = false} : vector<10000x16xf32>, vector<16x2xf32>, vector<10000x2xf32> -> vector<10000x2xf32>
    %get3A_52 = arith.constant 0 : index
    %get3A_53 = arith.constant 0 : index
    %get3A_54 = vector.load %arg7[%get3A_52, %get3A_53] : memref<1x2xf32, #tpu.memory_space<vmem>>, vector<1x2xf32>
    %add3A_55 = vector.broadcast %get3A_54 : vector<1x2xf32> to vector<10000x2xf32>
    %add3A_56 = arith.addf %dot_general3A_51, %add3A_55 : vector<10000x2xf32>
    %swap3A = arith.constant 0 : index
    %swap3A_57 = arith.constant 0 : index
    %swap3A_58 = vector.load %arg8[%swap3A, %swap3A_57] : memref<10000x2xf32, #tpu.memory_space<vmem>>, vector<10000x2xf32>
    tpu.vector_store %arg8[%swap3A, %swap3A_57], %add3A_56 {strides = array<i32>} : memref<10000x2xf32, #tpu.memory_space<vmem>>, vector<10000x2xf32>,
    return
  }
}

</mosaic_0001>

<sc_bundles>
// kernel: kernel.11.cloned.1.call-start
scs
__scs_entry_jumppad:
0x0: {  	(pc) =	sbr.rel $0x88, $3  }
0x1: {  	(tag) =	ssettag $0x0;
	lr =	simm.s32 $0x1  }
0x2: {  	[smem:$0x3F95] =	sst lr;
	_ =	strace $0xD0000000  }
0x3: {  	_ = 	snop  }
0x4: {  	_ = 	snop  }
0x5: {  	_ = 	snop  }
0x6: {  	_ = 	snop  }
0x7: {  	_ = 	snop  }
__scs_overlays_trampoline_lowered:
0x8: {  	[smem:$0x3FA4] =	sst s0  }
0x9: {  	[smem:$0x3FA5] =	sst s1  }
0xa: {  	[smem:$0x3FA6] =	sst s2  }
0xb: {  	[smem:$0x3FA7] =	sst s3  }
0xc: {  	[smem:$0x3FA8] =	sst s4  }
0xd: {  	[smem:$0x3FA9] =	sst s5  }
0xe: {  	[smem:$0x3FAA] =	sst s6  }
0xf: {  	[smem:$0x3FAB] =	sst s7  }
0x10: {  	[smem:$0x3FAC] =	sst s8  }
0x11: {  	[smem:$0x3FAD] =	sst s9;
	s0 =	simm.s32 @!p0 $0x0  }
0x12: {  	s1 =	sld [smem:$0x3F93];
	s0 =	simm.s32 @p0 $0x1  }
0x13: {  	[smem:$0x3FAE] =	sst s0;
	s0 =	simm.s32 @!p1 $0x0  }
0x14: {  	s2 =	sld [smem:$0x3F92];
	s0 =	simm.s32 @p1 $0x1  }
0x15: {  	[smem:$0x3FAF] =	sst s0;
	s0 =	simm.s32 @!p2 $0x0  }
0x16: {  	s3 =	sld [smem:$0x3FDB];
	s0 =	simm.s32 @p2 $0x1  }
0x17: {  	s4 =	simm.s32 $0x1BF5;
	[smem:$0x3FB1] =	sst s0  }
0x18: {  	s0 =	sld [smem:$0x3F94];
	_ =	swait.ge [sflag:s4], $0x0  }
0x19: {  	s7 =	sld [smem:$0x3F95]  }
0x1a: {  	s8 =	sadd.s32 $0xFFFFE003, lr  }
0x1b: {  	s9 =	sadd.s32 $0xFFFFFEF7, lr;
	s5 =	simm.s32 $0xFFFFFFFF;
	p2 =	slt.u32 s8, $0xFFFFF086  }
0x1c: {  	p1 =	slt.u32 s9, $0xF7A;
	s5 =	simm.s32 @!p2 $0x0  }
0x1d: {  	s5 =	simm.s32 @p1 $0x1;
	p0 =	seq.s32 s7, s2  }
0x1e: {  	s7 =	smul.u32 @!p0 $0xF7A, s2;
	p2 =	seq.s32 @!p0 s5, $0x0  }
0x1f: {  	s9 =	smul.u32 $0xF7A, s1;
	s8 =	simm.s32 @!p0 $0x1BF5;
	p2 =	por !p2, p0  }
0x20: {  	[sflag:s8] =	ssyncset.s32 @!p0 $0xFFFFF086;
	s6 =	sadd.s32 @!p0 s3, s7;
	s7 =	simm.s32 @!p0 $0x108  }
0x21: {  	s3 =	sadd.s32 s3, s9;
	s6 =	sadd.s32 @!p0 $0x88, s6;
	s7 =	simm.s32 @p2 $0x1082  }
0x22: {  	[simem:s7], [sflag:s8] =	dma.local @!p0 [hbm:s6], $0xF7A  }
0x23: {  	s9 =	sor.u32 $0xD0000000, s2;
	s6 =	simm.s32 $0x108;
	_ =	swait.ge @!p0 [sflag:s8], $0x0  }
0x24: {  	s3 =	sadd.s32 $0x88, s3;
	s6 =	simm.s32 @!p1 $0x1082;
	[sflag:s4] =	ssyncset.s32 $0xFFFFF086  }
0x25: {  	[simem:s6], [sflag:s4] =	dma.local [hbm:s3], $0xF7A  }
0x26: {  	[smem:$0x3F95] =	sst s1;
	(tag) =	ssettag s2;
	_ =	strace s9  }
0x27: {  	s1 =	sld [smem:$0x3FA5]  }
0x28: {  	s2 =	sld [smem:$0x3FA6]  }
0x29: {  	s4 =	sld [smem:$0x3FA8]  }
0x2a: {  	p0 =	seq.s32 s5, $0x0;
	s5 =	sld [smem:$0x3FA9]  }
0x2b: {  	s6 =	sld [smem:$0x3FAA]  }
0x2c: {  	s7 =	sld [smem:$0x3FAB]  }
0x2d: {  	s3 =	simm.s32 $0x108;
	s8 =	sld [smem:$0x3FAC]  }
0x2e: {  	s3 =	simm.s32 @!p0 $0x1082;
	s9 =	sld [smem:$0x3FAD]  }
0x2f: {  	lr =	sadd.s32 s0, s3;
	s0 =	sld [smem:$0x3FA4]  }
0x30: {  	s3 =	sld [smem:$0x3FA7]  }
0x31: {  	[smem:$0x3FB0] =	sst s10  }
0x32: {  	s10 =	sld [smem:$0x3FAE];
	_ =	sdelay $0x3  }
0x33: {  	p0 =	seq.s32 s10, $0x1;
	s10 =	sld [smem:$0x3FB0];
	_ =	sdelay $0x3  }
0x34: {  	[smem:$0x3FB0] =	sst s10  }
0x35: {  	s10 =	sld [smem:$0x3FAF];
	_ =	sdelay $0x3  }
0x36: {  	p1 =	seq.s32 s10, $0x1;
	s10 =	sld [smem:$0x3FB0];
	_ =	sdelay $0x3  }
0x37: {  	[smem:$0x3FB0] =	sst s10  }
0x38: {  	s10 =	sld [smem:$0x3FB1]  }
0x39: {  	_ = 	snop;
	(pc) =	sbr.ind lr, $3  }
0x3a: {  	_ = 	snop  }
0x3b: {  	_ = 	snop  }
0x3c: {  	p2 =	seq.s32 s10, $0x1;
	s10 =	sld [smem:$0x3FB0]  }
0x3d: {  	_ =	shalt  }
0x3e: {  	_ =	shalt  }
0x3f: {  	_ =	shalt  }
0x40: {  	_ =	shalt  }
0x41: {  	_ =	shalt  }
0x42: {  	_ =	shalt  }
0x43: {  	_ =	shalt  }
0x44: {  	_ =	shalt  }
0x45: {  	_ =	shalt  }
0x46: {  	_ =	shalt  }
0x47: {  	_ =	shalt  }
0x48: {  	_ =	shalt  }
0x49: {  	_ =	shalt  }
0x4a: {  	_ =	shalt  }
0x4b: {  	_ =	shalt  }
0x4c: {  	_ =	shalt  }
0x4d: {  	_ =	shalt  }
0x4e: {  	_ =	shalt  }
0x4f: {  	_ =	shalt  }
0x50: {  	_ =	shalt  }
0x51: {  	_ =	shalt  }
0x52: {  	_ =	shalt  }
0x53: {  	_ =	shalt  }
0x54: {  	_ =	shalt  }
0x55: {  	_ =	shalt  }
0x56: {  	_ =	shalt  }
0x57: {  	_ =	shalt  }
0x58: {  	_ =	shalt  }
0x59: {  	_ =	shalt  }
0x5a: {  	_ =	shalt  }
0x5b: {  	_ =	shalt  }
0x5c: {  	_ =	shalt  }
0x5d: {  	_ =	shalt  }
0x5e: {  	_ =	shalt  }
0x5f: {  	_ =	shalt  }
0x60: {  	_ =	shalt  }
0x61: {  	_ =	shalt  }
0x62: {  	_ =	shalt  }
0x63: {  	_ =	shalt  }
0x64: {  	_ =	shalt  }
0x65: {  	_ =	shalt  }
0x66: {  	_ =	shalt  }
0x67: {  	_ =	shalt  }
0x68: {  	_ =	shalt  }
0x69: {  	_ =	shalt  }
0x6a: {  	_ =	shalt  }
0x6b: {  	_ =	shalt  }
0x6c: {  	_ =	shalt  }
0x6d: {  	_ =	shalt  }
0x6e: {  	_ =	shalt  }
0x6f: {  	_ =	shalt  }
0x70: {  	_ =	shalt  }
0x71: {  	_ =	shalt  }
0x72: {  	_ =	shalt  }
0x73: {  	_ =	shalt  }
0x74: {  	_ =	shalt  }
0x75: {  	_ =	shalt  }
0x76: {  	_ =	shalt  }
0x77: {  	_ =	shalt  }
0x78: {  	_ =	shalt  }
0x79: {  	_ =	shalt  }
0x7a: {  	_ =	shalt  }
0x7b: {  	_ =	shalt  }
0x7c: {  	_ =	shalt  }
0x7d: {  	_ =	shalt  }
0x7e: {  	_ =	shalt  }
0x7f: {  	_ =	shalt  }
0x80: {  	_ =	shalt  }
0x81: {  	_ =	shalt  }
0x82: {  	_ =	shalt  }
0x83: {  	_ =	shalt  }
0x84: {  	_ =	shalt  }
0x85: {  	_ =	shalt  }
0x86: {  	_ =	shalt  }
0x87: {  	_ =	shalt  }
.Lfunc_end0:
.L_simem_size_0:
called_computation.1_lowered:
.L_overlay_start_0:
0x88: {  	s2 =	sld [smem:$0x3FD9]  }
0x89: {  	s3 =	sld [smem:$0x3FFE];
	_ =	sdelay $0x1  }
0x8a: {  	s1 =	srdreg.scid  }
0x8b: {  	s0 =	sand.u32 $0x1, s1  }
0x8c: {  	s16 =	sshll.u32 s0, $0xA;
	s2 =	sadd.s32 s3, s2  }
0x8d: {  	s2 =	sadd.s32 s2, s16  }
0x8e: {  	[smem:$0x3FBC] =	sst s2  }
0x8f: {  	_ = 	snop  }
0x90: {  	(tm) =	ssettm $0x1  }
0x91: {  	s17 =	sld [smem:$0x3FFB];
	_ =	sdelay $0x3  }
0x92: {  	_ =	strace s17  }
0x93: {  	s2 =	sld [smem:$0x3FFC];
	_ =	sdelay $0x3  }
0x94: {  	_ =	strace s2  }
0x95: {  	s2 =	sld [smem:$0x3FFD];
	_ =	sdelay $0x3  }
0x96: {  	_ =	strace s2  }
0x97: {  	_ =	strace $0x8FFFFFFF  }
0x98: {  	s18 =	sld [smem:$0x3FDB];
	_ =	sdelay $0x1  }
0x99: {  	s19 =	simm.s32 $_scs_section_size  }
0x9a: {  	s4 =	simm.s32 $_size__tile_overlayer_lowered;
	s5 =	simm.s32 $_tile_overlayer_lowered  }
0x9b: {  	s22 =	simm.s32 $0x1BFF;
	s21 =	sshll.u32 s5, $0x1;
	s2 =	sadd.s32 s19, s18  }
0x9c: {  	s6 =	simm.s32 $0x0;
	s20 =	sshll.u32 s4, $0x1;
	s4 =	sadd.s32 s21, s2  }
0x9d: {  	[timem:s6], [sflag:s22] =	dma.local [hbm:s4], s20  }
0x9e: {  	_ =	swait.ge [sflag:s22], s20  }
0x9f: {  	s3 =	ssub.s32 $0x0, s20;
	[sflag:s22] =	ssyncset.done $0x0  }
0xa0: {  	[sflag:s22] =	ssyncadd.s32 s3;
	_ =	sdelay $0x1  }
0xa1: {  	s23 =	simm.s32 $0x1B8B  }
0xa2: {  	_ =	swait.ge [sflag:s23], $0x1  }
0xa3: {  	[sflag:s23] =	ssyncset.done $0x0  }
0xa4: {  	s25 =	simm.s32 $0x1B8E;
	s24 =	sld [smem:$0x3FFE];
	[sflag:s23] =	ssyncadd.s32 $0xFFFFFFFF  }
0xa5: {  	s26 =	simm.s32 $execute0_lowered;
	[smem:$0x3FD2] =	sst s25  }
0xa6: {  	s4 =	sshll.u32 s26, $0x1;
	_ =	strace $0x80000049;
	[dreg:$0x1] =	wrdreg $0xFFFFFFFF  }
0xa7: {  	s28 =	simm.s32 $_size_execute0_lowered;
	s2 =	sadd.s32 s2, s4;
	[dreg:$0x0] =	wrdreg $0x0  }
0xa8: {  	s4 =	sshll.u32 s28, $0x1;
	[dreg:$0x2] =	wrdreg s2  }
0xa9: {  	[dreg:$0x3] =	wrdreg s4  }
0xaa: {  	[dreg:$0x4] =	wrdreg $0xC0  }
0xab: {  	_ =	task [dreg:s6], $0x5FFFF  }
0xac: {  	[dreg:$0x1] =	wrdreg $0xFFFFFFFF  }
0xad: {  	[dreg:$0x0] =	wrdreg $0x60  }
0xae: {  	[dreg:$0x2] =	wrdreg s24  }
0xaf: {  	[dreg:$0x3] =	wrdreg $0x8C000  }
0xb0: {  	[dreg:$0x4] =	wrdreg $0x9  }
0xb1: {  	_ =	task.clear_ibuf [dreg:s6], $0x5FFFF;
	_ =	strace $0x90000049  }
0xb2: {  	s29 =	simm.s32 $0x9;
	_ =	strace $0x8000004B  }
0xb3: {  	_ =	swait.ge [sflag:s29], $0x1  }
0xb4: {  	[sflag:s29] =	ssyncadd.s32 $0xFFFFFFFF  }
0xb5: {  	_ =	strace $0x9000004B  }
0xb6: {  	_ =	sfence  }
0xb7: {  	s30 =	sld [smem:$0x0];
	_ =	sdelay $0x2  }
0xb8: {  	s31 =	sshll.u32 s1, $0xD;
	s1 =	sshrl.u32 s1, $0x2  }
0xb9: {  	s3 =	sand.u32 $0x4000, s31;
	s1 =	sadd.s32 s1, s30  }
0xba: {  	s0 =	sor.u32 s3, s0;
	s1 =	sshll.u32 s1, $0x11  }
0xbb: {  	s0 =	sor.u32 s1, s0  }
0xbc: {  	s0 =	sadd.s32 $0x8F2B, s0  }
0xbd: {  	[sflag:s0] =	ssyncadd.remote.s32 $0x1  }
0xbe: {  	_ =	sfence.sel $0xFFFF  }
0xbf: {  	[dreg:$0x0] =	wrdreg $0xFFFFFFFF;
	(pc) =	sbr.abs _section_cstart, $3  }
0xc0: {  	[dreg:$0x1] =	wrdreg $0xFFFFFFFF  }
0xc1: {  	_ =	task.clear_ibuf [dreg:s6], $0x2FFFF;
	_ =	strace $0x9FFFFFFF  }
0xc2: {  	(tm) =	ssettm $0x7FFFFFFF  }
0xc3: {  	_ =	shalt  }
tec
execute0_lowered:
.L_overlay_start_1:
0x0: {  	(tag) =	ssettag $0x1  }
0x1: {  	s0 =	rddreg [dreg:$0x0]  }
0x2: {  	s1 =	rddreg [dreg:$0x1];
	s2 =	srdreg.scid  }
0x3: {  	s3 =	simm.s32 $0x0;
	s12 =	stileid.u32;
	s28 =	simm.s32 $0x180  }
0x4: {  	s29 =	simm.s32 $0x380;
	s30 =	simm.s32 $0x8400;
	s31 =	simm.s32 $0x7  }
0x5: {  	s2 =	sand.u32 $0x1, s2;
	[smem:$0x7FF] =	sst s3;
	s20 =	smul.u32 $0x4E000, s12  }
0x6: {  	s4 =	sadd.s32 $0x65A00, s0;
	s9 =	sadd.s32 $0x17600, s0;
	s22 =	smul.u32 $0x13800, s12  }
0x7: {  	s24 =	smul.u32 $0x500, s12;
	p0 =	sne.s32 s12, $0xF;
	s5 =	sshll.u32 s2, $0x4  }
0x8: {  	_ =	strace $0x8000004A;
	s7 =	ssub.s32 $0x2, s2;
	s21 =	smul.u32 $0x138800, s2  }
0x9: {  	[dreg:$0x3] =	wrdreg s9;
	s2 =	smul.u32 $0x5000, s2;
	s6 =	sor.u32 s12, s5  }
0xa: {  	s5 =	sadd.s32 $0xD600, s0;
	s15 =	sshrl.u32 s7, $0x1;
	s12 =	simm.s32 $0x6  }
0xb: {  	s8 =	smul.u32 $0x500, s6;
	s6 =	sadd.s32 $0x3600, s0;
	s7 =	ssub.s32 s7, s15  }
0xc: {  	s0 =	sadd.s32 $0x8CC00, s0;
	s23 =	sadd.s32 s22, s21;
	s26 =	smax.u32 s7, $0x1  }
0xd: {  	s22 =	simm.s32 $0x200;
	s10 =	sadd.s32 s5, s8;
	[dreg:$0xe] =	wrdreg s26  }
0xe: {  	s16 =	sor.u32 $0x10, s8;
	s17 =	sadd.s32 s6, s8;
	[dreg:$0x4] =	wrdreg s10  }
0xf: {  	s7 =	simm.s32 $0x4;
	[dreg:$0x5] =	wrdreg s17;
	s18 =	sadd.s32 s5, s16  }
0x10: {  	s19 =	sor.u32 $0x20, s8;
	s9 =	sadd.s32 s6, s16;
	[dreg:$0x6] =	wrdreg s18  }
0x11: {  	s8 =	sor.u32 $0x30, s8;
	s11 =	sadd.s32 s5, s19;
	[dreg:$0x7] =	wrdreg s9  }
0x12: {  	s26 =	simm.s32 $0x300;
	s13 =	sadd.s32 s5, s8;
	[dreg:$0x8] =	wrdreg s11  }
0x13: {  	s10 =	sshrl.u32 s20, $0x2;
	s8 =	sadd.s32 s6, s8;
	[dreg:$0xa] =	wrdreg s13  }
0x14: {  	s17 =	sadd.s32 $0x138000, s1;
	s9 =	sadd.s32 s6, s19;
	[dreg:$0xb] =	wrdreg s8  }
0x15: {  	s16 =	sadd.s32 s10, s1;
	s8 =	sshrl.u32 s23, $0x3;
	s23 =	simm.s32 $0x80  }
0x16: {  	s10 =	simm.s32 $0x5;
	s11 =	simm.s32 $0x2;
	s13 =	simm.s32 $0x0  }
.Ltmp0:
0x17: {  	[dreg:$0x9] =	wrdreg s9;
	s9 =	sshrl.u32 s21, $0x3;
	(pc) =	sbr.rel .LBB2_1-.Ltmp0, $4  }
0x18: {  	s21 =	sadd.s32 s24, s2;
	s24 =	simm.s32 $0x280;
	s2 =	simm.s32 $0x400  }
0x19: {  	s9 =	sadd.s32 s0, s9;
	s0 =	sadd.s32 s0, s8;
	s8 =	simm.s32 $0x4400  }
0x1a: {  	[dreg:$0xc] =	wrdreg s0;
	s25 =	sadd.s32 $0x27000, s9;
	s0 =	simm.s32 $0x3  }
0x1b: {  	s9 =	simm.s32 $0x1;
	[dreg:$0xd] =	wrdreg s25;
	s25 =	simm.s32 $0x100  }
.LBB2_6:
0x1c: {  	_ =	swait.ge [sflag:s11], $0x4000  }
0x1d: {  	[sflag:s11] =	ssyncset.done $0x0  }
0x1e: {  	[sflag:s11] =	ssyncadd.s32 $0xFFFFC000  }
0x1f: {  	[spmem:s1] =	stream.indirect.scatter.add.f32 [tilespmem:s8], [sflag:$0x7], $0x80, s29, s23, $0xb8;
	[tilespmem:$0x1D480] =	vst v63  }
0x20: {  	_ =	swait.ge [sflag:s31], $0x4000  }
0x21: {  	[sflag:s31] =	ssyncset.done $0x0  }
0x22: {  	s14 =	stileid.u32;
	[sflag:s31] =	ssyncadd.s32 $0xFFFFC000  }
0x23: {  	s14 =	sshll.u32 s14, $0x6;
	[bflag:$0x0] =	sbarrier.arrive $0xFFFF  }
0x24: {  	s15 =	sshrl.u32 s16, $0x3;
	s14 =	sor.u32 $0x1C07, s14;
	s18 =	rddreg [dreg:$0xc]  }
0x25: {  	[hbm:s18], [sflag:s14] =	dma.local [spmem:s15], $0x2700  }
0x26: {  	_ =	swait.ge [sflag:s31], $0x2700  }
0x27: {  	[sflag:s31] =	ssyncset.done $0x0  }
0x28: {  	s15 =	sshrl.u32 @!p0 s17, $0x3;
	s18 =	rddreg [dreg:$0xd];
	[sflag:s31] =	ssyncadd.s32 $0xFFFFD900  }
0x29: {  	[hbm:s18], [sflag:s14] =	dma.local @!p0 [spmem:s15], $0x100  }
0x2a: {  	s14 =	simm.s32 @!p0 $0x7  }
0x2b: {  	_ =	swait.ge @!p0 [sflag:s14], $0x100  }
0x2c: {  	s13 =	sadd.s32 $0x1, s13;
	s20 =	rddreg [dreg:$0xe]  }
0x2d: {  	p1 =	sne.s32 s13, s20  }
.Ltmp1:
0x2e: {  	_ = 	snop;
	(pc) =	sbr.rel @!p1 .LBB2_7-.Ltmp1, $3  }
0x2f: {  	_ =	sdelay $0x1  }
0x30: {  	[sflag:s14] =	ssyncset.done @!p0 $0x0  }
0x31: {  	[sflag:s14] =	ssyncadd.s32 @!p0 $0xFFFFFF00  }
.LBB2_1:
0x32: {  	s14 =	rddreg [dreg:$0x4]  }
0x33: {  	[tilespmem:s3], [sflag:$0x3] =	stream.linear.gather [hbm4b:s14+s3], $0x80, $0x38;
	[tilespmem:$0x1D480] =	vst v63  }
0x34: {  	s20 =	rddreg [dreg:$0x5]  }
0x35: {  	[tilespmem:s22], [sflag:$0x3] =	stream.linear.gather [hbm4b:s20+s3], $0x80, $0x38;
	[tilespmem:$0x1D480] =	vst v63  }
0x36: {  	s15 =	rddreg [dreg:$0x6]  }
0x37: {  	[tilespmem:s23], [sflag:$0x4] =	stream.linear.gather [hbm4b:s15+s3], $0x80, $0x38;
	[tilespmem:$0x1D480] =	vst v63  }
0x38: {  	s18 =	rddreg [dreg:$0x7]  }
0x39: {  	[tilespmem:s24], [sflag:$0x4] =	stream.linear.gather [hbm4b:s18+s3], $0x80, $0x38;
	[tilespmem:$0x1D480] =	vst v63  }
0x3a: {  	s19 =	rddreg [dreg:$0x8]  }
0x3b: {  	[tilespmem:s25], [sflag:$0x5] =	stream.linear.gather [hbm4b:s19+s3], $0x80, $0x38;
	[tilespmem:$0x1D480] =	vst v63  }
0x3c: {  	s20 =	rddreg [dreg:$0x9]  }
0x3d: {  	[tilespmem:s26], [sflag:$0x5] =	stream.linear.gather [hbm4b:s20+s3], $0x80, $0x38;
	[tilespmem:$0x1D480] =	vst v63  }
0x3e: {  	s15 =	rddreg [dreg:$0xa]  }
0x3f: {  	[tilespmem:s28], [sflag:$0x6] =	stream.linear.gather [hbm4b:s15+s3], $0x80, $0x38;
	[tilespmem:$0x1D480] =	vst v63  }
0x40: {  	s18 =	rddreg [dreg:$0xb]  }
0x41: {  	[tilespmem:s29], [sflag:$0x6] =	stream.linear.gather [hbm4b:s18+s3], $0x80, $0x38;
	[tilespmem:$0x1D480] =	vst v63  }
0x42: {  	s19 =	rddreg [dreg:$0x3]  }
0x43: {  	[tilespmem:s30], [sflag:$0x7] =	stream.linear.gather [hbm4b:s19+s3], $0x800, $0x38;
	[tilespmem:$0x1D480] =	vst v63  }
0x44: {  	_ =	swait.ge [sflag:s31], $0x800  }
0x45: {  	[sflag:s31] =	ssyncset.done $0x0  }
0x46: {  	s20 =	sadd.s32 $0x0, s16;
	[sflag:s31] =	ssyncadd.s32 $0xFFFFF800  }
0x47: {  	[spmem:s20] =	stream.linear.scatter [tilespmem:s30], [sflag:$0x7], $0x800, $0x38;
	[tilespmem:$0x1D480] =	vst v63  }
0x48: {  	s14 =	simm.s32 $0x2000;
	_ =	swait.ge [sflag:s31], $0x800  }
.LBB2_2:
0x49: {  	s15 =	sshra.s32 s14, $0x2;
	[sflag:s31] =	ssyncset.done $0x0;
	p1 =	sne.s32 s14, $0x4C000  }
.Ltmp2:
0x4a: {  	s15 =	sadd.s32 s15, s16;
	[sflag:s31] =	ssyncadd.s32 $0xFFFFF800;
	(pc) =	sbr.rel @p1 .LBB2_2-.Ltmp2, $3  }
0x4b: {  	[spmem:s15] =	stream.linear.scatter [tilespmem:s30], [sflag:$0x7], $0x800, $0x38;
	[tilespmem:$0x1D480] =	vst v63  }
0x4c: {  	s14 =	sadd.s32 $0x2000, s14;
	_ =	sdelay $0x1  }
0x4d: {  	_ =	swait.ge [sflag:s31], $0x800  }
0x4e: {  	[sflag:s31] =	ssyncset.done $0x0  }
0x4f: {  	s14 =	simm.s32 @!p0 $0x8400;
	[sflag:s31] =	ssyncadd.s32 $0xFFFFF800  }
0x50: {  	[spmem:s17] =	stream.linear.scatter @!p0 [tilespmem:s14], [sflag:$0x7], $0x800, $0x38;
	[tilespmem:$0x1D480] =	vst v63  }
0x51: {  	s14 =	simm.s32 @!p0 $0x7  }
0x52: {  	_ =	swait.ge @!p0 [sflag:s14], $0x800  }
0x53: {  	[sflag:s14] =	ssyncset.done @!p0 $0x0  }
0x54: {  	[sflag:s14] =	ssyncadd.s32 @!p0 $0xFFFFF800  }
0x55: {  	[bflag:$0x0] =	sbarrier.arrive $0xFFFF  }
0x56: {  	_ =	swait.ge [sflag:s0], $0x80  }
0x57: {  	[sflag:s0] =	ssyncset.done $0x0  }
0x58: {  	[sflag:s0] =	ssyncadd.s32 $0xFFFFFF80  }
0x59: {  	_ =	swait.ge [sflag:s0], $0x80  }
0x5a: {  	[sflag:s0] =	ssyncset.done $0x0  }
0x5b: {  	[sflag:s0] =	ssyncadd.s32 $0xFFFFFF80  }
0x5c: {  	[tilespmem:s2], [sflag:$0x1] =	stream.indirect.gather [hbm4b:s4+s23], $0x80, s3, s23, $0xb8;
	[tilespmem:$0x1D480] =	vst v63  }
0x5d: {  	_ =	swait.ge [sflag:s7], $0x80  }
0x5e: {  	[sflag:s7] =	ssyncset.done $0x0  }
0x5f: {  	[sflag:s7] =	ssyncadd.s32 $0xFFFFFF80  }
0x60: {  	_ =	swait.ge [sflag:s7], $0x80  }
0x61: {  	[sflag:s7] =	ssyncset.done $0x0  }
0x62: {  	s14 =	simm.s32 $0x70;
	[sflag:s7] =	ssyncadd.s32 $0xFFFFFF80  }
0x63: {  	[tilespmem:s8], [sflag:$0x2] =	stream.indirect.gather [hbm4b:s4+s23], $0x80, s23, s23, $0xb8;
	[tilespmem:$0x1D480] =	vst v63  }
.LBB2_4:
0x64: {  	_ =	swait.ge [sflag:s9], $0x4000;
	p1 =	seq.s32 s14, $0x530  }
0x65: {  	[sflag:s9] =	ssyncset.done $0x0;
	s15 =	sadd.s32 @!p1 $0xFFFFFFD0, s14  }
0x66: {  	[sflag:s9] =	ssyncadd.s32 $0xFFFFC000;
	s18 =	sadd.s32 @!p1 s21, s15  }
0x67: {  	[spmem:s1] =	stream.indirect.scatter.add.f32 [tilespmem:s2], [sflag:$0x7], $0x80, s22, s23, $0xb8;
	[tilespmem:$0x1D480] =	vst v63  }
0x68: {  	s15 =	sand.u32 @!p1 $0x40, s15;
	s18 =	sand.u32 @!p1 $0xFFFFF80, s18;
	_ =	swait.ge [sflag:s31], $0x4000  }
0x69: {  	s15 =	sor.u32 @!p1 s15, s18;
	[sflag:s31] =	ssyncset.done $0x0  }
0x6a: {  	s19 =	simm.s32 @!p1 $0x0;
	s18 =	sadd.s32 @!p1 s5, s15;
	[sflag:s31] =	ssyncadd.s32 $0xFFFFC000  }
0x6b: {  	[tilespmem:s19], [sflag:$0x3] =	stream.linear.gather @!p1 [hbm4b:s18+s19], $0x80, $0x38;
	[tilespmem:$0x1D480] =	vst v63  }
0x6c: {  	s15 =	sadd.s32 @!p1 s6, s15;
	s18 =	simm.s32 @!p1 $0x200  }
0x6d: {  	[tilespmem:s18], [sflag:$0x3] =	stream.linear.gather @!p1 [hbm4b:s15+s19], $0x80, $0x38;
	[tilespmem:$0x1D480] =	vst v63  }
0x6e: {  	_ =	swait.ge [sflag:s10], $0x80  }
0x6f: {  	[sflag:s10] =	ssyncset.done $0x0  }
0x70: {  	[sflag:s10] =	ssyncadd.s32 $0xFFFFFF80  }
0x71: {  	_ =	swait.ge [sflag:s10], $0x80  }
0x72: {  	[sflag:s10] =	ssyncset.done $0x0  }
0x73: {  	[sflag:s10] =	ssyncadd.s32 $0xFFFFFF80  }
0x74: {  	[tilespmem:s2], [sflag:$0x1] =	stream.indirect.gather [hbm4b:s4+s23], $0x80, s25, s23, $0xb8;
	[tilespmem:$0x1D480] =	vst v63  }
0x75: {  	_ =	swait.ge [sflag:s11], $0x4000  }
0x76: {  	s15 =	sadd.s32 @!p1 $0xFFFFFFE0, s14;
	[sflag:s11] =	ssyncset.done $0x0  }
0x77: {  	s18 =	sadd.s32 @!p1 s21, s15;
	[sflag:s11] =	ssyncadd.s32 $0xFFFFC000  }
0x78: {  	[spmem:s1] =	stream.indirect.scatter.add.f32 [tilespmem:s8], [sflag:$0x7], $0x80, s24, s23, $0xb8;
	[tilespmem:$0x1D480] =	vst v63  }
0x79: {  	s15 =	sand.u32 @!p1 $0x50, s15;
	s18 =	sand.u32 @!p1 $0xFFFFF80, s18;
	_ =	swait.ge [sflag:s31], $0x4000  }
0x7a: {  	s15 =	sor.u32 @!p1 s15, s18;
	[sflag:s31] =	ssyncset.done $0x0  }
0x7b: {  	s20 =	simm.s32 @!p1 $0x80;
	s18 =	sadd.s32 @!p1 s5, s15;
	[sflag:s31] =	ssyncadd.s32 $0xFFFFC000  }
0x7c: {  	[tilespmem:s20], [sflag:$0x4] =	stream.linear.gather @!p1 [hbm4b:s18+s19], $0x80, $0x38;
	[tilespmem:$0x1D480] =	vst v63  }
0x7d: {  	s15 =	sadd.s32 @!p1 s6, s15;
	s18 =	simm.s32 @!p1 $0x280  }
0x7e: {  	[tilespmem:s18], [sflag:$0x4] =	stream.linear.gather @!p1 [hbm4b:s15+s19], $0x80, $0x38;
	[tilespmem:$0x1D480] =	vst v63  }
0x7f: {  	_ =	swait.ge [sflag:s12], $0x80  }
0x80: {  	[sflag:s12] =	ssyncset.done $0x0  }
0x81: {  	[sflag:s12] =	ssyncadd.s32 $0xFFFFFF80  }
0x82: {  	_ =	swait.ge [sflag:s12], $0x80  }
0x83: {  	[sflag:s12] =	ssyncset.done $0x0  }
0x84: {  	[sflag:s12] =	ssyncadd.s32 $0xFFFFFF80  }
0x85: {  	[tilespmem:s8], [sflag:$0x2] =	stream.indirect.gather [hbm4b:s4+s23], $0x80, s28, s23, $0xb8;
	[tilespmem:$0x1D480] =	vst v63  }
0x86: {  	_ =	swait.ge [sflag:s9], $0x4000  }
0x87: {  	[sflag:s9] =	ssyncset.done $0x0  }
.Ltmp3:
0x88: {  	[sflag:s9] =	ssyncadd.s32 $0xFFFFC000;
	(pc) =	sbr.rel @p1 .LBB2_6-.Ltmp3, $4  }
0x89: {  	[spmem:s1] =	stream.indirect.scatter.add.f32 [tilespmem:s2], [sflag:$0x7], $0x80, s26, s23, $0xb8;
	[tilespmem:$0x1D480] =	vst v63  }
0x8a: {  	_ =	swait.ge [sflag:s31], $0x4000  }
0x8b: {  	[sflag:s31] =	ssyncset.done $0x0  }
0x8c: {  	[sflag:s31] =	ssyncadd.s32 $0xFFFFC000  }
0x8d: {  	s15 =	sadd.s32 s14, s21  }
0x8e: {  	s19 =	sadd.s32 $0xFFFFFFF0, s14;
	s18 =	sadd.s32 $0xFFFFFFF0, s15  }
0x8f: {  	s19 =	sand.u32 $0x60, s19;
	s18 =	sand.u32 $0xFFFFF80, s18  }
0x90: {  	s18 =	sor.u32 s19, s18  }
0x91: {  	s19 =	sadd.s32 s5, s18  }
0x92: {  	[tilespmem:s25], [sflag:$0x5] =	stream.linear.gather [hbm4b:s19+s3], $0x80, $0x38;
	[tilespmem:$0x1D480] =	vst v63  }
0x93: {  	s18 =	sadd.s32 s6, s18  }
0x94: {  	[tilespmem:s26], [sflag:$0x5] =	stream.linear.gather [hbm4b:s18+s3], $0x80, $0x38;
	[tilespmem:$0x1D480] =	vst v63  }
0x95: {  	_ =	swait.ge [sflag:s0], $0x80  }
0x96: {  	[sflag:s0] =	ssyncset.done $0x0  }
0x97: {  	[sflag:s0] =	ssyncadd.s32 $0xFFFFFF80  }
0x98: {  	_ =	swait.ge [sflag:s0], $0x80  }
0x99: {  	[sflag:s0] =	ssyncset.done $0x0  }
0x9a: {  	[sflag:s0] =	ssyncadd.s32 $0xFFFFFF80  }
0x9b: {  	[tilespmem:s2], [sflag:$0x1] =	stream.indirect.gather [hbm4b:s4+s23], $0x80, s3, s23, $0xb8;
	[tilespmem:$0x1D480] =	vst v63  }
0x9c: {  	_ =	swait.ge [sflag:s11], $0x4000  }
0x9d: {  	[sflag:s11] =	ssyncset.done $0x0  }
0x9e: {  	[sflag:s11] =	ssyncadd.s32 $0xFFFFC000  }
0x9f: {  	[spmem:s1] =	stream.indirect.scatter.add.f32 [tilespmem:s8], [sflag:$0x7], $0x80, s29, s23, $0xb8;
	[tilespmem:$0x1D480] =	vst v63  }
0xa0: {  	s20 =	sand.u32 $0x70, s14;
	s15 =	sand.u32 $0xFFFFF80, s15;
	_ =	swait.ge [sflag:s31], $0x4000  }
0xa1: {  	s15 =	sor.u32 s20, s15;
	[sflag:s31] =	ssyncset.done $0x0  }
0xa2: {  	s18 =	sadd.s32 s5, s15;
	[sflag:s31] =	ssyncadd.s32 $0xFFFFC000  }
0xa3: {  	[tilespmem:s28], [sflag:$0x6] =	stream.linear.gather [hbm4b:s18+s3], $0x80, $0x38;
	[tilespmem:$0x1D480] =	vst v63  }
0xa4: {  	s15 =	sadd.s32 s6, s15  }
0xa5: {  	[tilespmem:s29], [sflag:$0x6] =	stream.linear.gather [hbm4b:s15+s3], $0x80, $0x38;
	[tilespmem:$0x1D480] =	vst v63  }
0xa6: {  	_ =	swait.ge [sflag:s7], $0x80  }
0xa7: {  	[sflag:s7] =	ssyncset.done $0x0  }
.Ltmp4:
0xa8: {  	[sflag:s7] =	ssyncadd.s32 $0xFFFFFF80;
	(pc) =	sbr.rel .LBB2_4-.Ltmp4, $4  }
0xa9: {  	_ =	swait.ge [sflag:s7], $0x80  }
0xaa: {  	[sflag:s7] =	ssyncset.done $0x0  }
0xab: {  	s14 =	sadd.s32 $0x40, s14;
	[sflag:s7] =	ssyncadd.s32 $0xFFFFFF80  }
0xac: {  	[tilespmem:s8], [sflag:$0x2] =	stream.indirect.gather [hbm4b:s4+s23], $0x80, s23, s23, $0xb8;
	[tilespmem:$0x1D480] =	vst v63  }
.LBB2_7:
0xad: {  	_ =	sfence.sel $0x180000  }
0xae: {  	[bflag:$0x0] =	sbarrier.arrive $0xFFFF  }
0xaf: {  	_ =	strace $0x9000004A  }
0xb0: {  	s0 =	stileid.u32;
	[bflag:$0x2] =	sbarrier.arrive $0xFFFF  }
0xb1: {  	p0 =	sne.s32 s0, $0x0;
	s0 =	rddreg [dreg:$0x2]  }
0xb2: {  	s0 =	sadd.s32 @!p0 $0x100000, s0  }
0xb3: {  	[sflag:s0] =	ssyncadd.tile.s32 @!p0 $0x1;
	_ =	shalt  }
.Lfunc_end2:
_tile_overlayer_lowered:
.L_overlay_start_2:
0xb4: {  	(tag) =	ssettag $0x2  }
0xb5: {  	s0 =	rddreg [dreg:$0x0];
	s2 =	stileid.u32  }
0xb6: {  	s1 =	rddreg [dreg:$0x1];
	p0 =	sne.s32 s2, $0x0  }
0xb7: {  	s3 =	rddreg [dreg:$0x2];
	[bflag:$0x3] =	sbarrier.arrive $0xFFFF;
	s2 =	simm.s32 @!p0 $0x1C07  }
0xb8: {  	[timem:s3], [sflag:s2] =	dma.local @!p0 [hbm:s0], s1  }
0xb9: {  	s0 =	simm.s32 @!p0 $0x7  }
0xba: {  	_ =	swait.ge @!p0 [sflag:s0], s1  }
0xbb: {  	s1 =	ssub.s32 @!p0 $0x0, s1;
	[sflag:s0] =	ssyncset.done @!p0 $0x0  }
0xbc: {  	[sflag:s0] =	ssyncadd.s32 @!p0 s1  }
0xbd: {  	[bflag:$0x3] =	sbarrier.arrive $0xFFFF  }
0xbe: {  	_ =	shalt  }

// kernel: kernel.14.cloned.1.call-start
scs
__scs_entry_jumppad:
0x0: {  	(pc) =	sbr.rel $0x88, $3  }
0x1: {  	(tag) =	ssettag $0x0;
	lr =	simm.s32 $0x1  }
0x2: {  	[smem:$0x3F95] =	sst lr;
	_ =	strace $0xD0000000  }
0x3: {  	_ = 	snop  }
0x4: {  	_ = 	snop  }
0x5: {  	_ = 	snop  }
0x6: {  	_ = 	snop  }
0x7: {  	_ = 	snop  }
__scs_overlays_trampoline_lowered:
0x8: {  	[smem:$0x3FA4] =	sst s0  }
0x9: {  	[smem:$0x3FA5] =	sst s1  }
0xa: {  	[smem:$0x3FA6] =	sst s2  }
0xb: {  	[smem:$0x3FA7] =	sst s3  }
0xc: {  	[smem:$0x3FA8] =	sst s4  }
0xd: {  	[smem:$0x3FA9] =	sst s5  }
0xe: {  	[smem:$0x3FAA] =	sst s6  }
0xf: {  	[smem:$0x3FAB] =	sst s7  }
0x10: {  	[smem:$0x3FAC] =	sst s8  }
0x11: {  	[smem:$0x3FAD] =	sst s9;
	s0 =	simm.s32 @!p0 $0x0  }
0x12: {  	s1 =	sld [smem:$0x3F93];
	s0 =	simm.s32 @p0 $0x1  }
0x13: {  	[smem:$0x3FAE] =	sst s0;
	s0 =	simm.s32 @!p1 $0x0  }
0x14: {  	s2 =	sld [smem:$0x3F92];
	s0 =	simm.s32 @p1 $0x1  }
0x15: {  	[smem:$0x3FAF] =	sst s0;
	s0 =	simm.s32 @!p2 $0x0  }
0x16: {  	s3 =	sld [smem:$0x3FDB];
	s0 =	simm.s32 @p2 $0x1  }
0x17: {  	s4 =	simm.s32 $0x1BF5;
	[smem:$0x3FB1] =	sst s0  }
0x18: {  	s0 =	sld [smem:$0x3F94];
	_ =	swait.ge [sflag:s4], $0x0  }
0x19: {  	s7 =	sld [smem:$0x3F95]  }
0x1a: {  	s8 =	sadd.s32 $0xFFFFE003, lr  }
0x1b: {  	s9 =	sadd.s32 $0xFFFFFEF7, lr;
	s5 =	simm.s32 $0xFFFFFFFF;
	p2 =	slt.u32 s8, $0xFFFFF086  }
0x1c: {  	p1 =	slt.u32 s9, $0xF7A;
	s5 =	simm.s32 @!p2 $0x0  }
0x1d: {  	s5 =	simm.s32 @p1 $0x1;
	p0 =	seq.s32 s7, s2  }
0x1e: {  	s7 =	smul.u32 @!p0 $0xF7A, s2;
	p2 =	seq.s32 @!p0 s5, $0x0  }
0x1f: {  	s9 =	smul.u32 $0xF7A, s1;
	s8 =	simm.s32 @!p0 $0x1BF5;
	p2 =	por !p2, p0  }
0x20: {  	[sflag:s8] =	ssyncset.s32 @!p0 $0xFFFFF086;
	s6 =	sadd.s32 @!p0 s3, s7;
	s7 =	simm.s32 @!p0 $0x108  }
0x21: {  	s3 =	sadd.s32 s3, s9;
	s6 =	sadd.s32 @!p0 $0x88, s6;
	s7 =	simm.s32 @p2 $0x1082  }
0x22: {  	[simem:s7], [sflag:s8] =	dma.local @!p0 [hbm:s6], $0xF7A  }
0x23: {  	s9 =	sor.u32 $0xD0000000, s2;
	s6 =	simm.s32 $0x108;
	_ =	swait.ge @!p0 [sflag:s8], $0x0  }
0x24: {  	s3 =	sadd.s32 $0x88, s3;
	s6 =	simm.s32 @!p1 $0x1082;
	[sflag:s4] =	ssyncset.s32 $0xFFFFF086  }
0x25: {  	[simem:s6], [sflag:s4] =	dma.local [hbm:s3], $0xF7A  }
0x26: {  	[smem:$0x3F95] =	sst s1;
	(tag) =	ssettag s2;
	_ =	strace s9  }
0x27: {  	s1 =	sld [smem:$0x3FA5]  }
0x28: {  	s2 =	sld [smem:$0x3FA6]  }
0x29: {  	s4 =	sld [smem:$0x3FA8]  }
0x2a: {  	p0 =	seq.s32 s5, $0x0;
	s5 =	sld [smem:$0x3FA9]  }
0x2b: {  	s6 =	sld [smem:$0x3FAA]  }
0x2c: {  	s7 =	sld [smem:$0x3FAB]  }
0x2d: {  	s3 =	simm.s32 $0x108;
	s8 =	sld [smem:$0x3FAC]  }
0x2e: {  	s3 =	simm.s32 @!p0 $0x1082;
	s9 =	sld [smem:$0x3FAD]  }
0x2f: {  	lr =	sadd.s32 s0, s3;
	s0 =	sld [smem:$0x3FA4]  }
0x30: {  	s3 =	sld [smem:$0x3FA7]  }
0x31: {  	[smem:$0x3FB0] =	sst s10  }
0x32: {  	s10 =	sld [smem:$0x3FAE];
	_ =	sdelay $0x3  }
0x33: {  	p0 =	seq.s32 s10, $0x1;
	s10 =	sld [smem:$0x3FB0];
	_ =	sdelay $0x3  }
0x34: {  	[smem:$0x3FB0] =	sst s10  }
0x35: {  	s10 =	sld [smem:$0x3FAF];
	_ =	sdelay $0x3  }
0x36: {  	p1 =	seq.s32 s10, $0x1;
	s10 =	sld [smem:$0x3FB0];
	_ =	sdelay $0x3  }
0x37: {  	[smem:$0x3FB0] =	sst s10  }
0x38: {  	s10 =	sld [smem:$0x3FB1]  }
0x39: {  	_ = 	snop;
	(pc) =	sbr.ind lr, $3  }
0x3a: {  	_ = 	snop  }
0x3b: {  	_ = 	snop  }
0x3c: {  	p2 =	seq.s32 s10, $0x1;
	s10 =	sld [smem:$0x3FB0]  }
0x3d: {  	_ =	shalt  }
0x3e: {  	_ =	shalt  }
0x3f: {  	_ =	shalt  }
0x40: {  	_ =	shalt  }
0x41: {  	_ =	shalt  }
0x42: {  	_ =	shalt  }
0x43: {  	_ =	shalt  }
0x44: {  	_ =	shalt  }
0x45: {  	_ =	shalt  }
0x46: {  	_ =	shalt  }
0x47: {  	_ =	shalt  }
0x48: {  	_ =	shalt  }
0x49: {  	_ =	shalt  }
0x4a: {  	_ =	shalt  }
0x4b: {  	_ =	shalt  }
0x4c: {  	_ =	shalt  }
0x4d: {  	_ =	shalt  }
0x4e: {  	_ =	shalt  }
0x4f: {  	_ =	shalt  }
0x50: {  	_ =	shalt  }
0x51: {  	_ =	shalt  }
0x52: {  	_ =	shalt  }
0x53: {  	_ =	shalt  }
0x54: {  	_ =	shalt  }
0x55: {  	_ =	shalt  }
0x56: {  	_ =	shalt  }
0x57: {  	_ =	shalt  }
0x58: {  	_ =	shalt  }
0x59: {  	_ =	shalt  }
0x5a: {  	_ =	shalt  }
0x5b: {  	_ =	shalt  }
0x5c: {  	_ =	shalt  }
0x5d: {  	_ =	shalt  }
0x5e: {  	_ =	shalt  }
0x5f: {  	_ =	shalt  }
0x60: {  	_ =	shalt  }
0x61: {  	_ =	shalt  }
0x62: {  	_ =	shalt  }
0x63: {  	_ =	shalt  }
0x64: {  	_ =	shalt  }
0x65: {  	_ =	shalt  }
0x66: {  	_ =	shalt  }
0x67: {  	_ =	shalt  }
0x68: {  	_ =	shalt  }
0x69: {  	_ =	shalt  }
0x6a: {  	_ =	shalt  }
0x6b: {  	_ =	shalt  }
0x6c: {  	_ =	shalt  }
0x6d: {  	_ =	shalt  }
0x6e: {  	_ =	shalt  }
0x6f: {  	_ =	shalt  }
0x70: {  	_ =	shalt  }
0x71: {  	_ =	shalt  }
0x72: {  	_ =	shalt  }
0x73: {  	_ =	shalt  }
0x74: {  	_ =	shalt  }
0x75: {  	_ =	shalt  }
0x76: {  	_ =	shalt  }
0x77: {  	_ =	shalt  }
0x78: {  	_ =	shalt  }
0x79: {  	_ =	shalt  }
0x7a: {  	_ =	shalt  }
0x7b: {  	_ =	shalt  }
0x7c: {  	_ =	shalt  }
0x7d: {  	_ =	shalt  }
0x7e: {  	_ =	shalt  }
0x7f: {  	_ =	shalt  }
0x80: {  	_ =	shalt  }
0x81: {  	_ =	shalt  }
0x82: {  	_ =	shalt  }
0x83: {  	_ =	shalt  }
0x84: {  	_ =	shalt  }
0x85: {  	_ =	shalt  }
0x86: {  	_ =	shalt  }
0x87: {  	_ =	shalt  }
.Lfunc_end0:
.L_simem_size_0:
called_computation.2_lowered:
.L_overlay_start_0:
0x88: {  	s2 =	sld [smem:$0x3FD9]  }
0x89: {  	s3 =	sld [smem:$0x3FFE];
	_ =	sdelay $0x1  }
0x8a: {  	s1 =	srdreg.scid  }
0x8b: {  	s0 =	sand.u32 $0x1, s1  }
0x8c: {  	s16 =	sshll.u32 s0, $0xA;
	s2 =	sadd.s32 s3, s2  }
0x8d: {  	s2 =	sadd.s32 s2, s16  }
0x8e: {  	[smem:$0x3FBC] =	sst s2  }
0x8f: {  	_ = 	snop  }
0x90: {  	(tm) =	ssettm $0x1  }
0x91: {  	s17 =	sld [smem:$0x3FFB];
	_ =	sdelay $0x3  }
0x92: {  	_ =	strace s17  }
0x93: {  	s2 =	sld [smem:$0x3FFC];
	_ =	sdelay $0x3  }
0x94: {  	_ =	strace s2  }
0x95: {  	s2 =	sld [smem:$0x3FFD];
	_ =	sdelay $0x3  }
0x96: {  	_ =	strace s2  }
0x97: {  	_ =	strace $0x8FFFFFFF  }
0x98: {  	s18 =	sld [smem:$0x3FDB];
	_ =	sdelay $0x1  }
0x99: {  	s19 =	simm.s32 $_scs_section_size  }
0x9a: {  	s4 =	simm.s32 $_size__tile_overlayer_lowered;
	s5 =	simm.s32 $_tile_overlayer_lowered  }
0x9b: {  	s22 =	simm.s32 $0x1BFF;
	s21 =	sshll.u32 s5, $0x1;
	s2 =	sadd.s32 s19, s18  }
0x9c: {  	s6 =	simm.s32 $0x0;
	s20 =	sshll.u32 s4, $0x1;
	s4 =	sadd.s32 s21, s2  }
0x9d: {  	[timem:s6], [sflag:s22] =	dma.local [hbm:s4], s20  }
0x9e: {  	_ =	swait.ge [sflag:s22], s20  }
0x9f: {  	s3 =	ssub.s32 $0x0, s20;
	[sflag:s22] =	ssyncset.done $0x0  }
0xa0: {  	[sflag:s22] =	ssyncadd.s32 s3;
	_ =	sdelay $0x1  }
0xa1: {  	s23 =	simm.s32 $0x1B8B  }
0xa2: {  	_ =	swait.ge [sflag:s23], $0x1  }
0xa3: {  	[sflag:s23] =	ssyncset.done $0x0  }
0xa4: {  	s25 =	simm.s32 $0x1B8E;
	s24 =	sld [smem:$0x3FFE];
	[sflag:s23] =	ssyncadd.s32 $0xFFFFFFFF  }
0xa5: {  	s26 =	simm.s32 $execute0_lowered;
	[smem:$0x3FD2] =	sst s25  }
0xa6: {  	s4 =	sshll.u32 s26, $0x1;
	_ =	strace $0x8000004C;
	[dreg:$0x1] =	wrdreg $0xFFFFFFFF  }
0xa7: {  	s28 =	simm.s32 $_size_execute0_lowered;
	s2 =	sadd.s32 s2, s4;
	[dreg:$0x0] =	wrdreg $0x0  }
0xa8: {  	s4 =	sshll.u32 s28, $0x1;
	[dreg:$0x2] =	wrdreg s2  }
0xa9: {  	[dreg:$0x3] =	wrdreg s4  }
0xaa: {  	[dreg:$0x4] =	wrdreg $0xC0  }
0xab: {  	_ =	task [dreg:s6], $0x5FFFF  }
0xac: {  	[dreg:$0x1] =	wrdreg $0xFFFFFFFF  }
0xad: {  	[dreg:$0x0] =	wrdreg $0x60  }
0xae: {  	[dreg:$0x2] =	wrdreg s24  }
0xaf: {  	[dreg:$0x3] =	wrdreg $0x8C000  }
0xb0: {  	[dreg:$0x4] =	wrdreg $0x9  }
0xb1: {  	_ =	task.clear_ibuf [dreg:s6], $0x5FFFF;
	_ =	strace $0x9000004C  }
0xb2: {  	s29 =	simm.s32 $0x9;
	_ =	strace $0x8000004E  }
0xb3: {  	_ =	swait.ge [sflag:s29], $0x1  }
0xb4: {  	[sflag:s29] =	ssyncadd.s32 $0xFFFFFFFF  }
0xb5: {  	_ =	strace $0x9000004E  }
0xb6: {  	_ =	sfence  }
0xb7: {  	s30 =	sld [smem:$0x0];
	_ =	sdelay $0x2  }
0xb8: {  	s31 =	sshll.u32 s1, $0xD;
	s1 =	sshrl.u32 s1, $0x2  }
0xb9: {  	s3 =	sand.u32 $0x4000, s31;
	s1 =	sadd.s32 s1, s30  }
0xba: {  	s0 =	sor.u32 s3, s0;
	s1 =	sshll.u32 s1, $0x11  }
0xbb: {  	s0 =	sor.u32 s1, s0  }
0xbc: {  	s0 =	sadd.s32 $0x8F2B, s0  }
0xbd: {  	[sflag:s0] =	ssyncadd.remote.s32 $0x1  }
0xbe: {  	_ =	sfence.sel $0xFFFF  }
0xbf: {  	[dreg:$0x0] =	wrdreg $0xFFFFFFFF;
	(pc) =	sbr.abs _section_cstart, $3  }
0xc0: {  	[dreg:$0x1] =	wrdreg $0xFFFFFFFF  }
0xc1: {  	_ =	task.clear_ibuf [dreg:s6], $0x2FFFF;
	_ =	strace $0x9FFFFFFF  }
0xc2: {  	(tm) =	ssettm $0x7FFFFFFF  }
0xc3: {  	_ =	shalt  }
tec
execute0_lowered:
.L_overlay_start_1:
0x0: {  	(tag) =	ssettag $0x1  }
0x1: {  	s0 =	rddreg [dreg:$0x0]  }
0x2: {  	s1 =	rddreg [dreg:$0x1];
	s2 =	srdreg.scid  }
0x3: {  	s3 =	simm.s32 $0x0;
	s12 =	stileid.u32;
	s28 =	simm.s32 $0x180  }
0x4: {  	s29 =	simm.s32 $0x380;
	s30 =	simm.s32 $0x8400;
	s31 =	simm.s32 $0x7  }
0x5: {  	s2 =	sand.u32 $0x1, s2;
	[smem:$0x7FF] =	sst s3;
	s20 =	smul.u32 $0x4E000, s12  }
0x6: {  	s4 =	sadd.s32 $0x65A00, s0;
	s9 =	sadd.s32 $0x17600, s0;
	s22 =	smul.u32 $0x13800, s12  }
0x7: {  	s24 =	smul.u32 $0x500, s12;
	p0 =	sne.s32 s12, $0xF;
	s5 =	sshll.u32 s2, $0x4  }
0x8: {  	_ =	strace $0x8000004D;
	s7 =	ssub.s32 $0x2, s2;
	s21 =	smul.u32 $0x138800, s2  }
0x9: {  	[dreg:$0x3] =	wrdreg s9;
	s2 =	smul.u32 $0x5000, s2;
	s6 =	sor.u32 s12, s5  }
0xa: {  	s5 =	sadd.s32 $0xD600, s0;
	s15 =	sshrl.u32 s7, $0x1;
	s12 =	simm.s32 $0x6  }
0xb: {  	s8 =	smul.u32 $0x500, s6;
	s6 =	sadd.s32 $0x3600, s0;
	s7 =	ssub.s32 s7, s15  }
0xc: {  	s0 =	sadd.s32 $0x8CC00, s0;
	s23 =	sadd.s32 s22, s21;
	s26 =	smax.u32 s7, $0x1  }
0xd: {  	s22 =	simm.s32 $0x200;
	s10 =	sadd.s32 s5, s8;
	[dreg:$0xe] =	wrdreg s26  }
0xe: {  	s16 =	sor.u32 $0x10, s8;
	s17 =	sadd.s32 s6, s8;
	[dreg:$0x4] =	wrdreg s10  }
0xf: {  	s7 =	simm.s32 $0x4;
	[dreg:$0x5] =	wrdreg s17;
	s18 =	sadd.s32 s5, s16  }
0x10: {  	s19 =	sor.u32 $0x20, s8;
	s9 =	sadd.s32 s6, s16;
	[dreg:$0x6] =	wrdreg s18  }
0x11: {  	s8 =	sor.u32 $0x30, s8;
	s11 =	sadd.s32 s5, s19;
	[dreg:$0x7] =	wrdreg s9  }
0x12: {  	s26 =	simm.s32 $0x300;
	s13 =	sadd.s32 s5, s8;
	[dreg:$0x8] =	wrdreg s11  }
0x13: {  	s10 =	sshrl.u32 s20, $0x2;
	s8 =	sadd.s32 s6, s8;
	[dreg:$0xa] =	wrdreg s13  }
0x14: {  	s17 =	sadd.s32 $0x138000, s1;
	s9 =	sadd.s32 s6, s19;
	[dreg:$0xb] =	wrdreg s8  }
0x15: {  	s16 =	sadd.s32 s10, s1;
	s8 =	sshrl.u32 s23, $0x3;
	s23 =	simm.s32 $0x80  }
0x16: {  	s10 =	simm.s32 $0x5;
	s11 =	simm.s32 $0x2;
	s13 =	simm.s32 $0x0  }
.Ltmp0:
0x17: {  	[dreg:$0x9] =	wrdreg s9;
	s9 =	sshrl.u32 s21, $0x3;
	(pc) =	sbr.rel .LBB2_1-.Ltmp0, $4  }
0x18: {  	s21 =	sadd.s32 s24, s2;
	s24 =	simm.s32 $0x280;
	s2 =	simm.s32 $0x400  }
0x19: {  	s9 =	sadd.s32 s0, s9;
	s0 =	sadd.s32 s0, s8;
	s8 =	simm.s32 $0x4400  }
0x1a: {  	[dreg:$0xc] =	wrdreg s0;
	s25 =	sadd.s32 $0x27000, s9;
	s0 =	simm.s32 $0x3  }
0x1b: {  	s9 =	simm.s32 $0x1;
	[dreg:$0xd] =	wrdreg s25;
	s25 =	simm.s32 $0x100  }
.LBB2_6:
0x1c: {  	_ =	swait.ge [sflag:s11], $0x4000  }
0x1d: {  	[sflag:s11] =	ssyncset.done $0x0  }
0x1e: {  	[sflag:s11] =	ssyncadd.s32 $0xFFFFC000  }
0x1f: {  	[spmem:s1] =	stream.indirect.scatter.add.f32 [tilespmem:s8], [sflag:$0x7], $0x80, s29, s23, $0xb8;
	[tilespmem:$0x1D480] =	vst v63  }
0x20: {  	_ =	swait.ge [sflag:s31], $0x4000  }
0x21: {  	[sflag:s31] =	ssyncset.done $0x0  }
0x22: {  	s14 =	stileid.u32;
	[sflag:s31] =	ssyncadd.s32 $0xFFFFC000  }
0x23: {  	s14 =	sshll.u32 s14, $0x6;
	[bflag:$0x0] =	sbarrier.arrive $0xFFFF  }
0x24: {  	s15 =	sshrl.u32 s16, $0x3;
	s14 =	sor.u32 $0x1C07, s14;
	s18 =	rddreg [dreg:$0xc]  }
0x25: {  	[hbm:s18], [sflag:s14] =	dma.local [spmem:s15], $0x2700  }
0x26: {  	_ =	swait.ge [sflag:s31], $0x2700  }
0x27: {  	[sflag:s31] =	ssyncset.done $0x0  }
0x28: {  	s15 =	sshrl.u32 @!p0 s17, $0x3;
	s18 =	rddreg [dreg:$0xd];
	[sflag:s31] =	ssyncadd.s32 $0xFFFFD900  }
0x29: {  	[hbm:s18], [sflag:s14] =	dma.local @!p0 [spmem:s15], $0x100  }
0x2a: {  	s14 =	simm.s32 @!p0 $0x7  }
0x2b: {  	_ =	swait.ge @!p0 [sflag:s14], $0x100  }
0x2c: {  	s13 =	sadd.s32 $0x1, s13;
	s20 =	rddreg [dreg:$0xe]  }
0x2d: {  	p1 =	sne.s32 s13, s20  }
.Ltmp1:
0x2e: {  	_ = 	snop;
	(pc) =	sbr.rel @!p1 .LBB2_7-.Ltmp1, $3  }
0x2f: {  	_ =	sdelay $0x1  }
0x30: {  	[sflag:s14] =	ssyncset.done @!p0 $0x0  }
0x31: {  	[sflag:s14] =	ssyncadd.s32 @!p0 $0xFFFFFF00  }
.LBB2_1:
0x32: {  	s14 =	rddreg [dreg:$0x4]  }
0x33: {  	[tilespmem:s3], [sflag:$0x3] =	stream.linear.gather [hbm4b:s14+s3], $0x80, $0x38;
	[tilespmem:$0x1D480] =	vst v63  }
0x34: {  	s20 =	rddreg [dreg:$0x5]  }
0x35: {  	[tilespmem:s22], [sflag:$0x3] =	stream.linear.gather [hbm4b:s20+s3], $0x80, $0x38;
	[tilespmem:$0x1D480] =	vst v63  }
0x36: {  	s15 =	rddreg [dreg:$0x6]  }
0x37: {  	[tilespmem:s23], [sflag:$0x4] =	stream.linear.gather [hbm4b:s15+s3], $0x80, $0x38;
	[tilespmem:$0x1D480] =	vst v63  }
0x38: {  	s18 =	rddreg [dreg:$0x7]  }
0x39: {  	[tilespmem:s24], [sflag:$0x4] =	stream.linear.gather [hbm4b:s18+s3], $0x80, $0x38;
	[tilespmem:$0x1D480] =	vst v63  }
0x3a: {  	s19 =	rddreg [dreg:$0x8]  }
0x3b: {  	[tilespmem:s25], [sflag:$0x5] =	stream.linear.gather [hbm4b:s19+s3], $0x80, $0x38;
	[tilespmem:$0x1D480] =	vst v63  }
0x3c: {  	s20 =	rddreg [dreg:$0x9]  }
0x3d: {  	[tilespmem:s26], [sflag:$0x5] =	stream.linear.gather [hbm4b:s20+s3], $0x80, $0x38;
	[tilespmem:$0x1D480] =	vst v63  }
0x3e: {  	s15 =	rddreg [dreg:$0xa]  }
0x3f: {  	[tilespmem:s28], [sflag:$0x6] =	stream.linear.gather [hbm4b:s15+s3], $0x80, $0x38;
	[tilespmem:$0x1D480] =	vst v63  }
0x40: {  	s18 =	rddreg [dreg:$0xb]  }
0x41: {  	[tilespmem:s29], [sflag:$0x6] =	stream.linear.gather [hbm4b:s18+s3], $0x80, $0x38;
	[tilespmem:$0x1D480] =	vst v63  }
0x42: {  	s19 =	rddreg [dreg:$0x3]  }
0x43: {  	[tilespmem:s30], [sflag:$0x7] =	stream.linear.gather [hbm4b:s19+s3], $0x800, $0x38;
	[tilespmem:$0x1D480] =	vst v63  }
0x44: {  	_ =	swait.ge [sflag:s31], $0x800  }
0x45: {  	[sflag:s31] =	ssyncset.done $0x0  }
0x46: {  	s20 =	sadd.s32 $0x0, s16;
	[sflag:s31] =	ssyncadd.s32 $0xFFFFF800  }
0x47: {  	[spmem:s20] =	stream.linear.scatter [tilespmem:s30], [sflag:$0x7], $0x800, $0x38;
	[tilespmem:$0x1D480] =	vst v63  }
0x48: {  	s14 =	simm.s32 $0x2000;
	_ =	swait.ge [sflag:s31], $0x800  }
.LBB2_2:
0x49: {  	s15 =	sshra.s32 s14, $0x2;
	[sflag:s31] =	ssyncset.done $0x0;
	p1 =	sne.s32 s14, $0x4C000  }
.Ltmp2:
0x4a: {  	s15 =	sadd.s32 s15, s16;
	[sflag:s31] =	ssyncadd.s32 $0xFFFFF800;
	(pc) =	sbr.rel @p1 .LBB2_2-.Ltmp2, $3  }
0x4b: {  	[spmem:s15] =	stream.linear.scatter [tilespmem:s30], [sflag:$0x7], $0x800, $0x38;
	[tilespmem:$0x1D480] =	vst v63  }
0x4c: {  	s14 =	sadd.s32 $0x2000, s14;
	_ =	sdelay $0x1  }
0x4d: {  	_ =	swait.ge [sflag:s31], $0x800  }
0x4e: {  	[sflag:s31] =	ssyncset.done $0x0  }
0x4f: {  	s14 =	simm.s32 @!p0 $0x8400;
	[sflag:s31] =	ssyncadd.s32 $0xFFFFF800  }
0x50: {  	[spmem:s17] =	stream.linear.scatter @!p0 [tilespmem:s14], [sflag:$0x7], $0x800, $0x38;
	[tilespmem:$0x1D480] =	vst v63  }
0x51: {  	s14 =	simm.s32 @!p0 $0x7  }
0x52: {  	_ =	swait.ge @!p0 [sflag:s14], $0x800  }
0x53: {  	[sflag:s14] =	ssyncset.done @!p0 $0x0  }
0x54: {  	[sflag:s14] =	ssyncadd.s32 @!p0 $0xFFFFF800  }
0x55: {  	[bflag:$0x0] =	sbarrier.arrive $0xFFFF  }
0x56: {  	_ =	swait.ge [sflag:s0], $0x80  }
0x57: {  	[sflag:s0] =	ssyncset.done $0x0  }
0x58: {  	[sflag:s0] =	ssyncadd.s32 $0xFFFFFF80  }
0x59: {  	_ =	swait.ge [sflag:s0], $0x80  }
0x5a: {  	[sflag:s0] =	ssyncset.done $0x0  }
0x5b: {  	[sflag:s0] =	ssyncadd.s32 $0xFFFFFF80  }
0x5c: {  	[tilespmem:s2], [sflag:$0x1] =	stream.indirect.gather [hbm4b:s4+s23], $0x80, s3, s23, $0xb8;
	[tilespmem:$0x1D480] =	vst v63  }
0x5d: {  	_ =	swait.ge [sflag:s7], $0x80  }
0x5e: {  	[sflag:s7] =	ssyncset.done $0x0  }
0x5f: {  	[sflag:s7] =	ssyncadd.s32 $0xFFFFFF80  }
0x60: {  	_ =	swait.ge [sflag:s7], $0x80  }
0x61: {  	[sflag:s7] =	ssyncset.done $0x0  }
0x62: {  	s14 =	simm.s32 $0x70;
	[sflag:s7] =	ssyncadd.s32 $0xFFFFFF80  }
0x63: {  	[tilespmem:s8], [sflag:$0x2] =	stream.indirect.gather [hbm4b:s4+s23], $0x80, s23, s23, $0xb8;
	[tilespmem:$0x1D480] =	vst v63  }
.LBB2_4:
0x64: {  	_ =	swait.ge [sflag:s9], $0x4000;
	p1 =	seq.s32 s14, $0x530  }
0x65: {  	[sflag:s9] =	ssyncset.done $0x0;
	s15 =	sadd.s32 @!p1 $0xFFFFFFD0, s14  }
0x66: {  	[sflag:s9] =	ssyncadd.s32 $0xFFFFC000;
	s18 =	sadd.s32 @!p1 s21, s15  }
0x67: {  	[spmem:s1] =	stream.indirect.scatter.add.f32 [tilespmem:s2], [sflag:$0x7], $0x80, s22, s23, $0xb8;
	[tilespmem:$0x1D480] =	vst v63  }
0x68: {  	s15 =	sand.u32 @!p1 $0x40, s15;
	s18 =	sand.u32 @!p1 $0xFFFFF80, s18;
	_ =	swait.ge [sflag:s31], $0x4000  }
0x69: {  	s15 =	sor.u32 @!p1 s15, s18;
	[sflag:s31] =	ssyncset.done $0x0  }
0x6a: {  	s19 =	simm.s32 @!p1 $0x0;
	s18 =	sadd.s32 @!p1 s5, s15;
	[sflag:s31] =	ssyncadd.s32 $0xFFFFC000  }
0x6b: {  	[tilespmem:s19], [sflag:$0x3] =	stream.linear.gather @!p1 [hbm4b:s18+s19], $0x80, $0x38;
	[tilespmem:$0x1D480] =	vst v63  }
0x6c: {  	s15 =	sadd.s32 @!p1 s6, s15;
	s18 =	simm.s32 @!p1 $0x200  }
0x6d: {  	[tilespmem:s18], [sflag:$0x3] =	stream.linear.gather @!p1 [hbm4b:s15+s19], $0x80, $0x38;
	[tilespmem:$0x1D480] =	vst v63  }
0x6e: {  	_ =	swait.ge [sflag:s10], $0x80  }
0x6f: {  	[sflag:s10] =	ssyncset.done $0x0  }
0x70: {  	[sflag:s10] =	ssyncadd.s32 $0xFFFFFF80  }
0x71: {  	_ =	swait.ge [sflag:s10], $0x80  }
0x72: {  	[sflag:s10] =	ssyncset.done $0x0  }
0x73: {  	[sflag:s10] =	ssyncadd.s32 $0xFFFFFF80  }
0x74: {  	[tilespmem:s2], [sflag:$0x1] =	stream.indirect.gather [hbm4b:s4+s23], $0x80, s25, s23, $0xb8;
	[tilespmem:$0x1D480] =	vst v63  }
0x75: {  	_ =	swait.ge [sflag:s11], $0x4000  }
0x76: {  	s15 =	sadd.s32 @!p1 $0xFFFFFFE0, s14;
	[sflag:s11] =	ssyncset.done $0x0  }
0x77: {  	s18 =	sadd.s32 @!p1 s21, s15;
	[sflag:s11] =	ssyncadd.s32 $0xFFFFC000  }
0x78: {  	[spmem:s1] =	stream.indirect.scatter.add.f32 [tilespmem:s8], [sflag:$0x7], $0x80, s24, s23, $0xb8;
	[tilespmem:$0x1D480] =	vst v63  }
0x79: {  	s15 =	sand.u32 @!p1 $0x50, s15;
	s18 =	sand.u32 @!p1 $0xFFFFF80, s18;
	_ =	swait.ge [sflag:s31], $0x4000  }
0x7a: {  	s15 =	sor.u32 @!p1 s15, s18;
	[sflag:s31] =	ssyncset.done $0x0  }
0x7b: {  	s20 =	simm.s32 @!p1 $0x80;
	s18 =	sadd.s32 @!p1 s5, s15;
	[sflag:s31] =	ssyncadd.s32 $0xFFFFC000  }
0x7c: {  	[tilespmem:s20], [sflag:$0x4] =	stream.linear.gather @!p1 [hbm4b:s18+s19], $0x80, $0x38;
	[tilespmem:$0x1D480] =	vst v63  }
0x7d: {  	s15 =	sadd.s32 @!p1 s6, s15;
	s18 =	simm.s32 @!p1 $0x280  }
0x7e: {  	[tilespmem:s18], [sflag:$0x4] =	stream.linear.gather @!p1 [hbm4b:s15+s19], $0x80, $0x38;
	[tilespmem:$0x1D480] =	vst v63  }
0x7f: {  	_ =	swait.ge [sflag:s12], $0x80  }
0x80: {  	[sflag:s12] =	ssyncset.done $0x0  }
0x81: {  	[sflag:s12] =	ssyncadd.s32 $0xFFFFFF80  }
0x82: {  	_ =	swait.ge [sflag:s12], $0x80  }
0x83: {  	[sflag:s12] =	ssyncset.done $0x0  }
0x84: {  	[sflag:s12] =	ssyncadd.s32 $0xFFFFFF80  }
0x85: {  	[tilespmem:s8], [sflag:$0x2] =	stream.indirect.gather [hbm4b:s4+s23], $0x80, s28, s23, $0xb8;
	[tilespmem:$0x1D480] =	vst v63  }
0x86: {  	_ =	swait.ge [sflag:s9], $0x4000  }
0x87: {  	[sflag:s9] =	ssyncset.done $0x0  }
.Ltmp3:
0x88: {  	[sflag:s9] =	ssyncadd.s32 $0xFFFFC000;
	(pc) =	sbr.rel @p1 .LBB2_6-.Ltmp3, $4  }
0x89: {  	[spmem:s1] =	stream.indirect.scatter.add.f32 [tilespmem:s2], [sflag:$0x7], $0x80, s26, s23, $0xb8;
	[tilespmem:$0x1D480] =	vst v63  }
0x8a: {  	_ =	swait.ge [sflag:s31], $0x4000  }
0x8b: {  	[sflag:s31] =	ssyncset.done $0x0  }
0x8c: {  	[sflag:s31] =	ssyncadd.s32 $0xFFFFC000  }
0x8d: {  	s15 =	sadd.s32 s14, s21  }
0x8e: {  	s19 =	sadd.s32 $0xFFFFFFF0, s14;
	s18 =	sadd.s32 $0xFFFFFFF0, s15  }
0x8f: {  	s19 =	sand.u32 $0x60, s19;
	s18 =	sand.u32 $0xFFFFF80, s18  }
0x90: {  	s18 =	sor.u32 s19, s18  }
0x91: {  	s19 =	sadd.s32 s5, s18  }
0x92: {  	[tilespmem:s25], [sflag:$0x5] =	stream.linear.gather [hbm4b:s19+s3], $0x80, $0x38;
	[tilespmem:$0x1D480] =	vst v63  }
0x93: {  	s18 =	sadd.s32 s6, s18  }
0x94: {  	[tilespmem:s26], [sflag:$0x5] =	stream.linear.gather [hbm4b:s18+s3], $0x80, $0x38;
	[tilespmem:$0x1D480] =	vst v63  }
0x95: {  	_ =	swait.ge [sflag:s0], $0x80  }
0x96: {  	[sflag:s0] =	ssyncset.done $0x0  }
0x97: {  	[sflag:s0] =	ssyncadd.s32 $0xFFFFFF80  }
0x98: {  	_ =	swait.ge [sflag:s0], $0x80  }
0x99: {  	[sflag:s0] =	ssyncset.done $0x0  }
0x9a: {  	[sflag:s0] =	ssyncadd.s32 $0xFFFFFF80  }
0x9b: {  	[tilespmem:s2], [sflag:$0x1] =	stream.indirect.gather [hbm4b:s4+s23], $0x80, s3, s23, $0xb8;
	[tilespmem:$0x1D480] =	vst v63  }
0x9c: {  	_ =	swait.ge [sflag:s11], $0x4000  }
0x9d: {  	[sflag:s11] =	ssyncset.done $0x0  }
0x9e: {  	[sflag:s11] =	ssyncadd.s32 $0xFFFFC000  }
0x9f: {  	[spmem:s1] =	stream.indirect.scatter.add.f32 [tilespmem:s8], [sflag:$0x7], $0x80, s29, s23, $0xb8;
	[tilespmem:$0x1D480] =	vst v63  }
0xa0: {  	s20 =	sand.u32 $0x70, s14;
	s15 =	sand.u32 $0xFFFFF80, s15;
	_ =	swait.ge [sflag:s31], $0x4000  }
0xa1: {  	s15 =	sor.u32 s20, s15;
	[sflag:s31] =	ssyncset.done $0x0  }
0xa2: {  	s18 =	sadd.s32 s5, s15;
	[sflag:s31] =	ssyncadd.s32 $0xFFFFC000  }
0xa3: {  	[tilespmem:s28], [sflag:$0x6] =	stream.linear.gather [hbm4b:s18+s3], $0x80, $0x38;
	[tilespmem:$0x1D480] =	vst v63  }
0xa4: {  	s15 =	sadd.s32 s6, s15  }
0xa5: {  	[tilespmem:s29], [sflag:$0x6] =	stream.linear.gather [hbm4b:s15+s3], $0x80, $0x38;
	[tilespmem:$0x1D480] =	vst v63  }
0xa6: {  	_ =	swait.ge [sflag:s7], $0x80  }
0xa7: {  	[sflag:s7] =	ssyncset.done $0x0  }
.Ltmp4:
0xa8: {  	[sflag:s7] =	ssyncadd.s32 $0xFFFFFF80;
	(pc) =	sbr.rel .LBB2_4-.Ltmp4, $4  }
0xa9: {  	_ =	swait.ge [sflag:s7], $0x80  }
0xaa: {  	[sflag:s7] =	ssyncset.done $0x0  }
0xab: {  	s14 =	sadd.s32 $0x40, s14;
	[sflag:s7] =	ssyncadd.s32 $0xFFFFFF80  }
0xac: {  	[tilespmem:s8], [sflag:$0x2] =	stream.indirect.gather [hbm4b:s4+s23], $0x80, s23, s23, $0xb8;
	[tilespmem:$0x1D480] =	vst v63  }
.LBB2_7:
0xad: {  	_ =	sfence.sel $0x180000  }
0xae: {  	[bflag:$0x0] =	sbarrier.arrive $0xFFFF  }
0xaf: {  	_ =	strace $0x9000004D  }
0xb0: {  	s0 =	stileid.u32;
	[bflag:$0x2] =	sbarrier.arrive $0xFFFF  }
0xb1: {  	p0 =	sne.s32 s0, $0x0;
	s0 =	rddreg [dreg:$0x2]  }
0xb2: {  	s0 =	sadd.s32 @!p0 $0x100000, s0  }
0xb3: {  	[sflag:s0] =	ssyncadd.tile.s32 @!p0 $0x1;
	_ =	shalt  }
.Lfunc_end2:
_tile_overlayer_lowered:
.L_overlay_start_2:
0xb4: {  	(tag) =	ssettag $0x2  }
0xb5: {  	s0 =	rddreg [dreg:$0x0];
	s2 =	stileid.u32  }
0xb6: {  	s1 =	rddreg [dreg:$0x1];
	p0 =	sne.s32 s2, $0x0  }
0xb7: {  	s3 =	rddreg [dreg:$0x2];
	[bflag:$0x3] =	sbarrier.arrive $0xFFFF;
	s2 =	simm.s32 @!p0 $0x1C07  }
0xb8: {  	[timem:s3], [sflag:s2] =	dma.local @!p0 [hbm:s0], s1  }
0xb9: {  	s0 =	simm.s32 @!p0 $0x7  }
0xba: {  	_ =	swait.ge @!p0 [sflag:s0], s1  }
0xbb: {  	s1 =	ssub.s32 @!p0 $0x0, s1;
	[sflag:s0] =	ssyncset.done @!p0 $0x0  }
0xbc: {  	[sflag:s0] =	ssyncadd.s32 @!p0 s1  }
0xbd: {  	[bflag:$0x3] =	sbarrier.arrive $0xFFFF  }
0xbe: {  	_ =	shalt  }

// kernel: kernel.8.cloned.1.call-start
scs
__scs_entry_jumppad:
0x0: {  	(pc) =	sbr.rel $0x88, $3  }
0x1: {  	(tag) =	ssettag $0x0;
	lr =	simm.s32 $0x1  }
0x2: {  	[smem:$0x3F95] =	sst lr;
	_ =	strace $0xD0000000  }
0x3: {  	_ = 	snop  }
0x4: {  	_ = 	snop  }
0x5: {  	_ = 	snop  }
0x6: {  	_ = 	snop  }
0x7: {  	_ = 	snop  }
__scs_overlays_trampoline_lowered:
0x8: {  	[smem:$0x3FA4] =	sst s0  }
0x9: {  	[smem:$0x3FA5] =	sst s1  }
0xa: {  	[smem:$0x3FA6] =	sst s2  }
0xb: {  	[smem:$0x3FA7] =	sst s3  }
0xc: {  	[smem:$0x3FA8] =	sst s4  }
0xd: {  	[smem:$0x3FA9] =	sst s5  }
0xe: {  	[smem:$0x3FAA] =	sst s6  }
0xf: {  	[smem:$0x3FAB] =	sst s7  }
0x10: {  	[smem:$0x3FAC] =	sst s8  }
0x11: {  	[smem:$0x3FAD] =	sst s9;
	s0 =	simm.s32 @!p0 $0x0  }
0x12: {  	s1 =	sld [smem:$0x3F93];
	s0 =	simm.s32 @p0 $0x1  }
0x13: {  	[smem:$0x3FAE] =	sst s0;
	s0 =	simm.s32 @!p1 $0x0  }
0x14: {  	s2 =	sld [smem:$0x3F92];
	s0 =	simm.s32 @p1 $0x1  }
0x15: {  	[smem:$0x3FAF] =	sst s0;
	s0 =	simm.s32 @!p2 $0x0  }
0x16: {  	s3 =	sld [smem:$0x3FDB];
	s0 =	simm.s32 @p2 $0x1  }
0x17: {  	s4 =	simm.s32 $0x1BF5;
	[smem:$0x3FB1] =	sst s0  }
0x18: {  	s0 =	sld [smem:$0x3F94];
	_ =	swait.ge [sflag:s4], $0x0  }
0x19: {  	s7 =	sld [smem:$0x3F95]  }
0x1a: {  	s8 =	sadd.s32 $0xFFFFE003, lr  }
0x1b: {  	s9 =	sadd.s32 $0xFFFFFEF7, lr;
	s5 =	simm.s32 $0xFFFFFFFF;
	p2 =	slt.u32 s8, $0xFFFFF086  }
0x1c: {  	p1 =	slt.u32 s9, $0xF7A;
	s5 =	simm.s32 @!p2 $0x0  }
0x1d: {  	s5 =	simm.s32 @p1 $0x1;
	p0 =	seq.s32 s7, s2  }
0x1e: {  	s7 =	smul.u32 @!p0 $0xF7A, s2;
	p2 =	seq.s32 @!p0 s5, $0x0  }
0x1f: {  	s9 =	smul.u32 $0xF7A, s1;
	s8 =	simm.s32 @!p0 $0x1BF5;
	p2 =	por !p2, p0  }
0x20: {  	[sflag:s8] =	ssyncset.s32 @!p0 $0xFFFFF086;
	s6 =	sadd.s32 @!p0 s3, s7;
	s7 =	simm.s32 @!p0 $0x108  }
0x21: {  	s3 =	sadd.s32 s3, s9;
	s6 =	sadd.s32 @!p0 $0x88, s6;
	s7 =	simm.s32 @p2 $0x1082  }
0x22: {  	[simem:s7], [sflag:s8] =	dma.local @!p0 [hbm:s6], $0xF7A  }
0x23: {  	s9 =	sor.u32 $0xD0000000, s2;
	s6 =	simm.s32 $0x108;
	_ =	swait.ge @!p0 [sflag:s8], $0x0  }
0x24: {  	s3 =	sadd.s32 $0x88, s3;
	s6 =	simm.s32 @!p1 $0x1082;
	[sflag:s4] =	ssyncset.s32 $0xFFFFF086  }
0x25: {  	[simem:s6], [sflag:s4] =	dma.local [hbm:s3], $0xF7A  }
0x26: {  	[smem:$0x3F95] =	sst s1;
	(tag) =	ssettag s2;
	_ =	strace s9  }
0x27: {  	s1 =	sld [smem:$0x3FA5]  }
0x28: {  	s2 =	sld [smem:$0x3FA6]  }
0x29: {  	s4 =	sld [smem:$0x3FA8]  }
0x2a: {  	p0 =	seq.s32 s5, $0x0;
	s5 =	sld [smem:$0x3FA9]  }
0x2b: {  	s6 =	sld [smem:$0x3FAA]  }
0x2c: {  	s7 =	sld [smem:$0x3FAB]  }
0x2d: {  	s3 =	simm.s32 $0x108;
	s8 =	sld [smem:$0x3FAC]  }
0x2e: {  	s3 =	simm.s32 @!p0 $0x1082;
	s9 =	sld [smem:$0x3FAD]  }
0x2f: {  	lr =	sadd.s32 s0, s3;
	s0 =	sld [smem:$0x3FA4]  }
0x30: {  	s3 =	sld [smem:$0x3FA7]  }
0x31: {  	[smem:$0x3FB0] =	sst s10  }
0x32: {  	s10 =	sld [smem:$0x3FAE];
	_ =	sdelay $0x3  }
0x33: {  	p0 =	seq.s32 s10, $0x1;
	s10 =	sld [smem:$0x3FB0];
	_ =	sdelay $0x3  }
0x34: {  	[smem:$0x3FB0] =	sst s10  }
0x35: {  	s10 =	sld [smem:$0x3FAF];
	_ =	sdelay $0x3  }
0x36: {  	p1 =	seq.s32 s10, $0x1;
	s10 =	sld [smem:$0x3FB0];
	_ =	sdelay $0x3  }
0x37: {  	[smem:$0x3FB0] =	sst s10  }
0x38: {  	s10 =	sld [smem:$0x3FB1]  }
0x39: {  	_ = 	snop;
	(pc) =	sbr.ind lr, $3  }
0x3a: {  	_ = 	snop  }
0x3b: {  	_ = 	snop  }
0x3c: {  	p2 =	seq.s32 s10, $0x1;
	s10 =	sld [smem:$0x3FB0]  }
0x3d: {  	_ =	shalt  }
0x3e: {  	_ =	shalt  }
0x3f: {  	_ =	shalt  }
0x40: {  	_ =	shalt  }
0x41: {  	_ =	shalt  }
0x42: {  	_ =	shalt  }
0x43: {  	_ =	shalt  }
0x44: {  	_ =	shalt  }
0x45: {  	_ =	shalt  }
0x46: {  	_ =	shalt  }
0x47: {  	_ =	shalt  }
0x48: {  	_ =	shalt  }
0x49: {  	_ =	shalt  }
0x4a: {  	_ =	shalt  }
0x4b: {  	_ =	shalt  }
0x4c: {  	_ =	shalt  }
0x4d: {  	_ =	shalt  }
0x4e: {  	_ =	shalt  }
0x4f: {  	_ =	shalt  }
0x50: {  	_ =	shalt  }
0x51: {  	_ =	shalt  }
0x52: {  	_ =	shalt  }
0x53: {  	_ =	shalt  }
0x54: {  	_ =	shalt  }
0x55: {  	_ =	shalt  }
0x56: {  	_ =	shalt  }
0x57: {  	_ =	shalt  }
0x58: {  	_ =	shalt  }
0x59: {  	_ =	shalt  }
0x5a: {  	_ =	shalt  }
0x5b: {  	_ =	shalt  }
0x5c: {  	_ =	shalt  }
0x5d: {  	_ =	shalt  }
0x5e: {  	_ =	shalt  }
0x5f: {  	_ =	shalt  }
0x60: {  	_ =	shalt  }
0x61: {  	_ =	shalt  }
0x62: {  	_ =	shalt  }
0x63: {  	_ =	shalt  }
0x64: {  	_ =	shalt  }
0x65: {  	_ =	shalt  }
0x66: {  	_ =	shalt  }
0x67: {  	_ =	shalt  }
0x68: {  	_ =	shalt  }
0x69: {  	_ =	shalt  }
0x6a: {  	_ =	shalt  }
0x6b: {  	_ =	shalt  }
0x6c: {  	_ =	shalt  }
0x6d: {  	_ =	shalt  }
0x6e: {  	_ =	shalt  }
0x6f: {  	_ =	shalt  }
0x70: {  	_ =	shalt  }
0x71: {  	_ =	shalt  }
0x72: {  	_ =	shalt  }
0x73: {  	_ =	shalt  }
0x74: {  	_ =	shalt  }
0x75: {  	_ =	shalt  }
0x76: {  	_ =	shalt  }
0x77: {  	_ =	shalt  }
0x78: {  	_ =	shalt  }
0x79: {  	_ =	shalt  }
0x7a: {  	_ =	shalt  }
0x7b: {  	_ =	shalt  }
0x7c: {  	_ =	shalt  }
0x7d: {  	_ =	shalt  }
0x7e: {  	_ =	shalt  }
0x7f: {  	_ =	shalt  }
0x80: {  	_ =	shalt  }
0x81: {  	_ =	shalt  }
0x82: {  	_ =	shalt  }
0x83: {  	_ =	shalt  }
0x84: {  	_ =	shalt  }
0x85: {  	_ =	shalt  }
0x86: {  	_ =	shalt  }
0x87: {  	_ =	shalt  }
.Lfunc_end0:
.L_simem_size_0:
called_computation_lowered:
.L_overlay_start_0:
0x88: {  	s2 =	sld [smem:$0x3FD9]  }
0x89: {  	s3 =	sld [smem:$0x3FFE];
	_ =	sdelay $0x1  }
0x8a: {  	s1 =	srdreg.scid  }
0x8b: {  	s0 =	sand.u32 $0x1, s1  }
0x8c: {  	s17 =	sshll.u32 s0, $0xA;
	s2 =	sadd.s32 s3, s2  }
0x8d: {  	s2 =	sadd.s32 s2, s17  }
0x8e: {  	[smem:$0x3FBC] =	sst s2  }
0x8f: {  	_ = 	snop  }
0x90: {  	s2 =	sld [smem:$0x3FD0];
	(tm) =	ssettm $0x1  }
0x91: {  	s18 =	sld [smem:$0x3FFB];
	_ =	sdelay $0x3  }
0x92: {  	_ =	strace s18  }
0x93: {  	s3 =	sld [smem:$0x3FFC];
	_ =	sdelay $0x3  }
0x94: {  	_ =	strace s3  }
0x95: {  	s3 =	sld [smem:$0x3FFD];
	_ =	sdelay $0x3  }
0x96: {  	_ =	strace s3  }
0x97: {  	_ =	strace $0x8FFFFFFF  }
0x98: {  	s19 =	sld [smem:$0x3FDB];
	_ =	sdelay $0x1  }
0x99: {  	s4 =	simm.s32 $_scs_section_size  }
0x9a: {  	s5 =	simm.s32 $_size__tile_overlayer_lowered;
	s6 =	simm.s32 $_tile_overlayer_lowered  }
0x9b: {  	s22 =	simm.s32 $0x1BFF;
	s21 =	sshll.u32 s6, $0x1;
	s3 =	sadd.s32 s4, s19  }
0x9c: {  	s7 =	simm.s32 $0x0;
	s20 =	sshll.u32 s5, $0x1;
	s5 =	sadd.s32 s21, s3  }
0x9d: {  	[timem:s7], [sflag:s22] =	dma.local [hbm:s5], s20  }
0x9e: {  	_ =	swait.ge [sflag:s22], s20  }
0x9f: {  	s4 =	ssub.s32 $0x0, s20;
	[sflag:s22] =	ssyncset.done $0x0  }
0xa0: {  	[sflag:s22] =	ssyncadd.s32 s4;
	_ =	sdelay $0x1  }
0xa1: {  	s23 =	simm.s32 $0x1B8B  }
0xa2: {  	_ =	swait.ge [sflag:s23], $0x1  }
0xa3: {  	[sflag:s23] =	ssyncset.done $0x0  }
0xa4: {  	s25 =	simm.s32 $0x1B8E;
	s24 =	sld [smem:$0x3FFE];
	[sflag:s23] =	ssyncadd.s32 $0xFFFFFFFF  }
0xa5: {  	s26 =	simm.s32 $execute0_lowered;
	[smem:$0x3FD2] =	sst s25  }
0xa6: {  	s5 =	sshll.u32 s26, $0x1;
	_ =	strace $0x80000046;
	[dreg:$0x1] =	wrdreg $0xFFFFFFFF  }
0xa7: {  	s28 =	simm.s32 $_size_execute0_lowered;
	s3 =	sadd.s32 s3, s5;
	[dreg:$0x0] =	wrdreg $0x0  }
0xa8: {  	s5 =	sshll.u32 s28, $0x1;
	[dreg:$0x2] =	wrdreg s3  }
0xa9: {  	[dreg:$0x3] =	wrdreg s5  }
0xaa: {  	[dreg:$0x4] =	wrdreg $0xC0  }
0xab: {  	_ =	task [dreg:s7], $0x5FFFF  }
0xac: {  	[dreg:$0x1] =	wrdreg $0xFFFFFFFF  }
0xad: {  	[dreg:$0x0] =	wrdreg $0x60  }
0xae: {  	[dreg:$0x2] =	wrdreg s24  }
0xaf: {  	[dreg:$0x3] =	wrdreg s2  }
0xb0: {  	[dreg:$0x4] =	wrdreg $0x4A000  }
0xb1: {  	[dreg:$0x5] =	wrdreg $0x9  }
0xb2: {  	_ =	task.clear_ibuf [dreg:s7], $0x6FFFF;
	_ =	strace $0x90000046  }
0xb3: {  	s29 =	simm.s32 $0x9;
	_ =	strace $0x80000048  }
0xb4: {  	_ =	swait.ge [sflag:s29], $0x1  }
0xb5: {  	[sflag:s29] =	ssyncadd.s32 $0xFFFFFFFF  }
0xb6: {  	_ =	strace $0x90000048  }
0xb7: {  	_ =	sfence  }
0xb8: {  	s30 =	sld [smem:$0x0];
	_ =	sdelay $0x2  }
0xb9: {  	s31 =	sshll.u32 s1, $0xD;
	s1 =	sshrl.u32 s1, $0x2  }
0xba: {  	s3 =	sand.u32 $0x4000, s31;
	s1 =	sadd.s32 s1, s30  }
0xbb: {  	s0 =	sor.u32 s3, s0;
	s1 =	sshll.u32 s1, $0x11  }
0xbc: {  	s0 =	sor.u32 s1, s0  }
0xbd: {  	s0 =	sadd.s32 $0x8F2B, s0  }
0xbe: {  	[sflag:s0] =	ssyncadd.remote.s32 $0x1  }
0xbf: {  	_ =	sfence.sel $0xFFFF  }
0xc0: {  	[dreg:$0x0] =	wrdreg $0xFFFFFFFF;
	(pc) =	sbr.abs _section_cstart, $3  }
0xc1: {  	[dreg:$0x1] =	wrdreg $0xFFFFFFFF  }
0xc2: {  	_ =	task.clear_ibuf [dreg:s7], $0x2FFFF;
	_ =	strace $0x9FFFFFFF  }
0xc3: {  	(tm) =	ssettm $0x7FFFFFFF  }
tec
execute0_lowered:
.L_overlay_start_1:
0x0: {  	(tag) =	ssettag $0x1  }
0x1: {  	s7 =	rddreg [dreg:$0x0]  }
0x2: {  	s2 =	rddreg [dreg:$0x2];
	s3 =	srdreg.scid;
	s4 =	simm.s32 $0x0  }
0x3: {  	s19 =	simm.s32 $0x180;
	s20 =	simm.s32 $0x200;
	s21 =	simm.s32 $0x5  }
0x4: {  	s22 =	simm.s32 $0x4200;
	s13 =	sand.u32 $0x1, s3;
	s3 =	stileid.u32  }
0x5: {  	s23 =	simm.s32 $0x1;
	s24 =	simm.s32 $0x3;
	s11 =	smul.u32 $0x4E000, s3  }
0x6: {  	s25 =	simm.s32 $0x4;
	s26 =	simm.s32 $0x0;
	s16 =	smul.u32 $0x138800, s13  }
0x7: {  	[smem:$0x7FF] =	sst s4;
	s14 =	sadd.s32 $0x17800, s7;
	s17 =	smul.u32 $0x13800, s3  }
0x8: {  	s12 =	sadd.s32 $0x138000, s2;
	s5 =	sshll.u32 s13, $0x4;
	s18 =	smul.u32 $0x5000, s13  }
0x9: {  	_ =	strace $0x80000047;
	s9 =	ssub.s32 $0x2, s13;
	s31 =	smul.u32 $0x500, s3  }
0xa: {  	p0 =	sne.s32 s3, $0xF;
	s6 =	sor.u32 s3, s5;
	s5 =	sadd.s32 $0x3600, s7  }
0xb: {  	s10 =	sshrl.u32 s9, $0x1;
	s8 =	smul.u32 $0x500, s6;
	s6 =	sadd.s32 $0x17600, s7  }
0xc: {  	s15 =	ssub.s32 s9, s10;
	s11 =	sshrl.u32 s11, $0x2;
	s17 =	sadd.s32 s17, s16  }
.Ltmp0:
0xd: {  	s16 =	sshrl.u32 s16, $0x3;
	s11 =	sadd.s32 s11, s2;
	(pc) =	sbr.rel .LBB2_1-.Ltmp0, $4  }
0xe: {  	s30 =	sshrl.u32 s17, $0x3;
	s16 =	sadd.s32 s14, s16;
	s15 =	smax.u32 s15, $0x1  }
0xf: {  	s17 =	simm.s32 $0x80;
	s7 =	sadd.s32 s5, s8;
	s13 =	sadd.s32 s14, s30  }
0x10: {  	s14 =	sadd.s32 $0x27000, s16;
	s16 =	sadd.s32 s31, s18;
	s18 =	simm.s32 $0x100  }
0x11: {  	s8 =	sadd.s32 $0x10, s7;
	s9 =	sadd.s32 $0x20, s7;
	s10 =	sadd.s32 $0x30, s7  }
.LBB2_6:
0x12: {  	_ =	swait.ge [sflag:s25], $0x80  }
0x13: {  	[sflag:s25] =	ssyncset.done $0x0  }
0x14: {  	[sflag:s25] =	ssyncadd.s32 $0xFFFFFF80  }
0x15: {  	[spmem:s2] =	stream.indirect.scatter.add.f32 [tilespmem:s20], [sflag:$0x5], $0x80, s19, s17, $0xb8;
	[tilespmem:$0x19280] =	vst v63  }
0x16: {  	_ =	swait.ge [sflag:s21], $0x4000  }
0x17: {  	[sflag:s21] =	ssyncset.done $0x0  }
0x18: {  	s0 =	sshll.u32 s3, $0x6;
	[sflag:s21] =	ssyncadd.s32 $0xFFFFC000  }
0x19: {  	s1 =	sshrl.u32 s11, $0x3;
	s0 =	sor.u32 $0x1C05, s0;
	[bflag:$0x0] =	sbarrier.arrive $0xFFFF  }
0x1a: {  	[hbm:s13], [sflag:s0] =	dma.local [spmem:s1], $0x2700  }
0x1b: {  	_ =	swait.ge [sflag:s21], $0x2700  }
0x1c: {  	s26 =	sadd.s32 $0x1, s26;
	[sflag:s21] =	ssyncset.done $0x0  }
0x1d: {  	p1 =	sne.s32 s26, s15;
	s1 =	sshrl.u32 @!p0 s12, $0x3;
	[sflag:s21] =	ssyncadd.s32 $0xFFFFD900  }
0x1e: {  	[hbm:s14], [sflag:s0] =	dma.local @!p0 [spmem:s1], $0x100  }
.Ltmp1:
0x1f: {  	_ = 	snop;
	(pc) =	sbr.rel @!p1 .LBB2_7-.Ltmp1, $4  }
0x20: {  	s0 =	simm.s32 @!p0 $0x5  }
0x21: {  	_ =	swait.ge @!p0 [sflag:s0], $0x100  }
0x22: {  	[sflag:s0] =	ssyncset.done @!p0 $0x0  }
0x23: {  	[sflag:s0] =	ssyncadd.s32 @!p0 $0xFFFFFF00  }
.LBB2_1:
0x24: {  	[tilespmem:s4], [sflag:$0x1] =	stream.linear.gather [hbm4b:s7+s4], $0x80, $0x38;
	[tilespmem:$0x19280] =	vst v63  }
0x25: {  	_ = 	snop  }
0x26: {  	[tilespmem:s17], [sflag:$0x2] =	stream.linear.gather [hbm4b:s8+s4], $0x80, $0x38;
	[tilespmem:$0x19280] =	vst v63  }
0x27: {  	_ = 	snop  }
0x28: {  	[tilespmem:s18], [sflag:$0x3] =	stream.linear.gather [hbm4b:s9+s4], $0x80, $0x38;
	[tilespmem:$0x19280] =	vst v63  }
0x29: {  	_ = 	snop  }
0x2a: {  	[tilespmem:s19], [sflag:$0x4] =	stream.linear.gather [hbm4b:s10+s4], $0x80, $0x38;
	[tilespmem:$0x19280] =	vst v63  }
0x2b: {  	s0 =	rddreg [dreg:$0x1]  }
0x2c: {  	[tilespmem:s20], [sflag:$0x5] =	stream.linear.gather [hbm4b:s0+s4], $0x4000, $0x38;
	[tilespmem:$0x19280] =	vst v63  }
0x2d: {  	_ =	swait.ge [sflag:s21], $0x4000  }
0x2e: {  	[sflag:s21] =	ssyncset.done $0x0  }
0x2f: {  	[sflag:s21] =	ssyncadd.s32 $0xFFFFC000  }
0x30: {  	[tilespmem:s22], [sflag:$0x5] =	stream.linear.gather [hbm4b:s6+s4], $0x800, $0x38;
	[tilespmem:$0x19280] =	vst v63  }
0x31: {  	_ =	swait.ge [sflag:s21], $0x800  }
0x32: {  	[sflag:s21] =	ssyncset.done $0x0  }
0x33: {  	s28 =	sadd.s32 $0x0, s11;
	[sflag:s21] =	ssyncadd.s32 $0xFFFFF800  }
0x34: {  	[spmem:s28] =	stream.linear.scatter [tilespmem:s22], [sflag:$0x5], $0x800, $0x38;
	[tilespmem:$0x19280] =	vst v63  }
0x35: {  	s28 =	simm.s32 $0x2000;
	_ =	swait.ge [sflag:s21], $0x800  }
.LBB2_2:
0x36: {  	s29 =	sshra.s32 s28, $0x2;
	[sflag:s21] =	ssyncset.done $0x0;
	p1 =	sne.s32 s28, $0x4C000  }
.Ltmp2:
0x37: {  	s29 =	sadd.s32 s29, s11;
	[sflag:s21] =	ssyncadd.s32 $0xFFFFF800;
	(pc) =	sbr.rel @p1 .LBB2_2-.Ltmp2, $3  }
0x38: {  	[spmem:s29] =	stream.linear.scatter [tilespmem:s22], [sflag:$0x5], $0x800, $0x38;
	[tilespmem:$0x19280] =	vst v63  }
0x39: {  	s28 =	sadd.s32 $0x2000, s28;
	_ =	sdelay $0x1  }
0x3a: {  	_ =	swait.ge [sflag:s21], $0x800  }
0x3b: {  	[sflag:s21] =	ssyncset.done $0x0  }
0x3c: {  	s28 =	simm.s32 @!p0 $0x4200;
	[sflag:s21] =	ssyncadd.s32 $0xFFFFF800  }
0x3d: {  	[spmem:s12] =	stream.linear.scatter @!p0 [tilespmem:s28], [sflag:$0x5], $0x800, $0x38;
	[tilespmem:$0x19280] =	vst v63  }
0x3e: {  	s28 =	simm.s32 @!p0 $0x5  }
0x3f: {  	_ =	swait.ge @!p0 [sflag:s28], $0x800  }
0x40: {  	[sflag:s28] =	ssyncset.done @!p0 $0x0  }
0x41: {  	[sflag:s28] =	ssyncadd.s32 @!p0 $0xFFFFF800  }
0x42: {  	s28 =	simm.s32 $0x70;
	[bflag:$0x0] =	sbarrier.arrive $0xFFFF  }
.LBB2_4:
0x43: {  	_ =	swait.ge [sflag:s23], $0x80  }
0x44: {  	[sflag:s23] =	ssyncset.done $0x0  }
0x45: {  	[sflag:s23] =	ssyncadd.s32 $0xFFFFFF80  }
0x46: {  	[spmem:s2] =	stream.indirect.scatter.add.f32 [tilespmem:s20], [sflag:$0x5], $0x80, s4, s17, $0xb8;
	[tilespmem:$0x19280] =	vst v63  }
0x47: {  	_ =	swait.ge [sflag:s21], $0x4000  }
0x48: {  	p1 =	seq.s32 s28, $0x530;
	[sflag:s21] =	ssyncset.done $0x0  }
0x49: {  	s29 =	simm.s32 @p1 $0x2;
	[sflag:s21] =	ssyncadd.s32 $0xFFFFC000  }
0x4a: {  	_ =	swait.ge @p1 [sflag:s29], $0x80  }
0x4b: {  	[sflag:s29] =	ssyncset.done @p1 $0x0  }
0x4c: {  	s30 =	simm.s32 @p1 $0x200;
	[sflag:s29] =	ssyncadd.s32 @p1 $0xFFFFFF80;
	s29 =	simm.s32 @p1 $0x80  }
0x4d: {  	[spmem:s2] =	stream.indirect.scatter.add.f32 @p1 [tilespmem:s30], [sflag:$0x5], $0x80, s29, s29, $0xb8;
	[tilespmem:$0x19280] =	vst v63  }
0x4e: {  	s31 =	sadd.s32 @!p1 $0xFFFFFFD0, s28;
	s29 =	simm.s32 @p1 $0x5;
	s30 =	sadd.s32 @!p1 s28, s16  }
0x4f: {  	s31 =	sand.u32 @!p1 $0x40, s31;
	_ =	swait.ge @p1 [sflag:s29], $0x4000;
	s0 =	sadd.s32 @!p1 $0xFFFFFFD0, s30  }
0x50: {  	s31 =	sadd.s32 @!p1 s5, s31;
	[sflag:s29] =	ssyncset.done @p1 $0x0;
	s0 =	sand.u32 @!p1 $0xFFFFF80, s0  }
0x51: {  	[sflag:s29] =	ssyncadd.s32 @p1 $0xFFFFC000;
	s0 =	sadd.s32 @!p1 s0, s31;
	s29 =	simm.s32 @!p1 $0x0  }
0x52: {  	[tilespmem:s29], [sflag:$0x1] =	stream.linear.gather @!p1 [hbm4b:s0+s29], $0x80, $0x38;
	[tilespmem:$0x19280] =	vst v63  }
0x53: {  	s0 =	simm.s32 @!p1 $0x2  }
0x54: {  	_ =	swait.ge @!p1 [sflag:s0], $0x80  }
0x55: {  	[sflag:s0] =	ssyncset.done @!p1 $0x0  }
0x56: {  	s31 =	simm.s32 @!p1 $0x200;
	[sflag:s0] =	ssyncadd.s32 @!p1 $0xFFFFFF80;
	s0 =	simm.s32 @!p1 $0x80  }
0x57: {  	[spmem:s2] =	stream.indirect.scatter.add.f32 @!p1 [tilespmem:s31], [sflag:$0x5], $0x80, s0, s0, $0xb8;
	[tilespmem:$0x19280] =	vst v63  }
0x58: {  	s1 =	sadd.s32 @!p1 $0xFFFFFFE0, s28;
	s31 =	simm.s32 @!p1 $0x5  }
0x59: {  	s1 =	sand.u32 @!p1 $0x50, s1;
	s30 =	sadd.s32 @!p1 $0xFFFFFFE0, s30;
	_ =	swait.ge @!p1 [sflag:s31], $0x4000  }
0x5a: {  	s1 =	sadd.s32 @!p1 s5, s1;
	s30 =	sand.u32 @!p1 $0xFFFFF80, s30;
	[sflag:s31] =	ssyncset.done @!p1 $0x0  }
0x5b: {  	s1 =	sadd.s32 @!p1 s30, s1;
	[sflag:s31] =	ssyncadd.s32 @!p1 $0xFFFFC000  }
0x5c: {  	[tilespmem:s0], [sflag:$0x2] =	stream.linear.gather @!p1 [hbm4b:s1+s29], $0x80, $0x38;
	[tilespmem:$0x19280] =	vst v63  }
0x5d: {  	_ =	swait.ge [sflag:s24], $0x80  }
0x5e: {  	[sflag:s24] =	ssyncset.done $0x0  }
.Ltmp3:
0x5f: {  	[sflag:s24] =	ssyncadd.s32 $0xFFFFFF80;
	(pc) =	sbr.rel @p1 .LBB2_6-.Ltmp3, $4  }
0x60: {  	[spmem:s2] =	stream.indirect.scatter.add.f32 [tilespmem:s20], [sflag:$0x5], $0x80, s18, s17, $0xb8;
	[tilespmem:$0x19280] =	vst v63  }
0x61: {  	_ =	swait.ge [sflag:s21], $0x4000  }
0x62: {  	[sflag:s21] =	ssyncset.done $0x0  }
0x63: {  	[sflag:s21] =	ssyncadd.s32 $0xFFFFC000  }
0x64: {  	s0 =	sadd.s32 s28, s16;
	s1 =	sadd.s32 $0xFFFFFFF0, s28  }
0x65: {  	s29 =	sadd.s32 $0xFFFFFFF0, s0;
	s1 =	sand.u32 $0x60, s1  }
0x66: {  	s29 =	sand.u32 $0xFFFFF80, s29;
	s1 =	sadd.s32 s5, s1  }
0x67: {  	s1 =	sadd.s32 s29, s1  }
0x68: {  	[tilespmem:s18], [sflag:$0x3] =	stream.linear.gather [hbm4b:s1+s4], $0x80, $0x38;
	[tilespmem:$0x19280] =	vst v63  }
0x69: {  	_ =	swait.ge [sflag:s25], $0x80  }
0x6a: {  	[sflag:s25] =	ssyncset.done $0x0  }
0x6b: {  	[sflag:s25] =	ssyncadd.s32 $0xFFFFFF80  }
0x6c: {  	[spmem:s2] =	stream.indirect.scatter.add.f32 [tilespmem:s20], [sflag:$0x5], $0x80, s19, s17, $0xb8;
	[tilespmem:$0x19280] =	vst v63  }
.Ltmp4:
0x6d: {  	_ = 	snop;
	(pc) =	sbr.rel .LBB2_4-.Ltmp4, $4  }
0x6e: {  	s31 =	sand.u32 $0x70, s28;
	_ =	swait.ge [sflag:s21], $0x4000  }
0x6f: {  	s0 =	sand.u32 $0xFFFFF80, s0;
	s1 =	sadd.s32 s5, s31;
	[sflag:s21] =	ssyncset.done $0x0  }
0x70: {  	s28 =	sadd.s32 $0x40, s28;
	s0 =	sadd.s32 s0, s1;
	[sflag:s21] =	ssyncadd.s32 $0xFFFFC000  }
0x71: {  	[tilespmem:s19], [sflag:$0x4] =	stream.linear.gather [hbm4b:s0+s4], $0x80, $0x38;
	[tilespmem:$0x19280] =	vst v63  }
.LBB2_7:
0x72: {  	_ =	sfence.sel $0x180000  }
0x73: {  	[bflag:$0x0] =	sbarrier.arrive $0xFFFF  }
0x74: {  	_ =	strace $0x90000047  }
0x75: {  	[bflag:$0x2] =	sbarrier.arrive $0xFFFF  }
0x76: {  	p0 =	sne.s32 s3, $0x0;
	s0 =	rddreg [dreg:$0x3]  }
0x77: {  	s0 =	sadd.s32 @!p0 $0x100000, s0  }
0x78: {  	[sflag:s0] =	ssyncadd.tile.s32 @!p0 $0x1;
	_ =	shalt  }
.Lfunc_end2:
_tile_overlayer_lowered:
.L_overlay_start_2:
0x79: {  	(tag) =	ssettag $0x2  }
0x7a: {  	s0 =	rddreg [dreg:$0x0];
	s2 =	stileid.u32  }
0x7b: {  	s1 =	rddreg [dreg:$0x1];
	p0 =	sne.s32 s2, $0x0  }
0x7c: {  	s3 =	rddreg [dreg:$0x2];
	[bflag:$0x3] =	sbarrier.arrive $0xFFFF;
	s2 =	simm.s32 @!p0 $0x1C05  }
0x7d: {  	[timem:s3], [sflag:s2] =	dma.local @!p0 [hbm:s0], s1  }
0x7e: {  	s0 =	simm.s32 @!p0 $0x5  }
0x7f: {  	_ =	swait.ge @!p0 [sflag:s0], s1  }
0x80: {  	s1 =	ssub.s32 @!p0 $0x0, s1;
	[sflag:s0] =	ssyncset.done @!p0 $0x0  }
0x81: {  	[sflag:s0] =	ssyncadd.s32 @!p0 s1  }
0x82: {  	[bflag:$0x3] =	sbarrier.arrive $0xFFFF  }
0x83: {  	_ =	shalt  }

</sc_bundles>
